<compile_context>
chip_gen: v7x
topology: tpu7x:2x2x1
jax: 0.10.2.dev20260603
libtpu: 0.0.44.dev20260713+nightly
codegen_flags: <defaults>
</compile_context>

<pallas_src>
import dataclasses
import functools

import jax
import jax.numpy as jnp
from jax import lax
from jax.experimental import pallas as pl
from jax.experimental.pallas import tpu as pltpu
from jax.experimental.pallas import tpu_sc as plsc

_NUM_CLASSES = 100000
_HIDDEN = 128
_B = 16384
_NC, _NS, _L = 2, 16, 16
_NW = _NC * _NS
_BPW = _B // _NW
_CH = 16
_NCH = _BPW // _CH
_GCH = 8


def kernel(labels, force_drop_ids, embedding_table):
    mesh = plsc.VectorSubcoreMesh(core_axis_name="c", subcore_axis_name="s")
    cp = pltpu.CompilerParams()
    if "needs_layout_passes" in pltpu.CompilerParams.__dataclass_fields__:
        cp = dataclasses.replace(cp, needs_layout_passes=False)

    @functools.partial(
        pl.kernel,
        mesh=mesh,
        compiler_params=cp,
        out_type=jax.ShapeDtypeStruct((_B, _HIDDEN), jnp.float32),
        scratch_types=[
            pltpu.VMEM((_BPW,), jnp.int32),
            pltpu.VMEM((_BPW,), jnp.int32),
            pltpu.VMEM((_BPW,), jnp.int32),
            pltpu.VMEM((_BPW,), jnp.int32),
            pltpu.VMEM((_CH, _HIDDEN), jnp.float32),
            pltpu.VMEM((_BPW, _HIDDEN), jnp.float32),
            pltpu.SemaphoreType.DMA,
            pltpu.SemaphoreType.DMA,
        ],
    )
    def emb_kernel(table_hbm, labels_hbm, drop_hbm, out_hbm,
                   lab_v, drop_v, cidx_f, cpos_f,
                   null_rep, rows_v, gsem, ssem):
        wid = lax.axis_index("s") * _NC + lax.axis_index("c")
        base = wid * _BPW
        in_cps = [
            pltpu.async_copy(labels_hbm.at[pl.ds(base, _BPW)], lab_v, gsem),
            pltpu.async_copy(drop_hbm.at[pl.ds(base, _BPW)], drop_v, gsem),
            pltpu.async_copy(table_hbm.at[pl.ds(_NUM_CLASSES, 1)],
                             null_rep.at[pl.ds(0, 1)], gsem),
        ]
        for cp_ in in_cps:
            cp_.wait()

        for h in range(0, _HIDDEN, _L):
            val = null_rep[0, pl.ds(h, _L)]
            for r in range(1, _CH):
                null_rep[r, pl.ds(h, _L)] = val

        lane = lax.iota(jnp.int32, _L)
        one = jnp.full((_L,), 1, jnp.int32)

        nulls = jnp.full((_L,), _NUM_CLASSES, jnp.int32)
        for c in range(0, _BPW, _L):
            cidx_f[pl.ds(c, _L)] = nulls

        koff = jnp.int32(0)
        dback = jnp.int32(_BPW)
        for c in range(0, _BPW, _L):
            lab = lab_v[pl.ds(c, _L)]
            drp = drop_v[pl.ds(c, _L)]
            keep = drp == 0
            drop = drp != 0
            pos = lane + (base + c)
            kslot = koff + plsc.cumsum(one, mask=keep) - 1
            plsc.store_scatter(cidx_f, [kslot], lab, mask=keep)
            plsc.store_scatter(cpos_f, [kslot], pos, mask=keep)
            dslot = dback - plsc.cumsum(one, mask=drop)
            plsc.store_scatter(cpos_f, [dslot], pos, mask=drop)
            nk = jnp.max(plsc.all_reduce_population_count(keep))
            koff = koff + nk
            dback = dback - (_L - nk)
        n_kept = koff

        n_g = (n_kept + (_CH - 1)) // _CH
        n_g8 = n_g * (_CH // _GCH)

        def gather_issue(j, _):
            pltpu.async_copy(table_hbm.at[cidx_f.at[pl.ds(j * _GCH, _GCH)]],
                             rows_v.at[pl.ds(j * _GCH, _GCH)], gsem)
            return _
        lax.fori_loop(0, n_g8, gather_issue, 0)

        def null_issue(j, _):
            pltpu.async_copy(null_rep, out_hbm.at[cpos_f.at[pl.ds(j * _CH, _CH)]], ssem)
            return _
        lax.fori_loop(n_g, _NCH, null_issue, 0)

        def gather_drain(j, _):
            pltpu.make_async_copy(table_hbm.at[pl.ds(0, _GCH)],
                                  rows_v.at[pl.ds(0, _GCH)], gsem).wait()
            return _

        def row_issue(j, _):
            pltpu.async_copy(rows_v.at[pl.ds(j * _GCH, _GCH)],
                             out_hbm.at[cpos_f.at[pl.ds(j * _GCH, _GCH)]],
                             ssem)
            return _

        for w in range(4):
            lo = (n_g8 * w) // 4
            hi = (n_g8 * (w + 1)) // 4
            lax.fori_loop(lo, hi, gather_drain, 0)
            lax.fori_loop(lo, hi, row_issue, 0)

        def row_drain(j, _):
            pltpu.make_async_copy(rows_v.at[pl.ds(0, _GCH)],
                                  out_hbm.at[cpos_f.at[pl.ds(0, _GCH)]],
                                  ssem).wait()
            return _
        lax.fori_loop(0, n_g8, row_drain, 0)

        def null_drain(j, _):
            pltpu.make_async_copy(null_rep,
                                  out_hbm.at[cpos_f.at[pl.ds(0, _CH)]],
                                  ssem).wait()
            return _
        lax.fori_loop(n_g, _NCH, null_drain, 0)

    return emb_kernel(embedding_table, labels, force_drop_ids)

# --- scband reference (transcript-rebuilt; emitter-appended) ---
"""Pipeline reference for scband-label-embedder-17540646436892 (READ-ONLY COPY).

The authoritative reference and input builder live on the scoring server;
editing this copy changes nothing except your own understanding.
"""

import jax, jax.numpy as jnp
import numpy as np

NUM_CLASSES = 100000
HIDDEN_SIZE = 128

def setup_inputs(seed: int = 0) -> dict:
    key = jax.random.key(seed)
    k1, k2, k3 = jax.random.split(key, 3)
    labels = jax.random.randint(k1, (16384,), 0, NUM_CLASSES, dtype=jnp.int64 if jax.config.jax_enable_x64 else jnp.int32)
    force_drop_ids = jax.random.randint(k2, (16384,), 0, 2, dtype=jnp.int64 if jax.config.jax_enable_x64 else jnp.int32)
    embedding_table = jax.random.normal(k3, (NUM_CLASSES + 1, HIDDEN_SIZE), dtype=jnp.float32)
    return {"labels": labels, "force_drop_ids": force_drop_ids, "embedding_table": embedding_table}

def reference(labels, force_drop_ids, embedding_table):
    # token_drop with force_drop_ids provided: drop_ids = force_drop_ids.bool()
    drop_ids = force_drop_ids.astype(bool)
    labels = jnp.where(drop_ids, NUM_CLASSES, labels)
    # embedding lookup (gather)
    return jnp.take(embedding_table, labels, axis=0)

if __name__ == "__main__":
    import jax
    _d = setup_inputs()
    print(jax.jit(kernel)(*tuple(_d.values())))

</pallas_src>

<mosaic_0001>
#map = affine_map<(d0, d1) -> (0, 0)>
#map1 = affine_map<(d0, d1) -> (0)>
module attributes {stable_mosaic.version = 14 : i64} {
  func.func @emb_kernel(%arg0: i32, %arg1: i32, %arg2: memref<100001x128xf32, #tpu.memory_space<hbm>>, %arg3: memref<16384xi32, #tpu.memory_space<hbm>>, %arg4: memref<16384xi32, #tpu.memory_space<hbm>>, %arg5: memref<16384x128xf32, #tpu.memory_space<hbm>>, %arg6: memref<512xi32, #tpu.memory_space<vmem>>, %arg7: memref<512xi32, #tpu.memory_space<vmem>>, %arg8: memref<512xi32, #tpu.memory_space<vmem>>, %arg9: memref<512xi32, #tpu.memory_space<vmem>>, %arg10: memref<16x128xf32, #tpu.memory_space<vmem>>, %arg11: memref<512x128xf32, #tpu.memory_space<vmem>>, %arg12: memref<!tpu.dma_semaphore, #tpu.memory_space<semaphore_mem>>, %arg13: memref<!tpu.dma_semaphore, #tpu.memory_space<semaphore_mem>>) attributes {dimension_semantics = [#tpu.dimension_semantics<core_parallel>, #tpu.dimension_semantics<subcore_parallel>], iteration_bounds = array<i64: 2, 16>, scalar_prefetch = 0 : i64, scratch_operands = 8 : i64, tpu.core_type = #tpu.core_type<sc_vector_subcore>, window_params = [{transform_indices = #map}, {transform_indices = #map1}, {transform_indices = #map1}, {transform_indices = #map}]} {
    %mul3A = arith.constant 2 : i32
    %mul3A_0 = arith.muli %arg1, %mul3A : i32
    %add3A = arith.addi %mul3A_0, %arg0 : i32
    %mul3A_1 = arith.constant 512 : i32
    %mul3A_2 = arith.muli %add3A, %mul3A_1 : i32
    %dma_start3A = tpu.memref_slice %arg3[%mul3A_2] : memref<16384xi32, #tpu.memory_space<hbm>> -> memref<512xi32, #tpu.memory_space<hbm>>
    %dma_start3A_3 = tpu.memref_slice %arg3[%mul3A_2] : memref<16384xi32, #tpu.memory_space<hbm>> -> memref<512xi32, #tpu.memory_space<hbm>>
    tpu.enqueue_dma source(%dma_start3A_3 : memref<512xi32, #tpu.memory_space<hbm>>) target(%arg6 : memref<512xi32, #tpu.memory_space<vmem>>) target_semaphore(%arg12 : memref<!tpu.dma_semaphore, #tpu.memory_space<semaphore_mem>>)
    %dma_start3A_4 = tpu.memref_slice %arg4[%mul3A_2] : memref<16384xi32, #tpu.memory_space<hbm>> -> memref<512xi32, #tpu.memory_space<hbm>>
    %dma_start3A_5 = tpu.memref_slice %arg4[%mul3A_2] : memref<16384xi32, #tpu.memory_space<hbm>> -> memref<512xi32, #tpu.memory_space<hbm>>
    tpu.enqueue_dma source(%dma_start3A_5 : memref<512xi32, #tpu.memory_space<hbm>>) target(%arg7 : memref<512xi32, #tpu.memory_space<vmem>>) target_semaphore(%arg12 : memref<!tpu.dma_semaphore, #tpu.memory_space<semaphore_mem>>)
    %dma_start3A_6 = arith.constant 0 : i32
    %dma_start3A_7 = arith.constant 0 : i32
    %dma_start3A_8 = tpu.memref_slice %arg10[%dma_start3A_6, %dma_start3A_7] : memref<16x128xf32, #tpu.memory_space<vmem>> -> memref<1x128xf32, #tpu.memory_space<vmem>>
    %dma_start3A_9 = arith.constant 100000 : i32
    %dma_start3A_10 = arith.constant 0 : i32
    %dma_start3A_11 = tpu.memref_slice %arg2[%dma_start3A_9, %dma_start3A_10] : memref<100001x128xf32, #tpu.memory_space<hbm>> -> memref<1x128xf32, #tpu.memory_space<hbm>>
    %dma_start3A_12 = arith.constant 0 : i32
    %dma_start3A_13 = arith.constant 0 : i32
    %dma_start3A_14 = tpu.memref_slice %arg10[%dma_start3A_12, %dma_start3A_13] : memref<16x128xf32, #tpu.memory_space<vmem>> -> memref<1x128xf32, #tpu.memory_space<vmem>>
    %dma_start3A_15 = arith.constant 100000 : i32
    %dma_start3A_16 = arith.constant 0 : i32
    %dma_start3A_17 = tpu.memref_slice %arg2[%dma_start3A_15, %dma_start3A_16] : memref<100001x128xf32, #tpu.memory_space<hbm>> -> memref<1x128xf32, #tpu.memory_space<hbm>>
    tpu.enqueue_dma source(%dma_start3A_17 : memref<1x128xf32, #tpu.memory_space<hbm>>) target(%dma_start3A_14 : memref<1x128xf32, #tpu.memory_space<vmem>>) target_semaphore(%arg12 : memref<!tpu.dma_semaphore, #tpu.memory_space<semaphore_mem>>)
    %dma_wait3A = tpu.memref_slice %arg3[%mul3A_2] : memref<16384xi32, #tpu.memory_space<hbm>> -> memref<512xi32, #tpu.memory_space<hbm>>
    %dma_wait3A_18 = tpu.memref_slice %arg3[%mul3A_2] : memref<16384xi32, #tpu.memory_space<hbm>> -> memref<512xi32, #tpu.memory_space<hbm>>
    tpu.wait_dma2 semaphore(%arg12 : memref<!tpu.dma_semaphore, #tpu.memory_space<semaphore_mem>>) src(%dma_wait3A_18 : memref<512xi32, #tpu.memory_space<hbm>>) dst(%arg6 : memref<512xi32, #tpu.memory_space<vmem>>)
    %dma_wait3A_19 = tpu.memref_slice %arg4[%mul3A_2] : memref<16384xi32, #tpu.memory_space<hbm>> -> memref<512xi32, #tpu.memory_space<hbm>>
    %dma_wait3A_20 = tpu.memref_slice %arg4[%mul3A_2] : memref<16384xi32, #tpu.memory_space<hbm>> -> memref<512xi32, #tpu.memory_space<hbm>>
    tpu.wait_dma2 semaphore(%arg12 : memref<!tpu.dma_semaphore, #tpu.memory_space<semaphore_mem>>) src(%dma_wait3A_20 : memref<512xi32, #tpu.memory_space<hbm>>) dst(%arg7 : memref<512xi32, #tpu.memory_space<vmem>>)
    %dma_wait3A_21 = arith.constant 0 : i32
    %dma_wait3A_22 = arith.constant 0 : i32
    %dma_wait3A_23 = tpu.memref_slice %arg10[%dma_wait3A_21, %dma_wait3A_22] : memref<16x128xf32, #tpu.memory_space<vmem>> -> memref<1x128xf32, #tpu.memory_space<vmem>>
    %dma_wait3A_24 = arith.constant 100000 : i32
    %dma_wait3A_25 = arith.constant 0 : i32
    %dma_wait3A_26 = tpu.memref_slice %arg2[%dma_wait3A_24, %dma_wait3A_25] : memref<100001x128xf32, #tpu.memory_space<hbm>> -> memref<1x128xf32, #tpu.memory_space<hbm>>
    %dma_wait3A_27 = arith.constant 0 : i32
    %dma_wait3A_28 = arith.constant 0 : i32
    %dma_wait3A_29 = tpu.memref_slice %arg10[%dma_wait3A_27, %dma_wait3A_28] : memref<16x128xf32, #tpu.memory_space<vmem>> -> memref<1x128xf32, #tpu.memory_space<vmem>>
    %dma_wait3A_30 = arith.constant 100000 : i32
    %dma_wait3A_31 = arith.constant 0 : i32
    %dma_wait3A_32 = tpu.memref_slice %arg2[%dma_wait3A_30, %dma_wait3A_31] : memref<100001x128xf32, #tpu.memory_space<hbm>> -> memref<1x128xf32, #tpu.memory_space<hbm>>
    tpu.wait_dma2 semaphore(%arg12 : memref<!tpu.dma_semaphore, #tpu.memory_space<semaphore_mem>>) src(%dma_wait3A_32 : memref<1x128xf32, #tpu.memory_space<hbm>>) dst(%dma_wait3A_29 : memref<1x128xf32, #tpu.memory_space<vmem>>)
    %get3A = arith.constant 0 : i32
    %get3A_33 = arith.index_cast %get3A : i32 to index
    %get3A_34 = arith.constant 0 : index
    %get3A_35 = tpu.vector_load %arg10[%get3A_33, %get3A_34] {strides = array<i32>} : memref<16x128xf32, #tpu.memory_space<vmem>>, vector<16xf32>,
    %swap3A = arith.constant 1 : i32
    %swap3A_36 = arith.index_cast %swap3A : i32 to index
    %swap3A_37 = arith.constant 0 : index
    %swap3A_38 = tpu.vector_load %arg10[%swap3A_36, %swap3A_37] {strides = array<i32>} : memref<16x128xf32, #tpu.memory_space<vmem>>, vector<16xf32>,
    tpu.vector_store %arg10[%swap3A_36, %swap3A_37], %get3A_35 {strides = array<i32>} : memref<16x128xf32, #tpu.memory_space<vmem>>, vector<16xf32>,
    %swap3A_39 = arith.constant 2 : i32
    %swap3A_40 = arith.index_cast %swap3A_39 : i32 to index
    %swap3A_41 = arith.constant 0 : index
    %swap3A_42 = tpu.vector_load %arg10[%swap3A_40, %swap3A_41] {strides = array<i32>} : memref<16x128xf32, #tpu.memory_space<vmem>>, vector<16xf32>,
    tpu.vector_store %arg10[%swap3A_40, %swap3A_41], %get3A_35 {strides = array<i32>} : memref<16x128xf32, #tpu.memory_space<vmem>>, vector<16xf32>,
    %swap3A_43 = arith.constant 3 : i32
    %swap3A_44 = arith.index_cast %swap3A_43 : i32 to index
    %swap3A_45 = arith.constant 0 : index
    %swap3A_46 = tpu.vector_load %arg10[%swap3A_44, %swap3A_45] {strides = array<i32>} : memref<16x128xf32, #tpu.memory_space<vmem>>, vector<16xf32>,
    tpu.vector_store %arg10[%swap3A_44, %swap3A_45], %get3A_35 {strides = array<i32>} : memref<16x128xf32, #tpu.memory_space<vmem>>, vector<16xf32>,
    %swap3A_47 = arith.constant 4 : i32
    %swap3A_48 = arith.index_cast %swap3A_47 : i32 to index
    %swap3A_49 = arith.constant 0 : index
    %swap3A_50 = tpu.vector_load %arg10[%swap3A_48, %swap3A_49] {strides = array<i32>} : memref<16x128xf32, #tpu.memory_space<vmem>>, vector<16xf32>,
    tpu.vector_store %arg10[%swap3A_48, %swap3A_49], %get3A_35 {strides = array<i32>} : memref<16x128xf32, #tpu.memory_space<vmem>>, vector<16xf32>,
    %swap3A_51 = arith.constant 5 : i32
    %swap3A_52 = arith.index_cast %swap3A_51 : i32 to index
    %swap3A_53 = arith.constant 0 : index
    %swap3A_54 = tpu.vector_load %arg10[%swap3A_52, %swap3A_53] {strides = array<i32>} : memref<16x128xf32, #tpu.memory_space<vmem>>, vector<16xf32>,
    tpu.vector_store %arg10[%swap3A_52, %swap3A_53], %get3A_35 {strides = array<i32>} : memref<16x128xf32, #tpu.memory_space<vmem>>, vector<16xf32>,
    %swap3A_55 = arith.constant 6 : i32
    %swap3A_56 = arith.index_cast %swap3A_55 : i32 to index
    %swap3A_57 = arith.constant 0 : index
    %swap3A_58 = tpu.vector_load %arg10[%swap3A_56, %swap3A_57] {strides = array<i32>} : memref<16x128xf32, #tpu.memory_space<vmem>>, vector<16xf32>,
    tpu.vector_store %arg10[%swap3A_56, %swap3A_57], %get3A_35 {strides = array<i32>} : memref<16x128xf32, #tpu.memory_space<vmem>>, vector<16xf32>,
    %swap3A_59 = arith.constant 7 : i32
    %swap3A_60 = arith.index_cast %swap3A_59 : i32 to index
    %swap3A_61 = arith.constant 0 : index
    %swap3A_62 = tpu.vector_load %arg10[%swap3A_60, %swap3A_61] {strides = array<i32>} : memref<16x128xf32, #tpu.memory_space<vmem>>, vector<16xf32>,
    tpu.vector_store %arg10[%swap3A_60, %swap3A_61], %get3A_35 {strides = array<i32>} : memref<16x128xf32, #tpu.memory_space<vmem>>, vector<16xf32>,
    %swap3A_63 = arith.constant 8 : i32
    %swap3A_64 = arith.index_cast %swap3A_63 : i32 to index
    %swap3A_65 = arith.constant 0 : index
    %swap3A_66 = tpu.vector_load %arg10[%swap3A_64, %swap3A_65] {strides = array<i32>} : memref<16x128xf32, #tpu.memory_space<vmem>>, vector<16xf32>,
    tpu.vector_store %arg10[%swap3A_64, %swap3A_65], %get3A_35 {strides = array<i32>} : memref<16x128xf32, #tpu.memory_space<vmem>>, vector<16xf32>,
    %swap3A_67 = arith.constant 9 : i32
    %swap3A_68 = arith.index_cast %swap3A_67 : i32 to index
    %swap3A_69 = arith.constant 0 : index
    %swap3A_70 = tpu.vector_load %arg10[%swap3A_68, %swap3A_69] {strides = array<i32>} : memref<16x128xf32, #tpu.memory_space<vmem>>, vector<16xf32>,
    tpu.vector_store %arg10[%swap3A_68, %swap3A_69], %get3A_35 {strides = array<i32>} : memref<16x128xf32, #tpu.memory_space<vmem>>, vector<16xf32>,
    %swap3A_71 = arith.constant 10 : i32
    %swap3A_72 = arith.index_cast %swap3A_71 : i32 to index
    %swap3A_73 = arith.constant 0 : index
    %swap3A_74 = tpu.vector_load %arg10[%swap3A_72, %swap3A_73] {strides = array<i32>} : memref<16x128xf32, #tpu.memory_space<vmem>>, vector<16xf32>,
    tpu.vector_store %arg10[%swap3A_72, %swap3A_73], %get3A_35 {strides = array<i32>} : memref<16x128xf32, #tpu.memory_space<vmem>>, vector<16xf32>,
    %swap3A_75 = arith.constant 11 : i32
    %swap3A_76 = arith.index_cast %swap3A_75 : i32 to index
    %swap3A_77 = arith.constant 0 : index
    %swap3A_78 = tpu.vector_load %arg10[%swap3A_76, %swap3A_77] {strides = array<i32>} : memref<16x128xf32, #tpu.memory_space<vmem>>, vector<16xf32>,
    tpu.vector_store %arg10[%swap3A_76, %swap3A_77], %get3A_35 {strides = array<i32>} : memref<16x128xf32, #tpu.memory_space<vmem>>, vector<16xf32>,
    %swap3A_79 = arith.constant 12 : i32
    %swap3A_80 = arith.index_cast %swap3A_79 : i32 to index
    %swap3A_81 = arith.constant 0 : index
    %swap3A_82 = tpu.vector_load %arg10[%swap3A_80, %swap3A_81] {strides = array<i32>} : memref<16x128xf32, #tpu.memory_space<vmem>>, vector<16xf32>,
    tpu.vector_store %arg10[%swap3A_80, %swap3A_81], %get3A_35 {strides = array<i32>} : memref<16x128xf32, #tpu.memory_space<vmem>>, vector<16xf32>,
    %swap3A_83 = arith.constant 13 : i32
    %swap3A_84 = arith.index_cast %swap3A_83 : i32 to index
    %swap3A_85 = arith.constant 0 : index
    %swap3A_86 = tpu.vector_load %arg10[%swap3A_84, %swap3A_85] {strides = array<i32>} : memref<16x128xf32, #tpu.memory_space<vmem>>, vector<16xf32>,
    tpu.vector_store %arg10[%swap3A_84, %swap3A_85], %get3A_35 {strides = array<i32>} : memref<16x128xf32, #tpu.memory_space<vmem>>, vector<16xf32>,
    %swap3A_87 = arith.constant 14 : i32
    %swap3A_88 = arith.index_cast %swap3A_87 : i32 to index
    %swap3A_89 = arith.constant 0 : index
    %swap3A_90 = tpu.vector_load %arg10[%swap3A_88, %swap3A_89] {strides = array<i32>} : memref<16x128xf32, #tpu.memory_space<vmem>>, vector<16xf32>,
    tpu.vector_store %arg10[%swap3A_88, %swap3A_89], %get3A_35 {strides = array<i32>} : memref<16x128xf32, #tpu.memory_space<vmem>>, vector<16xf32>,
    %swap3A_91 = arith.constant 15 : i32
    %swap3A_92 = arith.index_cast %swap3A_91 : i32 to index
    %swap3A_93 = arith.constant 0 : index
    %swap3A_94 = tpu.vector_load %arg10[%swap3A_92, %swap3A_93] {strides = array<i32>} : memref<16x128xf32, #tpu.memory_space<vmem>>, vector<16xf32>,
    tpu.vector_store %arg10[%swap3A_92, %swap3A_93], %get3A_35 {strides = array<i32>} : memref<16x128xf32, #tpu.memory_space<vmem>>, vector<16xf32>,
    %get3A_95 = arith.constant 0 : i32
    %get3A_96 = arith.index_cast %get3A_95 : i32 to index
    %get3A_97 = arith.constant 16 : index
    %get3A_98 = tpu.vector_load %arg10[%get3A_96, %get3A_97] {strides = array<i32>} : memref<16x128xf32, #tpu.memory_space<vmem>>, vector<16xf32>,
    %swap3A_99 = arith.constant 1 : i32
    %swap3A_100 = arith.index_cast %swap3A_99 : i32 to index
    %swap3A_101 = arith.constant 16 : index
    %swap3A_102 = tpu.vector_load %arg10[%swap3A_100, %swap3A_101] {strides = array<i32>} : memref<16x128xf32, #tpu.memory_space<vmem>>, vector<16xf32>,
    tpu.vector_store %arg10[%swap3A_100, %swap3A_101], %get3A_98 {strides = array<i32>} : memref<16x128xf32, #tpu.memory_space<vmem>>, vector<16xf32>,
    %swap3A_103 = arith.constant 2 : i32
    %swap3A_104 = arith.index_cast %swap3A_103 : i32 to index
    %swap3A_105 = arith.constant 16 : index
    %swap3A_106 = tpu.vector_load %arg10[%swap3A_104, %swap3A_105] {strides = array<i32>} : memref<16x128xf32, #tpu.memory_space<vmem>>, vector<16xf32>,
    tpu.vector_store %arg10[%swap3A_104, %swap3A_105], %get3A_98 {strides = array<i32>} : memref<16x128xf32, #tpu.memory_space<vmem>>, vector<16xf32>,
    %swap3A_107 = arith.constant 3 : i32
    %swap3A_108 = arith.index_cast %swap3A_107 : i32 to index
    %swap3A_109 = arith.constant 16 : index
    %swap3A_110 = tpu.vector_load %arg10[%swap3A_108, %swap3A_109] {strides = array<i32>} : memref<16x128xf32, #tpu.memory_space<vmem>>, vector<16xf32>,
    tpu.vector_store %arg10[%swap3A_108, %swap3A_109], %get3A_98 {strides = array<i32>} : memref<16x128xf32, #tpu.memory_space<vmem>>, vector<16xf32>,
    %swap3A_111 = arith.constant 4 : i32
    %swap3A_112 = arith.index_cast %swap3A_111 : i32 to index
    %swap3A_113 = arith.constant 16 : index
    %swap3A_114 = tpu.vector_load %arg10[%swap3A_112, %swap3A_113] {strides = array<i32>} : memref<16x128xf32, #tpu.memory_space<vmem>>, vector<16xf32>,
    tpu.vector_store %arg10[%swap3A_112, %swap3A_113], %get3A_98 {strides = array<i32>} : memref<16x128xf32, #tpu.memory_space<vmem>>, vector<16xf32>,
    %swap3A_115 = arith.constant 5 : i32
    %swap3A_116 = arith.index_cast %swap3A_115 : i32 to index
    %swap3A_117 = arith.constant 16 : index
    %swap3A_118 = tpu.vector_load %arg10[%swap3A_116, %swap3A_117] {strides = array<i32>} : memref<16x128xf32, #tpu.memory_space<vmem>>, vector<16xf32>,
    tpu.vector_store %arg10[%swap3A_116, %swap3A_117], %get3A_98 {strides = array<i32>} : memref<16x128xf32, #tpu.memory_space<vmem>>, vector<16xf32>,
    %swap3A_119 = arith.constant 6 : i32
    %swap3A_120 = arith.index_cast %swap3A_119 : i32 to index
    %swap3A_121 = arith.constant 16 : index
    %swap3A_122 = tpu.vector_load %arg10[%swap3A_120, %swap3A_121] {strides = array<i32>} : memref<16x128xf32, #tpu.memory_space<vmem>>, vector<16xf32>,
    tpu.vector_store %arg10[%swap3A_120, %swap3A_121], %get3A_98 {strides = array<i32>} : memref<16x128xf32, #tpu.memory_space<vmem>>, vector<16xf32>,
    %swap3A_123 = arith.constant 7 : i32
    %swap3A_124 = arith.index_cast %swap3A_123 : i32 to index
    %swap3A_125 = arith.constant 16 : index
    %swap3A_126 = tpu.vector_load %arg10[%swap3A_124, %swap3A_125] {strides = array<i32>} : memref<16x128xf32, #tpu.memory_space<vmem>>, vector<16xf32>,
    tpu.vector_store %arg10[%swap3A_124, %swap3A_125], %get3A_98 {strides = array<i32>} : memref<16x128xf32, #tpu.memory_space<vmem>>, vector<16xf32>,
    %swap3A_127 = arith.constant 8 : i32
    %swap3A_128 = arith.index_cast %swap3A_127 : i32 to index
    %swap3A_129 = arith.constant 16 : index
    %swap3A_130 = tpu.vector_load %arg10[%swap3A_128, %swap3A_129] {strides = array<i32>} : memref<16x128xf32, #tpu.memory_space<vmem>>, vector<16xf32>,
    tpu.vector_store %arg10[%swap3A_128, %swap3A_129], %get3A_98 {strides = array<i32>} : memref<16x128xf32, #tpu.memory_space<vmem>>, vector<16xf32>,
    %swap3A_131 = arith.constant 9 : i32
    %swap3A_132 = arith.index_cast %swap3A_131 : i32 to index
    %swap3A_133 = arith.constant 16 : index
    %swap3A_134 = tpu.vector_load %arg10[%swap3A_132, %swap3A_133] {strides = array<i32>} : memref<16x128xf32, #tpu.memory_space<vmem>>, vector<16xf32>,
    tpu.vector_store %arg10[%swap3A_132, %swap3A_133], %get3A_98 {strides = array<i32>} : memref<16x128xf32, #tpu.memory_space<vmem>>, vector<16xf32>,
    %swap3A_135 = arith.constant 10 : i32
    %swap3A_136 = arith.index_cast %swap3A_135 : i32 to index
    %swap3A_137 = arith.constant 16 : index
    %swap3A_138 = tpu.vector_load %arg10[%swap3A_136, %swap3A_137] {strides = array<i32>} : memref<16x128xf32, #tpu.memory_space<vmem>>, vector<16xf32>,
    tpu.vector_store %arg10[%swap3A_136, %swap3A_137], %get3A_98 {strides = array<i32>} : memref<16x128xf32, #tpu.memory_space<vmem>>, vector<16xf32>,
    %swap3A_139 = arith.constant 11 : i32
    %swap3A_140 = arith.index_cast %swap3A_139 : i32 to index
    %swap3A_141 = arith.constant 16 : index
    %swap3A_142 = tpu.vector_load %arg10[%swap3A_140, %swap3A_141] {strides = array<i32>} : memref<16x128xf32, #tpu.memory_space<vmem>>, vector<16xf32>,
    tpu.vector_store %arg10[%swap3A_140, %swap3A_141], %get3A_98 {strides = array<i32>} : memref<16x128xf32, #tpu.memory_space<vmem>>, vector<16xf32>,
    %swap3A_143 = arith.constant 12 : i32
    %swap3A_144 = arith.index_cast %swap3A_143 : i32 to index
    %swap3A_145 = arith.constant 16 : index
    %swap3A_146 = tpu.vector_load %arg10[%swap3A_144, %swap3A_145] {strides = array<i32>} : memref<16x128xf32, #tpu.memory_space<vmem>>, vector<16xf32>,
    tpu.vector_store %arg10[%swap3A_144, %swap3A_145], %get3A_98 {strides = array<i32>} : memref<16x128xf32, #tpu.memory_space<vmem>>, vector<16xf32>,
    %swap3A_147 = arith.constant 13 : i32
    %swap3A_148 = arith.index_cast %swap3A_147 : i32 to index
    %swap3A_149 = arith.constant 16 : index
    %swap3A_150 = tpu.vector_load %arg10[%swap3A_148, %swap3A_149] {strides = array<i32>} : memref<16x128xf32, #tpu.memory_space<vmem>>, vector<16xf32>,
    tpu.vector_store %arg10[%swap3A_148, %swap3A_149], %get3A_98 {strides = array<i32>} : memref<16x128xf32, #tpu.memory_space<vmem>>, vector<16xf32>,
    %swap3A_151 = arith.constant 14 : i32
    %swap3A_152 = arith.index_cast %swap3A_151 : i32 to index
    %swap3A_153 = arith.constant 16 : index
    %swap3A_154 = tpu.vector_load %arg10[%swap3A_152, %swap3A_153] {strides = array<i32>} : memref<16x128xf32, #tpu.memory_space<vmem>>, vector<16xf32>,
    tpu.vector_store %arg10[%swap3A_152, %swap3A_153], %get3A_98 {strides = array<i32>} : memref<16x128xf32, #tpu.memory_space<vmem>>, vector<16xf32>,
    %swap3A_155 = arith.constant 15 : i32
    %swap3A_156 = arith.index_cast %swap3A_155 : i32 to index
    %swap3A_157 = arith.constant 16 : index
    %swap3A_158 = tpu.vector_load %arg10[%swap3A_156, %swap3A_157] {strides = array<i32>} : memref<16x128xf32, #tpu.memory_space<vmem>>, vector<16xf32>,
    tpu.vector_store %arg10[%swap3A_156, %swap3A_157], %get3A_98 {strides = array<i32>} : memref<16x128xf32, #tpu.memory_space<vmem>>, vector<16xf32>,
    %get3A_159 = arith.constant 0 : i32
    %get3A_160 = arith.index_cast %get3A_159 : i32 to index
    %get3A_161 = arith.constant 32 : index
    %get3A_162 = tpu.vector_load %arg10[%get3A_160, %get3A_161] {strides = array<i32>} : memref<16x128xf32, #tpu.memory_space<vmem>>, vector<16xf32>,
    %swap3A_163 = arith.constant 1 : i32
    %swap3A_164 = arith.index_cast %swap3A_163 : i32 to index
    %swap3A_165 = arith.constant 32 : index
    %swap3A_166 = tpu.vector_load %arg10[%swap3A_164, %swap3A_165] {strides = array<i32>} : memref<16x128xf32, #tpu.memory_space<vmem>>, vector<16xf32>,
    tpu.vector_store %arg10[%swap3A_164, %swap3A_165], %get3A_162 {strides = array<i32>} : memref<16x128xf32, #tpu.memory_space<vmem>>, vector<16xf32>,
    %swap3A_167 = arith.constant 2 : i32
    %swap3A_168 = arith.index_cast %swap3A_167 : i32 to index
    %swap3A_169 = arith.constant 32 : index
    %swap3A_170 = tpu.vector_load %arg10[%swap3A_168, %swap3A_169] {strides = array<i32>} : memref<16x128xf32, #tpu.memory_space<vmem>>, vector<16xf32>,
    tpu.vector_store %arg10[%swap3A_168, %swap3A_169], %get3A_162 {strides = array<i32>} : memref<16x128xf32, #tpu.memory_space<vmem>>, vector<16xf32>,
    %swap3A_171 = arith.constant 3 : i32
    %swap3A_172 = arith.index_cast %swap3A_171 : i32 to index
    %swap3A_173 = arith.constant 32 : index
    %swap3A_174 = tpu.vector_load %arg10[%swap3A_172, %swap3A_173] {strides = array<i32>} : memref<16x128xf32, #tpu.memory_space<vmem>>, vector<16xf32>,
    tpu.vector_store %arg10[%swap3A_172, %swap3A_173], %get3A_162 {strides = array<i32>} : memref<16x128xf32, #tpu.memory_space<vmem>>, vector<16xf32>,
    %swap3A_175 = arith.constant 4 : i32
    %swap3A_176 = arith.index_cast %swap3A_175 : i32 to index
    %swap3A_177 = arith.constant 32 : index
    %swap3A_178 = tpu.vector_load %arg10[%swap3A_176, %swap3A_177] {strides = array<i32>} : memref<16x128xf32, #tpu.memory_space<vmem>>, vector<16xf32>,
    tpu.vector_store %arg10[%swap3A_176, %swap3A_177], %get3A_162 {strides = array<i32>} : memref<16x128xf32, #tpu.memory_space<vmem>>, vector<16xf32>,
    %swap3A_179 = arith.constant 5 : i32
    %swap3A_180 = arith.index_cast %swap3A_179 : i32 to index
    %swap3A_181 = arith.constant 32 : index
    %swap3A_182 = tpu.vector_load %arg10[%swap3A_180, %swap3A_181] {strides = array<i32>} : memref<16x128xf32, #tpu.memory_space<vmem>>, vector<16xf32>,
    tpu.vector_store %arg10[%swap3A_180, %swap3A_181], %get3A_162 {strides = array<i32>} : memref<16x128xf32, #tpu.memory_space<vmem>>, vector<16xf32>,
    %swap3A_183 = arith.constant 6 : i32
    %swap3A_184 = arith.index_cast %swap3A_183 : i32 to index
    %swap3A_185 = arith.constant 32 : index
    %swap3A_186 = tpu.vector_load %arg10[%swap3A_184, %swap3A_185] {strides = array<i32>} : memref<16x128xf32, #tpu.memory_space<vmem>>, vector<16xf32>,
    tpu.vector_store %arg10[%swap3A_184, %swap3A_185], %get3A_162 {strides = array<i32>} : memref<16x128xf32, #tpu.memory_space<vmem>>, vector<16xf32>,
    %swap3A_187 = arith.constant 7 : i32
    %swap3A_188 = arith.index_cast %swap3A_187 : i32 to index
    %swap3A_189 = arith.constant 32 : index
    %swap3A_190 = tpu.vector_load %arg10[%swap3A_188, %swap3A_189] {strides = array<i32>} : memref<16x128xf32, #tpu.memory_space<vmem>>, vector<16xf32>,
    tpu.vector_store %arg10[%swap3A_188, %swap3A_189], %get3A_162 {strides = array<i32>} : memref<16x128xf32, #tpu.memory_space<vmem>>, vector<16xf32>,
    %swap3A_191 = arith.constant 8 : i32
    %swap3A_192 = arith.index_cast %swap3A_191 : i32 to index
    %swap3A_193 = arith.constant 32 : index
    %swap3A_194 = tpu.vector_load %arg10[%swap3A_192, %swap3A_193] {strides = array<i32>} : memref<16x128xf32, #tpu.memory_space<vmem>>, vector<16xf32>,
    tpu.vector_store %arg10[%swap3A_192, %swap3A_193], %get3A_162 {strides = array<i32>} : memref<16x128xf32, #tpu.memory_space<vmem>>, vector<16xf32>,
    %swap3A_195 = arith.constant 9 : i32
    %swap3A_196 = arith.index_cast %swap3A_195 : i32 to index
    %swap3A_197 = arith.constant 32 : index
    %swap3A_198 = tpu.vector_load %arg10[%swap3A_196, %swap3A_197] {strides = array<i32>} : memref<16x128xf32, #tpu.memory_space<vmem>>, vector<16xf32>,
    tpu.vector_store %arg10[%swap3A_196, %swap3A_197], %get3A_162 {strides = array<i32>} : memref<16x128xf32, #tpu.memory_space<vmem>>, vector<16xf32>,
    %swap3A_199 = arith.constant 10 : i32
    %swap3A_200 = arith.index_cast %swap3A_199 : i32 to index
    %swap3A_201 = arith.constant 32 : index
    %swap3A_202 = tpu.vector_load %arg10[%swap3A_200, %swap3A_201] {strides = array<i32>} : memref<16x128xf32, #tpu.memory_space<vmem>>, vector<16xf32>,
    tpu.vector_store %arg10[%swap3A_200, %swap3A_201], %get3A_162 {strides = array<i32>} : memref<16x128xf32, #tpu.memory_space<vmem>>, vector<16xf32>,
    %swap3A_203 = arith.constant 11 : i32
    %swap3A_204 = arith.index_cast %swap3A_203 : i32 to index
    %swap3A_205 = arith.constant 32 : index
    %swap3A_206 = tpu.vector_load %arg10[%swap3A_204, %swap3A_205] {strides = array<i32>} : memref<16x128xf32, #tpu.memory_space<vmem>>, vector<16xf32>,
    tpu.vector_store %arg10[%swap3A_204, %swap3A_205], %get3A_162 {strides = array<i32>} : memref<16x128xf32, #tpu.memory_space<vmem>>, vector<16xf32>,
    %swap3A_207 = arith.constant 12 : i32
    %swap3A_208 = arith.index_cast %swap3A_207 : i32 to index
    %swap3A_209 = arith.constant 32 : index
    %swap3A_210 = tpu.vector_load %arg10[%swap3A_208, %swap3A_209] {strides = array<i32>} : memref<16x128xf32, #tpu.memory_space<vmem>>, vector<16xf32>,
    tpu.vector_store %arg10[%swap3A_208, %swap3A_209], %get3A_162 {strides = array<i32>} : memref<16x128xf32, #tpu.memory_space<vmem>>, vector<16xf32>,
    %swap3A_211 = arith.constant 13 : i32
    %swap3A_212 = arith.index_cast %swap3A_211 : i32 to index
    %swap3A_213 = arith.constant 32 : index
    %swap3A_214 = tpu.vector_load %arg10[%swap3A_212, %swap3A_213] {strides = array<i32>} : memref<16x128xf32, #tpu.memory_space<vmem>>, vector<16xf32>,
    tpu.vector_store %arg10[%swap3A_212, %swap3A_213], %get3A_162 {strides = array<i32>} : memref<16x128xf32, #tpu.memory_space<vmem>>, vector<16xf32>,
    %swap3A_215 = arith.constant 14 : i32
    %swap3A_216 = arith.index_cast %swap3A_215 : i32 to index
    %swap3A_217 = arith.constant 32 : index
    %swap3A_218 = tpu.vector_load %arg10[%swap3A_216, %swap3A_217] {strides = array<i32>} : memref<16x128xf32, #tpu.memory_space<vmem>>, vector<16xf32>,
    tpu.vector_store %arg10[%swap3A_216, %swap3A_217], %get3A_162 {strides = array<i32>} : memref<16x128xf32, #tpu.memory_space<vmem>>, vector<16xf32>,
    %swap3A_219 = arith.constant 15 : i32
    %swap3A_220 = arith.index_cast %swap3A_219 : i32 to index
    %swap3A_221 = arith.constant 32 : index
    %swap3A_222 = tpu.vector_load %arg10[%swap3A_220, %swap3A_221] {strides = array<i32>} : memref<16x128xf32, #tpu.memory_space<vmem>>, vector<16xf32>,
    tpu.vector_store %arg10[%swap3A_220, %swap3A_221], %get3A_162 {strides = array<i32>} : memref<16x128xf32, #tpu.memory_space<vmem>>, vector<16xf32>,
    %get3A_223 = arith.constant 0 : i32
    %get3A_224 = arith.index_cast %get3A_223 : i32 to index
    %get3A_225 = arith.constant 48 : index
    %get3A_226 = tpu.vector_load %arg10[%get3A_224, %get3A_225] {strides = array<i32>} : memref<16x128xf32, #tpu.memory_space<vmem>>, vector<16xf32>,
    %swap3A_227 = arith.constant 1 : i32
    %swap3A_228 = arith.index_cast %swap3A_227 : i32 to index
    %swap3A_229 = arith.constant 48 : index
    %swap3A_230 = tpu.vector_load %arg10[%swap3A_228, %swap3A_229] {strides = array<i32>} : memref<16x128xf32, #tpu.memory_space<vmem>>, vector<16xf32>,
    tpu.vector_store %arg10[%swap3A_228, %swap3A_229], %get3A_226 {strides = array<i32>} : memref<16x128xf32, #tpu.memory_space<vmem>>, vector<16xf32>,
    %swap3A_231 = arith.constant 2 : i32
    %swap3A_232 = arith.index_cast %swap3A_231 : i32 to index
    %swap3A_233 = arith.constant 48 : index
    %swap3A_234 = tpu.vector_load %arg10[%swap3A_232, %swap3A_233] {strides = array<i32>} : memref<16x128xf32, #tpu.memory_space<vmem>>, vector<16xf32>,
    tpu.vector_store %arg10[%swap3A_232, %swap3A_233], %get3A_226 {strides = array<i32>} : memref<16x128xf32, #tpu.memory_space<vmem>>, vector<16xf32>,
    %swap3A_235 = arith.constant 3 : i32
    %swap3A_236 = arith.index_cast %swap3A_235 : i32 to index
    %swap3A_237 = arith.constant 48 : index
    %swap3A_238 = tpu.vector_load %arg10[%swap3A_236, %swap3A_237] {strides = array<i32>} : memref<16x128xf32, #tpu.memory_space<vmem>>, vector<16xf32>,
    tpu.vector_store %arg10[%swap3A_236, %swap3A_237], %get3A_226 {strides = array<i32>} : memref<16x128xf32, #tpu.memory_space<vmem>>, vector<16xf32>,
    %swap3A_239 = arith.constant 4 : i32
    %swap3A_240 = arith.index_cast %swap3A_239 : i32 to index
    %swap3A_241 = arith.constant 48 : index
    %swap3A_242 = tpu.vector_load %arg10[%swap3A_240, %swap3A_241] {strides = array<i32>} : memref<16x128xf32, #tpu.memory_space<vmem>>, vector<16xf32>,
    tpu.vector_store %arg10[%swap3A_240, %swap3A_241], %get3A_226 {strides = array<i32>} : memref<16x128xf32, #tpu.memory_space<vmem>>, vector<16xf32>,
    %swap3A_243 = arith.constant 5 : i32
    %swap3A_244 = arith.index_cast %swap3A_243 : i32 to index
    %swap3A_245 = arith.constant 48 : index
    %swap3A_246 = tpu.vector_load %arg10[%swap3A_244, %swap3A_245] {strides = array<i32>} : memref<16x128xf32, #tpu.memory_space<vmem>>, vector<16xf32>,
    tpu.vector_store %arg10[%swap3A_244, %swap3A_245], %get3A_226 {strides = array<i32>} : memref<16x128xf32, #tpu.memory_space<vmem>>, vector<16xf32>,
    %swap3A_247 = arith.constant 6 : i32
    %swap3A_248 = arith.index_cast %swap3A_247 : i32 to index
    %swap3A_249 = arith.constant 48 : index
    %swap3A_250 = tpu.vector_load %arg10[%swap3A_248, %swap3A_249] {strides = array<i32>} : memref<16x128xf32, #tpu.memory_space<vmem>>, vector<16xf32>,
    tpu.vector_store %arg10[%swap3A_248, %swap3A_249], %get3A_226 {strides = array<i32>} : memref<16x128xf32, #tpu.memory_space<vmem>>, vector<16xf32>,
    %swap3A_251 = arith.constant 7 : i32
    %swap3A_252 = arith.index_cast %swap3A_251 : i32 to index
    %swap3A_253 = arith.constant 48 : index
    %swap3A_254 = tpu.vector_load %arg10[%swap3A_252, %swap3A_253] {strides = array<i32>} : memref<16x128xf32, #tpu.memory_space<vmem>>, vector<16xf32>,
    tpu.vector_store %arg10[%swap3A_252, %swap3A_253], %get3A_226 {strides = array<i32>} : memref<16x128xf32, #tpu.memory_space<vmem>>, vector<16xf32>,
    %swap3A_255 = arith.constant 8 : i32
    %swap3A_256 = arith.index_cast %swap3A_255 : i32 to index
    %swap3A_257 = arith.constant 48 : index
    %swap3A_258 = tpu.vector_load %arg10[%swap3A_256, %swap3A_257] {strides = array<i32>} : memref<16x128xf32, #tpu.memory_space<vmem>>, vector<16xf32>,
    tpu.vector_store %arg10[%swap3A_256, %swap3A_257], %get3A_226 {strides = array<i32>} : memref<16x128xf32, #tpu.memory_space<vmem>>, vector<16xf32>,
    %swap3A_259 = arith.constant 9 : i32
    %swap3A_260 = arith.index_cast %swap3A_259 : i32 to index
    %swap3A_261 = arith.constant 48 : index
    %swap3A_262 = tpu.vector_load %arg10[%swap3A_260, %swap3A_261] {strides = array<i32>} : memref<16x128xf32, #tpu.memory_space<vmem>>, vector<16xf32>,
    tpu.vector_store %arg10[%swap3A_260, %swap3A_261], %get3A_226 {strides = array<i32>} : memref<16x128xf32, #tpu.memory_space<vmem>>, vector<16xf32>,
    %swap3A_263 = arith.constant 10 : i32
    %swap3A_264 = arith.index_cast %swap3A_263 : i32 to index
    %swap3A_265 = arith.constant 48 : index
    %swap3A_266 = tpu.vector_load %arg10[%swap3A_264, %swap3A_265] {strides = array<i32>} : memref<16x128xf32, #tpu.memory_space<vmem>>, vector<16xf32>,
    tpu.vector_store %arg10[%swap3A_264, %swap3A_265], %get3A_226 {strides = array<i32>} : memref<16x128xf32, #tpu.memory_space<vmem>>, vector<16xf32>,
    %swap3A_267 = arith.constant 11 : i32
    %swap3A_268 = arith.index_cast %swap3A_267 : i32 to index
    %swap3A_269 = arith.constant 48 : index
    %swap3A_270 = tpu.vector_load %arg10[%swap3A_268, %swap3A_269] {strides = array<i32>} : memref<16x128xf32, #tpu.memory_space<vmem>>, vector<16xf32>,
    tpu.vector_store %arg10[%swap3A_268, %swap3A_269], %get3A_226 {strides = array<i32>} : memref<16x128xf32, #tpu.memory_space<vmem>>, vector<16xf32>,
    %swap3A_271 = arith.constant 12 : i32
    %swap3A_272 = arith.index_cast %swap3A_271 : i32 to index
    %swap3A_273 = arith.constant 48 : index
    %swap3A_274 = tpu.vector_load %arg10[%swap3A_272, %swap3A_273] {strides = array<i32>} : memref<16x128xf32, #tpu.memory_space<vmem>>, vector<16xf32>,
    tpu.vector_store %arg10[%swap3A_272, %swap3A_273], %get3A_226 {strides = array<i32>} : memref<16x128xf32, #tpu.memory_space<vmem>>, vector<16xf32>,
    %swap3A_275 = arith.constant 13 : i32
    %swap3A_276 = arith.index_cast %swap3A_275 : i32 to index
    %swap3A_277 = arith.constant 48 : index
    %swap3A_278 = tpu.vector_load %arg10[%swap3A_276, %swap3A_277] {strides = array<i32>} : memref<16x128xf32, #tpu.memory_space<vmem>>, vector<16xf32>,
    tpu.vector_store %arg10[%swap3A_276, %swap3A_277], %get3A_226 {strides = array<i32>} : memref<16x128xf32, #tpu.memory_space<vmem>>, vector<16xf32>,
    %swap3A_279 = arith.constant 14 : i32
    %swap3A_280 = arith.index_cast %swap3A_279 : i32 to index
    %swap3A_281 = arith.constant 48 : index
    %swap3A_282 = tpu.vector_load %arg10[%swap3A_280, %swap3A_281] {strides = array<i32>} : memref<16x128xf32, #tpu.memory_space<vmem>>, vector<16xf32>,
    tpu.vector_store %arg10[%swap3A_280, %swap3A_281], %get3A_226 {strides = array<i32>} : memref<16x128xf32, #tpu.memory_space<vmem>>, vector<16xf32>,
    %swap3A_283 = arith.constant 15 : i32
    %swap3A_284 = arith.index_cast %swap3A_283 : i32 to index
    %swap3A_285 = arith.constant 48 : index
    %swap3A_286 = tpu.vector_load %arg10[%swap3A_284, %swap3A_285] {strides = array<i32>} : memref<16x128xf32, #tpu.memory_space<vmem>>, vector<16xf32>,
    tpu.vector_store %arg10[%swap3A_284, %swap3A_285], %get3A_226 {strides = array<i32>} : memref<16x128xf32, #tpu.memory_space<vmem>>, vector<16xf32>,
    %get3A_287 = arith.constant 0 : i32
    %get3A_288 = arith.index_cast %get3A_287 : i32 to index
    %get3A_289 = arith.constant 64 : index
    %get3A_290 = tpu.vector_load %arg10[%get3A_288, %get3A_289] {strides = array<i32>} : memref<16x128xf32, #tpu.memory_space<vmem>>, vector<16xf32>,
    %swap3A_291 = arith.constant 1 : i32
    %swap3A_292 = arith.index_cast %swap3A_291 : i32 to index
    %swap3A_293 = arith.constant 64 : index
    %swap3A_294 = tpu.vector_load %arg10[%swap3A_292, %swap3A_293] {strides = array<i32>} : memref<16x128xf32, #tpu.memory_space<vmem>>, vector<16xf32>,
    tpu.vector_store %arg10[%swap3A_292, %swap3A_293], %get3A_290 {strides = array<i32>} : memref<16x128xf32, #tpu.memory_space<vmem>>, vector<16xf32>,
    %swap3A_295 = arith.constant 2 : i32
    %swap3A_296 = arith.index_cast %swap3A_295 : i32 to index
    %swap3A_297 = arith.constant 64 : index
    %swap3A_298 = tpu.vector_load %arg10[%swap3A_296, %swap3A_297] {strides = array<i32>} : memref<16x128xf32, #tpu.memory_space<vmem>>, vector<16xf32>,
    tpu.vector_store %arg10[%swap3A_296, %swap3A_297], %get3A_290 {strides = array<i32>} : memref<16x128xf32, #tpu.memory_space<vmem>>, vector<16xf32>,
    %swap3A_299 = arith.constant 3 : i32
    %swap3A_300 = arith.index_cast %swap3A_299 : i32 to index
    %swap3A_301 = arith.constant 64 : index
    %swap3A_302 = tpu.vector_load %arg10[%swap3A_300, %swap3A_301] {strides = array<i32>} : memref<16x128xf32, #tpu.memory_space<vmem>>, vector<16xf32>,
    tpu.vector_store %arg10[%swap3A_300, %swap3A_301], %get3A_290 {strides = array<i32>} : memref<16x128xf32, #tpu.memory_space<vmem>>, vector<16xf32>,
    %swap3A_303 = arith.constant 4 : i32
    %swap3A_304 = arith.index_cast %swap3A_303 : i32 to index
    %swap3A_305 = arith.constant 64 : index
    %swap3A_306 = tpu.vector_load %arg10[%swap3A_304, %swap3A_305] {strides = array<i32>} : memref<16x128xf32, #tpu.memory_space<vmem>>, vector<16xf32>,
    tpu.vector_store %arg10[%swap3A_304, %swap3A_305], %get3A_290 {strides = array<i32>} : memref<16x128xf32, #tpu.memory_space<vmem>>, vector<16xf32>,
    %swap3A_307 = arith.constant 5 : i32
    %swap3A_308 = arith.index_cast %swap3A_307 : i32 to index
    %swap3A_309 = arith.constant 64 : index
    %swap3A_310 = tpu.vector_load %arg10[%swap3A_308, %swap3A_309] {strides = array<i32>} : memref<16x128xf32, #tpu.memory_space<vmem>>, vector<16xf32>,
    tpu.vector_store %arg10[%swap3A_308, %swap3A_309], %get3A_290 {strides = array<i32>} : memref<16x128xf32, #tpu.memory_space<vmem>>, vector<16xf32>,
    %swap3A_311 = arith.constant 6 : i32
    %swap3A_312 = arith.index_cast %swap3A_311 : i32 to index
    %swap3A_313 = arith.constant 64 : index
    %swap3A_314 = tpu.vector_load %arg10[%swap3A_312, %swap3A_313] {strides = array<i32>} : memref<16x128xf32, #tpu.memory_space<vmem>>, vector<16xf32>,
    tpu.vector_store %arg10[%swap3A_312, %swap3A_313], %get3A_290 {strides = array<i32>} : memref<16x128xf32, #tpu.memory_space<vmem>>, vector<16xf32>,
    %swap3A_315 = arith.constant 7 : i32
    %swap3A_316 = arith.index_cast %swap3A_315 : i32 to index
    %swap3A_317 = arith.constant 64 : index
    %swap3A_318 = tpu.vector_load %arg10[%swap3A_316, %swap3A_317] {strides = array<i32>} : memref<16x128xf32, #tpu.memory_space<vmem>>, vector<16xf32>,
    tpu.vector_store %arg10[%swap3A_316, %swap3A_317], %get3A_290 {strides = array<i32>} : memref<16x128xf32, #tpu.memory_space<vmem>>, vector<16xf32>,
    %swap3A_319 = arith.constant 8 : i32
    %swap3A_320 = arith.index_cast %swap3A_319 : i32 to index
    %swap3A_321 = arith.constant 64 : index
    %swap3A_322 = tpu.vector_load %arg10[%swap3A_320, %swap3A_321] {strides = array<i32>} : memref<16x128xf32, #tpu.memory_space<vmem>>, vector<16xf32>,
    tpu.vector_store %arg10[%swap3A_320, %swap3A_321], %get3A_290 {strides = array<i32>} : memref<16x128xf32, #tpu.memory_space<vmem>>, vector<16xf32>,
    %swap3A_323 = arith.constant 9 : i32
    %swap3A_324 = arith.index_cast %swap3A_323 : i32 to index
    %swap3A_325 = arith.constant 64 : index
    %swap3A_326 = tpu.vector_load %arg10[%swap3A_324, %swap3A_325] {strides = array<i32>} : memref<16x128xf32, #tpu.memory_space<vmem>>, vector<16xf32>,
    tpu.vector_store %arg10[%swap3A_324, %swap3A_325], %get3A_290 {strides = array<i32>} : memref<16x128xf32, #tpu.memory_space<vmem>>, vector<16xf32>,
    %swap3A_327 = arith.constant 10 : i32
    %swap3A_328 = arith.index_cast %swap3A_327 : i32 to index
    %swap3A_329 = arith.constant 64 : index
    %swap3A_330 = tpu.vector_load %arg10[%swap3A_328, %swap3A_329] {strides = array<i32>} : memref<16x128xf32, #tpu.memory_space<vmem>>, vector<16xf32>,
    tpu.vector_store %arg10[%swap3A_328, %swap3A_329], %get3A_290 {strides = array<i32>} : memref<16x128xf32, #tpu.memory_space<vmem>>, vector<16xf32>,
    %swap3A_331 = arith.constant 11 : i32
    %swap3A_332 = arith.index_cast %swap3A_331 : i32 to index
    %swap3A_333 = arith.constant 64 : index
    %swap3A_334 = tpu.vector_load %arg10[%swap3A_332, %swap3A_333] {strides = array<i32>} : memref<16x128xf32, #tpu.memory_space<vmem>>, vector<16xf32>,
    tpu.vector_store %arg10[%swap3A_332, %swap3A_333], %get3A_290 {strides = array<i32>} : memref<16x128xf32, #tpu.memory_space<vmem>>, vector<16xf32>,
    %swap3A_335 = arith.constant 12 : i32
    %swap3A_336 = arith.index_cast %swap3A_335 : i32 to index
    %swap3A_337 = arith.constant 64 : index
    %swap3A_338 = tpu.vector_load %arg10[%swap3A_336, %swap3A_337] {strides = array<i32>} : memref<16x128xf32, #tpu.memory_space<vmem>>, vector<16xf32>,
    tpu.vector_store %arg10[%swap3A_336, %swap3A_337], %get3A_290 {strides = array<i32>} : memref<16x128xf32, #tpu.memory_space<vmem>>, vector<16xf32>,
    %swap3A_339 = arith.constant 13 : i32
    %swap3A_340 = arith.index_cast %swap3A_339 : i32 to index
    %swap3A_341 = arith.constant 64 : index
    %swap3A_342 = tpu.vector_load %arg10[%swap3A_340, %swap3A_341] {strides = array<i32>} : memref<16x128xf32, #tpu.memory_space<vmem>>, vector<16xf32>,
    tpu.vector_store %arg10[%swap3A_340, %swap3A_341], %get3A_290 {strides = array<i32>} : memref<16x128xf32, #tpu.memory_space<vmem>>, vector<16xf32>,
    %swap3A_343 = arith.constant 14 : i32
    %swap3A_344 = arith.index_cast %swap3A_343 : i32 to index
    %swap3A_345 = arith.constant 64 : index
    %swap3A_346 = tpu.vector_load %arg10[%swap3A_344, %swap3A_345] {strides = array<i32>} : memref<16x128xf32, #tpu.memory_space<vmem>>, vector<16xf32>,
    tpu.vector_store %arg10[%swap3A_344, %swap3A_345], %get3A_290 {strides = array<i32>} : memref<16x128xf32, #tpu.memory_space<vmem>>, vector<16xf32>,
    %swap3A_347 = arith.constant 15 : i32
    %swap3A_348 = arith.index_cast %swap3A_347 : i32 to index
    %swap3A_349 = arith.constant 64 : index
    %swap3A_350 = tpu.vector_load %arg10[%swap3A_348, %swap3A_349] {strides = array<i32>} : memref<16x128xf32, #tpu.memory_space<vmem>>, vector<16xf32>,
    tpu.vector_store %arg10[%swap3A_348, %swap3A_349], %get3A_290 {strides = array<i32>} : memref<16x128xf32, #tpu.memory_space<vmem>>, vector<16xf32>,
    %get3A_351 = arith.constant 0 : i32
    %get3A_352 = arith.index_cast %get3A_351 : i32 to index
    %get3A_353 = arith.constant 80 : index
    %get3A_354 = tpu.vector_load %arg10[%get3A_352, %get3A_353] {strides = array<i32>} : memref<16x128xf32, #tpu.memory_space<vmem>>, vector<16xf32>,
    %swap3A_355 = arith.constant 1 : i32
    %swap3A_356 = arith.index_cast %swap3A_355 : i32 to index
    %swap3A_357 = arith.constant 80 : index
    %swap3A_358 = tpu.vector_load %arg10[%swap3A_356, %swap3A_357] {strides = array<i32>} : memref<16x128xf32, #tpu.memory_space<vmem>>, vector<16xf32>,
    tpu.vector_store %arg10[%swap3A_356, %swap3A_357], %get3A_354 {strides = array<i32>} : memref<16x128xf32, #tpu.memory_space<vmem>>, vector<16xf32>,
    %swap3A_359 = arith.constant 2 : i32
    %swap3A_360 = arith.index_cast %swap3A_359 : i32 to index
    %swap3A_361 = arith.constant 80 : index
    %swap3A_362 = tpu.vector_load %arg10[%swap3A_360, %swap3A_361] {strides = array<i32>} : memref<16x128xf32, #tpu.memory_space<vmem>>, vector<16xf32>,
    tpu.vector_store %arg10[%swap3A_360, %swap3A_361], %get3A_354 {strides = array<i32>} : memref<16x128xf32, #tpu.memory_space<vmem>>, vector<16xf32>,
    %swap3A_363 = arith.constant 3 : i32
    %swap3A_364 = arith.index_cast %swap3A_363 : i32 to index
    %swap3A_365 = arith.constant 80 : index
    %swap3A_366 = tpu.vector_load %arg10[%swap3A_364, %swap3A_365] {strides = array<i32>} : memref<16x128xf32, #tpu.memory_space<vmem>>, vector<16xf32>,
    tpu.vector_store %arg10[%swap3A_364, %swap3A_365], %get3A_354 {strides = array<i32>} : memref<16x128xf32, #tpu.memory_space<vmem>>, vector<16xf32>,
    %swap3A_367 = arith.constant 4 : i32
    %swap3A_368 = arith.index_cast %swap3A_367 : i32 to index
    %swap3A_369 = arith.constant 80 : index
    %swap3A_370 = tpu.vector_load %arg10[%swap3A_368, %swap3A_369] {strides = array<i32>} : memref<16x128xf32, #tpu.memory_space<vmem>>, vector<16xf32>,
    tpu.vector_store %arg10[%swap3A_368, %swap3A_369], %get3A_354 {strides = array<i32>} : memref<16x128xf32, #tpu.memory_space<vmem>>, vector<16xf32>,
    %swap3A_371 = arith.constant 5 : i32
    %swap3A_372 = arith.index_cast %swap3A_371 : i32 to index
    %swap3A_373 = arith.constant 80 : index
    %swap3A_374 = tpu.vector_load %arg10[%swap3A_372, %swap3A_373] {strides = array<i32>} : memref<16x128xf32, #tpu.memory_space<vmem>>, vector<16xf32>,
    tpu.vector_store %arg10[%swap3A_372, %swap3A_373], %get3A_354 {strides = array<i32>} : memref<16x128xf32, #tpu.memory_space<vmem>>, vector<16xf32>,
    %swap3A_375 = arith.constant 6 : i32
    %swap3A_376 = arith.index_cast %swap3A_375 : i32 to index
    %swap3A_377 = arith.constant 80 : index
    %swap3A_378 = tpu.vector_load %arg10[%swap3A_376, %swap3A_377] {strides = array<i32>} : memref<16x128xf32, #tpu.memory_space<vmem>>, vector<16xf32>,
    tpu.vector_store %arg10[%swap3A_376, %swap3A_377], %get3A_354 {strides = array<i32>} : memref<16x128xf32, #tpu.memory_space<vmem>>, vector<16xf32>,
    %swap3A_379 = arith.constant 7 : i32
    %swap3A_380 = arith.index_cast %swap3A_379 : i32 to index
    %swap3A_381 = arith.constant 80 : index
    %swap3A_382 = tpu.vector_load %arg10[%swap3A_380, %swap3A_381] {strides = array<i32>} : memref<16x128xf32, #tpu.memory_space<vmem>>, vector<16xf32>,
    tpu.vector_store %arg10[%swap3A_380, %swap3A_381], %get3A_354 {strides = array<i32>} : memref<16x128xf32, #tpu.memory_space<vmem>>, vector<16xf32>,
    %swap3A_383 = arith.constant 8 : i32
    %swap3A_384 = arith.index_cast %swap3A_383 : i32 to index
    %swap3A_385 = arith.constant 80 : index
    %swap3A_386 = tpu.vector_load %arg10[%swap3A_384, %swap3A_385] {strides = array<i32>} : memref<16x128xf32, #tpu.memory_space<vmem>>, vector<16xf32>,
    tpu.vector_store %arg10[%swap3A_384, %swap3A_385], %get3A_354 {strides = array<i32>} : memref<16x128xf32, #tpu.memory_space<vmem>>, vector<16xf32>,
    %swap3A_387 = arith.constant 9 : i32
    %swap3A_388 = arith.index_cast %swap3A_387 : i32 to index
    %swap3A_389 = arith.constant 80 : index
    %swap3A_390 = tpu.vector_load %arg10[%swap3A_388, %swap3A_389] {strides = array<i32>} : memref<16x128xf32, #tpu.memory_space<vmem>>, vector<16xf32>,
    tpu.vector_store %arg10[%swap3A_388, %swap3A_389], %get3A_354 {strides = array<i32>} : memref<16x128xf32, #tpu.memory_space<vmem>>, vector<16xf32>,
    %swap3A_391 = arith.constant 10 : i32
    %swap3A_392 = arith.index_cast %swap3A_391 : i32 to index
    %swap3A_393 = arith.constant 80 : index
    %swap3A_394 = tpu.vector_load %arg10[%swap3A_392, %swap3A_393] {strides = array<i32>} : memref<16x128xf32, #tpu.memory_space<vmem>>, vector<16xf32>,
    tpu.vector_store %arg10[%swap3A_392, %swap3A_393], %get3A_354 {strides = array<i32>} : memref<16x128xf32, #tpu.memory_space<vmem>>, vector<16xf32>,
    %swap3A_395 = arith.constant 11 : i32
    %swap3A_396 = arith.index_cast %swap3A_395 : i32 to index
    %swap3A_397 = arith.constant 80 : index
    %swap3A_398 = tpu.vector_load %arg10[%swap3A_396, %swap3A_397] {strides = array<i32>} : memref<16x128xf32, #tpu.memory_space<vmem>>, vector<16xf32>,
    tpu.vector_store %arg10[%swap3A_396, %swap3A_397], %get3A_354 {strides = array<i32>} : memref<16x128xf32, #tpu.memory_space<vmem>>, vector<16xf32>,
    %swap3A_399 = arith.constant 12 : i32
    %swap3A_400 = arith.index_cast %swap3A_399 : i32 to index
    %swap3A_401 = arith.constant 80 : index
    %swap3A_402 = tpu.vector_load %arg10[%swap3A_400, %swap3A_401] {strides = array<i32>} : memref<16x128xf32, #tpu.memory_space<vmem>>, vector<16xf32>,
    tpu.vector_store %arg10[%swap3A_400, %swap3A_401], %get3A_354 {strides = array<i32>} : memref<16x128xf32, #tpu.memory_space<vmem>>, vector<16xf32>,
    %swap3A_403 = arith.constant 13 : i32
    %swap3A_404 = arith.index_cast %swap3A_403 : i32 to index
    %swap3A_405 = arith.constant 80 : index
    %swap3A_406 = tpu.vector_load %arg10[%swap3A_404, %swap3A_405] {strides = array<i32>} : memref<16x128xf32, #tpu.memory_space<vmem>>, vector<16xf32>,
    tpu.vector_store %arg10[%swap3A_404, %swap3A_405], %get3A_354 {strides = array<i32>} : memref<16x128xf32, #tpu.memory_space<vmem>>, vector<16xf32>,
    %swap3A_407 = arith.constant 14 : i32
    %swap3A_408 = arith.index_cast %swap3A_407 : i32 to index
    %swap3A_409 = arith.constant 80 : index
    %swap3A_410 = tpu.vector_load %arg10[%swap3A_408, %swap3A_409] {strides = array<i32>} : memref<16x128xf32, #tpu.memory_space<vmem>>, vector<16xf32>,
    tpu.vector_store %arg10[%swap3A_408, %swap3A_409], %get3A_354 {strides = array<i32>} : memref<16x128xf32, #tpu.memory_space<vmem>>, vector<16xf32>,
    %swap3A_411 = arith.constant 15 : i32
    %swap3A_412 = arith.index_cast %swap3A_411 : i32 to index
    %swap3A_413 = arith.constant 80 : index
    %swap3A_414 = tpu.vector_load %arg10[%swap3A_412, %swap3A_413] {strides = array<i32>} : memref<16x128xf32, #tpu.memory_space<vmem>>, vector<16xf32>,
    tpu.vector_store %arg10[%swap3A_412, %swap3A_413], %get3A_354 {strides = array<i32>} : memref<16x128xf32, #tpu.memory_space<vmem>>, vector<16xf32>,
    %get3A_415 = arith.constant 0 : i32
    %get3A_416 = arith.index_cast %get3A_415 : i32 to index
    %get3A_417 = arith.constant 96 : index
    %get3A_418 = tpu.vector_load %arg10[%get3A_416, %get3A_417] {strides = array<i32>} : memref<16x128xf32, #tpu.memory_space<vmem>>, vector<16xf32>,
    %swap3A_419 = arith.constant 1 : i32
    %swap3A_420 = arith.index_cast %swap3A_419 : i32 to index
    %swap3A_421 = arith.constant 96 : index
    %swap3A_422 = tpu.vector_load %arg10[%swap3A_420, %swap3A_421] {strides = array<i32>} : memref<16x128xf32, #tpu.memory_space<vmem>>, vector<16xf32>,
    tpu.vector_store %arg10[%swap3A_420, %swap3A_421], %get3A_418 {strides = array<i32>} : memref<16x128xf32, #tpu.memory_space<vmem>>, vector<16xf32>,
    %swap3A_423 = arith.constant 2 : i32
    %swap3A_424 = arith.index_cast %swap3A_423 : i32 to index
    %swap3A_425 = arith.constant 96 : index
    %swap3A_426 = tpu.vector_load %arg10[%swap3A_424, %swap3A_425] {strides = array<i32>} : memref<16x128xf32, #tpu.memory_space<vmem>>, vector<16xf32>,
    tpu.vector_store %arg10[%swap3A_424, %swap3A_425], %get3A_418 {strides = array<i32>} : memref<16x128xf32, #tpu.memory_space<vmem>>, vector<16xf32>,
    %swap3A_427 = arith.constant 3 : i32
    %swap3A_428 = arith.index_cast %swap3A_427 : i32 to index
    %swap3A_429 = arith.constant 96 : index
    %swap3A_430 = tpu.vector_load %arg10[%swap3A_428, %swap3A_429] {strides = array<i32>} : memref<16x128xf32, #tpu.memory_space<vmem>>, vector<16xf32>,
    tpu.vector_store %arg10[%swap3A_428, %swap3A_429], %get3A_418 {strides = array<i32>} : memref<16x128xf32, #tpu.memory_space<vmem>>, vector<16xf32>,
    %swap3A_431 = arith.constant 4 : i32
    %swap3A_432 = arith.index_cast %swap3A_431 : i32 to index
    %swap3A_433 = arith.constant 96 : index
    %swap3A_434 = tpu.vector_load %arg10[%swap3A_432, %swap3A_433] {strides = array<i32>} : memref<16x128xf32, #tpu.memory_space<vmem>>, vector<16xf32>,
    tpu.vector_store %arg10[%swap3A_432, %swap3A_433], %get3A_418 {strides = array<i32>} : memref<16x128xf32, #tpu.memory_space<vmem>>, vector<16xf32>,
    %swap3A_435 = arith.constant 5 : i32
    %swap3A_436 = arith.index_cast %swap3A_435 : i32 to index
    %swap3A_437 = arith.constant 96 : index
    %swap3A_438 = tpu.vector_load %arg10[%swap3A_436, %swap3A_437] {strides = array<i32>} : memref<16x128xf32, #tpu.memory_space<vmem>>, vector<16xf32>,
    tpu.vector_store %arg10[%swap3A_436, %swap3A_437], %get3A_418 {strides = array<i32>} : memref<16x128xf32, #tpu.memory_space<vmem>>, vector<16xf32>,
    %swap3A_439 = arith.constant 6 : i32
    %swap3A_440 = arith.index_cast %swap3A_439 : i32 to index
    %swap3A_441 = arith.constant 96 : index
    %swap3A_442 = tpu.vector_load %arg10[%swap3A_440, %swap3A_441] {strides = array<i32>} : memref<16x128xf32, #tpu.memory_space<vmem>>, vector<16xf32>,
    tpu.vector_store %arg10[%swap3A_440, %swap3A_441], %get3A_418 {strides = array<i32>} : memref<16x128xf32, #tpu.memory_space<vmem>>, vector<16xf32>,
    %swap3A_443 = arith.constant 7 : i32
    %swap3A_444 = arith.index_cast %swap3A_443 : i32 to index
    %swap3A_445 = arith.constant 96 : index
    %swap3A_446 = tpu.vector_load %arg10[%swap3A_444, %swap3A_445] {strides = array<i32>} : memref<16x128xf32, #tpu.memory_space<vmem>>, vector<16xf32>,
    tpu.vector_store %arg10[%swap3A_444, %swap3A_445], %get3A_418 {strides = array<i32>} : memref<16x128xf32, #tpu.memory_space<vmem>>, vector<16xf32>,
    %swap3A_447 = arith.constant 8 : i32
    %swap3A_448 = arith.index_cast %swap3A_447 : i32 to index
    %swap3A_449 = arith.constant 96 : index
    %swap3A_450 = tpu.vector_load %arg10[%swap3A_448, %swap3A_449] {strides = array<i32>} : memref<16x128xf32, #tpu.memory_space<vmem>>, vector<16xf32>,
    tpu.vector_store %arg10[%swap3A_448, %swap3A_449], %get3A_418 {strides = array<i32>} : memref<16x128xf32, #tpu.memory_space<vmem>>, vector<16xf32>,
    %swap3A_451 = arith.constant 9 : i32
    %swap3A_452 = arith.index_cast %swap3A_451 : i32 to index
    %swap3A_453 = arith.constant 96 : index
    %swap3A_454 = tpu.vector_load %arg10[%swap3A_452, %swap3A_453] {strides = array<i32>} : memref<16x128xf32, #tpu.memory_space<vmem>>, vector<16xf32>,
    tpu.vector_store %arg10[%swap3A_452, %swap3A_453], %get3A_418 {strides = array<i32>} : memref<16x128xf32, #tpu.memory_space<vmem>>, vector<16xf32>,
    %swap3A_455 = arith.constant 10 : i32
    %swap3A_456 = arith.index_cast %swap3A_455 : i32 to index
    %swap3A_457 = arith.constant 96 : index
    %swap3A_458 = tpu.vector_load %arg10[%swap3A_456, %swap3A_457] {strides = array<i32>} : memref<16x128xf32, #tpu.memory_space<vmem>>, vector<16xf32>,
    tpu.vector_store %arg10[%swap3A_456, %swap3A_457], %get3A_418 {strides = array<i32>} : memref<16x128xf32, #tpu.memory_space<vmem>>, vector<16xf32>,
    %swap3A_459 = arith.constant 11 : i32
    %swap3A_460 = arith.index_cast %swap3A_459 : i32 to index
    %swap3A_461 = arith.constant 96 : index
    %swap3A_462 = tpu.vector_load %arg10[%swap3A_460, %swap3A_461] {strides = array<i32>} : memref<16x128xf32, #tpu.memory_space<vmem>>, vector<16xf32>,
    tpu.vector_store %arg10[%swap3A_460, %swap3A_461], %get3A_418 {strides = array<i32>} : memref<16x128xf32, #tpu.memory_space<vmem>>, vector<16xf32>,
    %swap3A_463 = arith.constant 12 : i32
    %swap3A_464 = arith.index_cast %swap3A_463 : i32 to index
    %swap3A_465 = arith.constant 96 : index
    %swap3A_466 = tpu.vector_load %arg10[%swap3A_464, %swap3A_465] {strides = array<i32>} : memref<16x128xf32, #tpu.memory_space<vmem>>, vector<16xf32>,
    tpu.vector_store %arg10[%swap3A_464, %swap3A_465], %get3A_418 {strides = array<i32>} : memref<16x128xf32, #tpu.memory_space<vmem>>, vector<16xf32>,
    %swap3A_467 = arith.constant 13 : i32
    %swap3A_468 = arith.index_cast %swap3A_467 : i32 to index
    %swap3A_469 = arith.constant 96 : index
    %swap3A_470 = tpu.vector_load %arg10[%swap3A_468, %swap3A_469] {strides = array<i32>} : memref<16x128xf32, #tpu.memory_space<vmem>>, vector<16xf32>,
    tpu.vector_store %arg10[%swap3A_468, %swap3A_469], %get3A_418 {strides = array<i32>} : memref<16x128xf32, #tpu.memory_space<vmem>>, vector<16xf32>,
    %swap3A_471 = arith.constant 14 : i32
    %swap3A_472 = arith.index_cast %swap3A_471 : i32 to index
    %swap3A_473 = arith.constant 96 : index
    %swap3A_474 = tpu.vector_load %arg10[%swap3A_472, %swap3A_473] {strides = array<i32>} : memref<16x128xf32, #tpu.memory_space<vmem>>, vector<16xf32>,
    tpu.vector_store %arg10[%swap3A_472, %swap3A_473], %get3A_418 {strides = array<i32>} : memref<16x128xf32, #tpu.memory_space<vmem>>, vector<16xf32>,
    %swap3A_475 = arith.constant 15 : i32
    %swap3A_476 = arith.index_cast %swap3A_475 : i32 to index
    %swap3A_477 = arith.constant 96 : index
    %swap3A_478 = tpu.vector_load %arg10[%swap3A_476, %swap3A_477] {strides = array<i32>} : memref<16x128xf32, #tpu.memory_space<vmem>>, vector<16xf32>,
    tpu.vector_store %arg10[%swap3A_476, %swap3A_477], %get3A_418 {strides = array<i32>} : memref<16x128xf32, #tpu.memory_space<vmem>>, vector<16xf32>,
    %get3A_479 = arith.constant 0 : i32
    %get3A_480 = arith.index_cast %get3A_479 : i32 to index
    %get3A_481 = arith.constant 112 : index
    %get3A_482 = tpu.vector_load %arg10[%get3A_480, %get3A_481] {strides = array<i32>} : memref<16x128xf32, #tpu.memory_space<vmem>>, vector<16xf32>,
    %swap3A_483 = arith.constant 1 : i32
    %swap3A_484 = arith.index_cast %swap3A_483 : i32 to index
    %swap3A_485 = arith.constant 112 : index
    %swap3A_486 = tpu.vector_load %arg10[%swap3A_484, %swap3A_485] {strides = array<i32>} : memref<16x128xf32, #tpu.memory_space<vmem>>, vector<16xf32>,
    tpu.vector_store %arg10[%swap3A_484, %swap3A_485], %get3A_482 {strides = array<i32>} : memref<16x128xf32, #tpu.memory_space<vmem>>, vector<16xf32>,
    %swap3A_487 = arith.constant 2 : i32
    %swap3A_488 = arith.index_cast %swap3A_487 : i32 to index
    %swap3A_489 = arith.constant 112 : index
    %swap3A_490 = tpu.vector_load %arg10[%swap3A_488, %swap3A_489] {strides = array<i32>} : memref<16x128xf32, #tpu.memory_space<vmem>>, vector<16xf32>,
    tpu.vector_store %arg10[%swap3A_488, %swap3A_489], %get3A_482 {strides = array<i32>} : memref<16x128xf32, #tpu.memory_space<vmem>>, vector<16xf32>,
    %swap3A_491 = arith.constant 3 : i32
    %swap3A_492 = arith.index_cast %swap3A_491 : i32 to index
    %swap3A_493 = arith.constant 112 : index
    %swap3A_494 = tpu.vector_load %arg10[%swap3A_492, %swap3A_493] {strides = array<i32>} : memref<16x128xf32, #tpu.memory_space<vmem>>, vector<16xf32>,
    tpu.vector_store %arg10[%swap3A_492, %swap3A_493], %get3A_482 {strides = array<i32>} : memref<16x128xf32, #tpu.memory_space<vmem>>, vector<16xf32>,
    %swap3A_495 = arith.constant 4 : i32
    %swap3A_496 = arith.index_cast %swap3A_495 : i32 to index
    %swap3A_497 = arith.constant 112 : index
    %swap3A_498 = tpu.vector_load %arg10[%swap3A_496, %swap3A_497] {strides = array<i32>} : memref<16x128xf32, #tpu.memory_space<vmem>>, vector<16xf32>,
    tpu.vector_store %arg10[%swap3A_496, %swap3A_497], %get3A_482 {strides = array<i32>} : memref<16x128xf32, #tpu.memory_space<vmem>>, vector<16xf32>,
    %swap3A_499 = arith.constant 5 : i32
    %swap3A_500 = arith.index_cast %swap3A_499 : i32 to index
    %swap3A_501 = arith.constant 112 : index
    %swap3A_502 = tpu.vector_load %arg10[%swap3A_500, %swap3A_501] {strides = array<i32>} : memref<16x128xf32, #tpu.memory_space<vmem>>, vector<16xf32>,
    tpu.vector_store %arg10[%swap3A_500, %swap3A_501], %get3A_482 {strides = array<i32>} : memref<16x128xf32, #tpu.memory_space<vmem>>, vector<16xf32>,
    %swap3A_503 = arith.constant 6 : i32
    %swap3A_504 = arith.index_cast %swap3A_503 : i32 to index
    %swap3A_505 = arith.constant 112 : index
    %swap3A_506 = tpu.vector_load %arg10[%swap3A_504, %swap3A_505] {strides = array<i32>} : memref<16x128xf32, #tpu.memory_space<vmem>>, vector<16xf32>,
    tpu.vector_store %arg10[%swap3A_504, %swap3A_505], %get3A_482 {strides = array<i32>} : memref<16x128xf32, #tpu.memory_space<vmem>>, vector<16xf32>,
    %swap3A_507 = arith.constant 7 : i32
    %swap3A_508 = arith.index_cast %swap3A_507 : i32 to index
    %swap3A_509 = arith.constant 112 : index
    %swap3A_510 = tpu.vector_load %arg10[%swap3A_508, %swap3A_509] {strides = array<i32>} : memref<16x128xf32, #tpu.memory_space<vmem>>, vector<16xf32>,
    tpu.vector_store %arg10[%swap3A_508, %swap3A_509], %get3A_482 {strides = array<i32>} : memref<16x128xf32, #tpu.memory_space<vmem>>, vector<16xf32>,
    %swap3A_511 = arith.constant 8 : i32
    %swap3A_512 = arith.index_cast %swap3A_511 : i32 to index
    %swap3A_513 = arith.constant 112 : index
    %swap3A_514 = tpu.vector_load %arg10[%swap3A_512, %swap3A_513] {strides = array<i32>} : memref<16x128xf32, #tpu.memory_space<vmem>>, vector<16xf32>,
    tpu.vector_store %arg10[%swap3A_512, %swap3A_513], %get3A_482 {strides = array<i32>} : memref<16x128xf32, #tpu.memory_space<vmem>>, vector<16xf32>,
    %swap3A_515 = arith.constant 9 : i32
    %swap3A_516 = arith.index_cast %swap3A_515 : i32 to index
    %swap3A_517 = arith.constant 112 : index
    %swap3A_518 = tpu.vector_load %arg10[%swap3A_516, %swap3A_517] {strides = array<i32>} : memref<16x128xf32, #tpu.memory_space<vmem>>, vector<16xf32>,
    tpu.vector_store %arg10[%swap3A_516, %swap3A_517], %get3A_482 {strides = array<i32>} : memref<16x128xf32, #tpu.memory_space<vmem>>, vector<16xf32>,
    %swap3A_519 = arith.constant 10 : i32
    %swap3A_520 = arith.index_cast %swap3A_519 : i32 to index
    %swap3A_521 = arith.constant 112 : index
    %swap3A_522 = tpu.vector_load %arg10[%swap3A_520, %swap3A_521] {strides = array<i32>} : memref<16x128xf32, #tpu.memory_space<vmem>>, vector<16xf32>,
    tpu.vector_store %arg10[%swap3A_520, %swap3A_521], %get3A_482 {strides = array<i32>} : memref<16x128xf32, #tpu.memory_space<vmem>>, vector<16xf32>,
    %swap3A_523 = arith.constant 11 : i32
    %swap3A_524 = arith.index_cast %swap3A_523 : i32 to index
    %swap3A_525 = arith.constant 112 : index
    %swap3A_526 = tpu.vector_load %arg10[%swap3A_524, %swap3A_525] {strides = array<i32>} : memref<16x128xf32, #tpu.memory_space<vmem>>, vector<16xf32>,
    tpu.vector_store %arg10[%swap3A_524, %swap3A_525], %get3A_482 {strides = array<i32>} : memref<16x128xf32, #tpu.memory_space<vmem>>, vector<16xf32>,
    %swap3A_527 = arith.constant 12 : i32
    %swap3A_528 = arith.index_cast %swap3A_527 : i32 to index
    %swap3A_529 = arith.constant 112 : index
    %swap3A_530 = tpu.vector_load %arg10[%swap3A_528, %swap3A_529] {strides = array<i32>} : memref<16x128xf32, #tpu.memory_space<vmem>>, vector<16xf32>,
    tpu.vector_store %arg10[%swap3A_528, %swap3A_529], %get3A_482 {strides = array<i32>} : memref<16x128xf32, #tpu.memory_space<vmem>>, vector<16xf32>,
    %swap3A_531 = arith.constant 13 : i32
    %swap3A_532 = arith.index_cast %swap3A_531 : i32 to index
    %swap3A_533 = arith.constant 112 : index
    %swap3A_534 = tpu.vector_load %arg10[%swap3A_532, %swap3A_533] {strides = array<i32>} : memref<16x128xf32, #tpu.memory_space<vmem>>, vector<16xf32>,
    tpu.vector_store %arg10[%swap3A_532, %swap3A_533], %get3A_482 {strides = array<i32>} : memref<16x128xf32, #tpu.memory_space<vmem>>, vector<16xf32>,
    %swap3A_535 = arith.constant 14 : i32
    %swap3A_536 = arith.index_cast %swap3A_535 : i32 to index
    %swap3A_537 = arith.constant 112 : index
    %swap3A_538 = tpu.vector_load %arg10[%swap3A_536, %swap3A_537] {strides = array<i32>} : memref<16x128xf32, #tpu.memory_space<vmem>>, vector<16xf32>,
    tpu.vector_store %arg10[%swap3A_536, %swap3A_537], %get3A_482 {strides = array<i32>} : memref<16x128xf32, #tpu.memory_space<vmem>>, vector<16xf32>,
    %swap3A_539 = arith.constant 15 : i32
    %swap3A_540 = arith.index_cast %swap3A_539 : i32 to index
    %swap3A_541 = arith.constant 112 : index
    %swap3A_542 = tpu.vector_load %arg10[%swap3A_540, %swap3A_541] {strides = array<i32>} : memref<16x128xf32, #tpu.memory_space<vmem>>, vector<16xf32>,
    tpu.vector_store %arg10[%swap3A_540, %swap3A_541], %get3A_482 {strides = array<i32>} : memref<16x128xf32, #tpu.memory_space<vmem>>, vector<16xf32>,
    %iota3A = tpu.iota {dimensions = array<i32: 0>} : vector<16xi32>
    %broadcast_in_dim3A = arith.constant 1 : i32
    %broadcast_in_dim3A_543 = vector.broadcast %broadcast_in_dim3A : i32 to vector<16xi32>
    %broadcast_in_dim3A_544 = arith.constant 100000 : i32
    %broadcast_in_dim3A_545 = vector.broadcast %broadcast_in_dim3A_544 : i32 to vector<16xi32>
    %swap3A_546 = arith.constant 0 : index
    %swap3A_547 = tpu.vector_load %arg8[%swap3A_546] {strides = array<i32>} : memref<512xi32, #tpu.memory_space<vmem>>, vector<16xi32>,
    tpu.vector_store %arg8[%swap3A_546], %broadcast_in_dim3A_545 {strides = array<i32>} : memref<512xi32, #tpu.memory_space<vmem>>, vector<16xi32>,
    %swap3A_548 = arith.constant 16 : index
    %swap3A_549 = tpu.vector_load %arg8[%swap3A_548] {strides = array<i32>} : memref<512xi32, #tpu.memory_space<vmem>>, vector<16xi32>,
    tpu.vector_store %arg8[%swap3A_548], %broadcast_in_dim3A_545 {strides = array<i32>} : memref<512xi32, #tpu.memory_space<vmem>>, vector<16xi32>,
    %swap3A_550 = arith.constant 32 : index
    %swap3A_551 = tpu.vector_load %arg8[%swap3A_550] {strides = array<i32>} : memref<512xi32, #tpu.memory_space<vmem>>, vector<16xi32>,
    tpu.vector_store %arg8[%swap3A_550], %broadcast_in_dim3A_545 {strides = array<i32>} : memref<512xi32, #tpu.memory_space<vmem>>, vector<16xi32>,
    %swap3A_552 = arith.constant 48 : index
    %swap3A_553 = tpu.vector_load %arg8[%swap3A_552] {strides = array<i32>} : memref<512xi32, #tpu.memory_space<vmem>>, vector<16xi32>,
    tpu.vector_store %arg8[%swap3A_552], %broadcast_in_dim3A_545 {strides = array<i32>} : memref<512xi32, #tpu.memory_space<vmem>>, vector<16xi32>,
    %swap3A_554 = arith.constant 64 : index
    %swap3A_555 = tpu.vector_load %arg8[%swap3A_554] {strides = array<i32>} : memref<512xi32, #tpu.memory_space<vmem>>, vector<16xi32>,
    tpu.vector_store %arg8[%swap3A_554], %broadcast_in_dim3A_545 {strides = array<i32>} : memref<512xi32, #tpu.memory_space<vmem>>, vector<16xi32>,
    %swap3A_556 = arith.constant 80 : index
    %swap3A_557 = tpu.vector_load %arg8[%swap3A_556] {strides = array<i32>} : memref<512xi32, #tpu.memory_space<vmem>>, vector<16xi32>,
    tpu.vector_store %arg8[%swap3A_556], %broadcast_in_dim3A_545 {strides = array<i32>} : memref<512xi32, #tpu.memory_space<vmem>>, vector<16xi32>,
    %swap3A_558 = arith.constant 96 : index
    %swap3A_559 = tpu.vector_load %arg8[%swap3A_558] {strides = array<i32>} : memref<512xi32, #tpu.memory_space<vmem>>, vector<16xi32>,
    tpu.vector_store %arg8[%swap3A_558], %broadcast_in_dim3A_545 {strides = array<i32>} : memref<512xi32, #tpu.memory_space<vmem>>, vector<16xi32>,
    %swap3A_560 = arith.constant 112 : index
    %swap3A_561 = tpu.vector_load %arg8[%swap3A_560] {strides = array<i32>} : memref<512xi32, #tpu.memory_space<vmem>>, vector<16xi32>,
    tpu.vector_store %arg8[%swap3A_560], %broadcast_in_dim3A_545 {strides = array<i32>} : memref<512xi32, #tpu.memory_space<vmem>>, vector<16xi32>,
    %swap3A_562 = arith.constant 128 : index
    %swap3A_563 = tpu.vector_load %arg8[%swap3A_562] {strides = array<i32>} : memref<512xi32, #tpu.memory_space<vmem>>, vector<16xi32>,
    tpu.vector_store %arg8[%swap3A_562], %broadcast_in_dim3A_545 {strides = array<i32>} : memref<512xi32, #tpu.memory_space<vmem>>, vector<16xi32>,
    %swap3A_564 = arith.constant 144 : index
    %swap3A_565 = tpu.vector_load %arg8[%swap3A_564] {strides = array<i32>} : memref<512xi32, #tpu.memory_space<vmem>>, vector<16xi32>,
    tpu.vector_store %arg8[%swap3A_564], %broadcast_in_dim3A_545 {strides = array<i32>} : memref<512xi32, #tpu.memory_space<vmem>>, vector<16xi32>,
    %swap3A_566 = arith.constant 160 : index
    %swap3A_567 = tpu.vector_load %arg8[%swap3A_566] {strides = array<i32>} : memref<512xi32, #tpu.memory_space<vmem>>, vector<16xi32>,
    tpu.vector_store %arg8[%swap3A_566], %broadcast_in_dim3A_545 {strides = array<i32>} : memref<512xi32, #tpu.memory_space<vmem>>, vector<16xi32>,
    %swap3A_568 = arith.constant 176 : index
    %swap3A_569 = tpu.vector_load %arg8[%swap3A_568] {strides = array<i32>} : memref<512xi32, #tpu.memory_space<vmem>>, vector<16xi32>,
    tpu.vector_store %arg8[%swap3A_568], %broadcast_in_dim3A_545 {strides = array<i32>} : memref<512xi32, #tpu.memory_space<vmem>>, vector<16xi32>,
    %swap3A_570 = arith.constant 192 : index
    %swap3A_571 = tpu.vector_load %arg8[%swap3A_570] {strides = array<i32>} : memref<512xi32, #tpu.memory_space<vmem>>, vector<16xi32>,
    tpu.vector_store %arg8[%swap3A_570], %broadcast_in_dim3A_545 {strides = array<i32>} : memref<512xi32, #tpu.memory_space<vmem>>, vector<16xi32>,
    %swap3A_572 = arith.constant 208 : index
    %swap3A_573 = tpu.vector_load %arg8[%swap3A_572] {strides = array<i32>} : memref<512xi32, #tpu.memory_space<vmem>>, vector<16xi32>,
    tpu.vector_store %arg8[%swap3A_572], %broadcast_in_dim3A_545 {strides = array<i32>} : memref<512xi32, #tpu.memory_space<vmem>>, vector<16xi32>,
    %swap3A_574 = arith.constant 224 : index
    %swap3A_575 = tpu.vector_load %arg8[%swap3A_574] {strides = array<i32>} : memref<512xi32, #tpu.memory_space<vmem>>, vector<16xi32>,
    tpu.vector_store %arg8[%swap3A_574], %broadcast_in_dim3A_545 {strides = array<i32>} : memref<512xi32, #tpu.memory_space<vmem>>, vector<16xi32>,
    %swap3A_576 = arith.constant 240 : index
    %swap3A_577 = tpu.vector_load %arg8[%swap3A_576] {strides = array<i32>} : memref<512xi32, #tpu.memory_space<vmem>>, vector<16xi32>,
    tpu.vector_store %arg8[%swap3A_576], %broadcast_in_dim3A_545 {strides = array<i32>} : memref<512xi32, #tpu.memory_space<vmem>>, vector<16xi32>,
    %swap3A_578 = arith.constant 256 : index
    %swap3A_579 = tpu.vector_load %arg8[%swap3A_578] {strides = array<i32>} : memref<512xi32, #tpu.memory_space<vmem>>, vector<16xi32>,
    tpu.vector_store %arg8[%swap3A_578], %broadcast_in_dim3A_545 {strides = array<i32>} : memref<512xi32, #tpu.memory_space<vmem>>, vector<16xi32>,
    %swap3A_580 = arith.constant 272 : index
    %swap3A_581 = tpu.vector_load %arg8[%swap3A_580] {strides = array<i32>} : memref<512xi32, #tpu.memory_space<vmem>>, vector<16xi32>,
    tpu.vector_store %arg8[%swap3A_580], %broadcast_in_dim3A_545 {strides = array<i32>} : memref<512xi32, #tpu.memory_space<vmem>>, vector<16xi32>,
    %swap3A_582 = arith.constant 288 : index
    %swap3A_583 = tpu.vector_load %arg8[%swap3A_582] {strides = array<i32>} : memref<512xi32, #tpu.memory_space<vmem>>, vector<16xi32>,
    tpu.vector_store %arg8[%swap3A_582], %broadcast_in_dim3A_545 {strides = array<i32>} : memref<512xi32, #tpu.memory_space<vmem>>, vector<16xi32>,
    %swap3A_584 = arith.constant 304 : index
    %swap3A_585 = tpu.vector_load %arg8[%swap3A_584] {strides = array<i32>} : memref<512xi32, #tpu.memory_space<vmem>>, vector<16xi32>,
    tpu.vector_store %arg8[%swap3A_584], %broadcast_in_dim3A_545 {strides = array<i32>} : memref<512xi32, #tpu.memory_space<vmem>>, vector<16xi32>,
    %swap3A_586 = arith.constant 320 : index
    %swap3A_587 = tpu.vector_load %arg8[%swap3A_586] {strides = array<i32>} : memref<512xi32, #tpu.memory_space<vmem>>, vector<16xi32>,
    tpu.vector_store %arg8[%swap3A_586], %broadcast_in_dim3A_545 {strides = array<i32>} : memref<512xi32, #tpu.memory_space<vmem>>, vector<16xi32>,
    %swap3A_588 = arith.constant 336 : index
    %swap3A_589 = tpu.vector_load %arg8[%swap3A_588] {strides = array<i32>} : memref<512xi32, #tpu.memory_space<vmem>>, vector<16xi32>,
    tpu.vector_store %arg8[%swap3A_588], %broadcast_in_dim3A_545 {strides = array<i32>} : memref<512xi32, #tpu.memory_space<vmem>>, vector<16xi32>,
    %swap3A_590 = arith.constant 352 : index
    %swap3A_591 = tpu.vector_load %arg8[%swap3A_590] {strides = array<i32>} : memref<512xi32, #tpu.memory_space<vmem>>, vector<16xi32>,
    tpu.vector_store %arg8[%swap3A_590], %broadcast_in_dim3A_545 {strides = array<i32>} : memref<512xi32, #tpu.memory_space<vmem>>, vector<16xi32>,
    %swap3A_592 = arith.constant 368 : index
    %swap3A_593 = tpu.vector_load %arg8[%swap3A_592] {strides = array<i32>} : memref<512xi32, #tpu.memory_space<vmem>>, vector<16xi32>,
    tpu.vector_store %arg8[%swap3A_592], %broadcast_in_dim3A_545 {strides = array<i32>} : memref<512xi32, #tpu.memory_space<vmem>>, vector<16xi32>,
    %swap3A_594 = arith.constant 384 : index
    %swap3A_595 = tpu.vector_load %arg8[%swap3A_594] {strides = array<i32>} : memref<512xi32, #tpu.memory_space<vmem>>, vector<16xi32>,
    tpu.vector_store %arg8[%swap3A_594], %broadcast_in_dim3A_545 {strides = array<i32>} : memref<512xi32, #tpu.memory_space<vmem>>, vector<16xi32>,
    %swap3A_596 = arith.constant 400 : index
    %swap3A_597 = tpu.vector_load %arg8[%swap3A_596] {strides = array<i32>} : memref<512xi32, #tpu.memory_space<vmem>>, vector<16xi32>,
    tpu.vector_store %arg8[%swap3A_596], %broadcast_in_dim3A_545 {strides = array<i32>} : memref<512xi32, #tpu.memory_space<vmem>>, vector<16xi32>,
    %swap3A_598 = arith.constant 416 : index
    %swap3A_599 = tpu.vector_load %arg8[%swap3A_598] {strides = array<i32>} : memref<512xi32, #tpu.memory_space<vmem>>, vector<16xi32>,
    tpu.vector_store %arg8[%swap3A_598], %broadcast_in_dim3A_545 {strides = array<i32>} : memref<512xi32, #tpu.memory_space<vmem>>, vector<16xi32>,
    %swap3A_600 = arith.constant 432 : index
    %swap3A_601 = tpu.vector_load %arg8[%swap3A_600] {strides = array<i32>} : memref<512xi32, #tpu.memory_space<vmem>>, vector<16xi32>,
    tpu.vector_store %arg8[%swap3A_600], %broadcast_in_dim3A_545 {strides = array<i32>} : memref<512xi32, #tpu.memory_space<vmem>>, vector<16xi32>,
    %swap3A_602 = arith.constant 448 : index
    %swap3A_603 = tpu.vector_load %arg8[%swap3A_602] {strides = array<i32>} : memref<512xi32, #tpu.memory_space<vmem>>, vector<16xi32>,
    tpu.vector_store %arg8[%swap3A_602], %broadcast_in_dim3A_545 {strides = array<i32>} : memref<512xi32, #tpu.memory_space<vmem>>, vector<16xi32>,
    %swap3A_604 = arith.constant 464 : index
    %swap3A_605 = tpu.vector_load %arg8[%swap3A_604] {strides = array<i32>} : memref<512xi32, #tpu.memory_space<vmem>>, vector<16xi32>,
    tpu.vector_store %arg8[%swap3A_604], %broadcast_in_dim3A_545 {strides = array<i32>} : memref<512xi32, #tpu.memory_space<vmem>>, vector<16xi32>,
    %swap3A_606 = arith.constant 480 : index
    %swap3A_607 = tpu.vector_load %arg8[%swap3A_606] {strides = array<i32>} : memref<512xi32, #tpu.memory_space<vmem>>, vector<16xi32>,
    tpu.vector_store %arg8[%swap3A_606], %broadcast_in_dim3A_545 {strides = array<i32>} : memref<512xi32, #tpu.memory_space<vmem>>, vector<16xi32>,
    %swap3A_608 = arith.constant 496 : index
    %swap3A_609 = tpu.vector_load %arg8[%swap3A_608] {strides = array<i32>} : memref<512xi32, #tpu.memory_space<vmem>>, vector<16xi32>,
    tpu.vector_store %arg8[%swap3A_608], %broadcast_in_dim3A_545 {strides = array<i32>} : memref<512xi32, #tpu.memory_space<vmem>>, vector<16xi32>,
    %get3A_610 = arith.constant 0 : index
    %get3A_611 = tpu.vector_load %arg6[%get3A_610] {strides = array<i32>} : memref<512xi32, #tpu.memory_space<vmem>>, vector<16xi32>,
    %get3A_612 = arith.constant 0 : index
    %get3A_613 = tpu.vector_load %arg7[%get3A_612] {strides = array<i32>} : memref<512xi32, #tpu.memory_space<vmem>>, vector<16xi32>,
    %eq3A = arith.constant 0 : i32
    %eq3A_614 = vector.broadcast %eq3A : i32 to vector<16xi32>
    %eq3A_615 = arith.cmpi eq, %get3A_613, %eq3A_614 : vector<16xi32>
    %ne3A = arith.constant 0 : i32
    %ne3A_616 = vector.broadcast %ne3A : i32 to vector<16xi32>
    %ne3A_617 = arith.cmpi ne, %get3A_613, %ne3A_616 : vector<16xi32>
    %add3A_618 = arith.constant 0 : i32
    %add3A_619 = arith.addi %mul3A_2, %add3A_618 : i32
    %add3A_620 = vector.broadcast %add3A_619 : i32 to vector<16xi32>
    %add3A_621 = arith.addi %iota3A, %add3A_620 : vector<16xi32>
    %masked_cumsum3A = tpu.scan <sum>, %broadcast_in_dim3A_543 masked %eq3A_615 : vector<16xi32>, vector<16xi1> -> vector<16xi32>
    %add3A_622 = arith.constant 0 : i32
    %add3A_623 = vector.broadcast %add3A_622 : i32 to vector<16xi32>
    %add3A_624 = arith.addi %add3A_623, %masked_cumsum3A : vector<16xi32>
    %sub3A = arith.constant 1 : i32
    %sub3A_625 = vector.broadcast %sub3A : i32 to vector<16xi32>
    %sub3A_626 = arith.subi %add3A_624, %sub3A_625 : vector<16xi32>
    tpu.vector_store_idx %arg8[%sub3A_626], %get3A_611 masked %eq3A_615 : memref<512xi32, #tpu.memory_space<vmem>>[vector<16xi32>], vector<16xi32>, vector<16xi1>
    tpu.vector_store_idx %arg9[%sub3A_626], %add3A_621 masked %eq3A_615 : memref<512xi32, #tpu.memory_space<vmem>>[vector<16xi32>], vector<16xi32>, vector<16xi1>
    %masked_cumsum3A_627 = tpu.scan <sum>, %broadcast_in_dim3A_543 masked %ne3A_617 : vector<16xi32>, vector<16xi1> -> vector<16xi32>
    %sub3A_628 = arith.constant 512 : i32
    %sub3A_629 = vector.broadcast %sub3A_628 : i32 to vector<16xi32>
    %sub3A_630 = arith.subi %sub3A_629, %masked_cumsum3A_627 : vector<16xi32>
    tpu.vector_store_idx %arg9[%sub3A_630], %add3A_621 masked %ne3A_617 : memref<512xi32, #tpu.memory_space<vmem>>[vector<16xi32>], vector<16xi32>, vector<16xi1>
    %all_reduce_population_count3A = tpu.all_reduce %eq3A_615 {dim = 0 : i64, kind = #tpu.reduction_kind<sum>} : vector<16xi1> -> vector<16xi32>
    %reduce_max3A = arith.constant true
    %reduce_max3A_631 = vector.broadcast %reduce_max3A : i1 to vector<16xi1>
    %reduce_max3A_632 = arith.constant -2147483648 : i32
    %reduce_max3A_633 = vector.broadcast %reduce_max3A_632 : i32 to vector<16xi32>
    %reduce_max3A_634 = arith.xori %all_reduce_population_count3A, %reduce_max3A_633 : vector<16xi32>
    %reduce_max3A_635 = tpu.scan <max>, %reduce_max3A_634 masked %reduce_max3A_631 : vector<16xi32>, vector<16xi1> -> vector<16xi32>
    %reduce_max3A_636 = arith.xori %reduce_max3A_635, %reduce_max3A_633 : vector<16xi32>
    %reduce_max3A_637 = vector.extract %reduce_max3A_636[15] : i32 from vector<16xi32>
    %add3A_638 = arith.constant 0 : i32
    %add3A_639 = arith.addi %add3A_638, %reduce_max3A_637 : i32
    %sub3A_640 = arith.constant 16 : i32
    %sub3A_641 = arith.subi %sub3A_640, %reduce_max3A_637 : i32
    %sub3A_642 = arith.constant 512 : i32
    %sub3A_643 = arith.subi %sub3A_642, %sub3A_641 : i32
    %get3A_644 = arith.constant 16 : index
    %get3A_645 = tpu.vector_load %arg6[%get3A_644] {strides = array<i32>} : memref<512xi32, #tpu.memory_space<vmem>>, vector<16xi32>,
    %get3A_646 = arith.constant 16 : index
    %get3A_647 = tpu.vector_load %arg7[%get3A_646] {strides = array<i32>} : memref<512xi32, #tpu.memory_space<vmem>>, vector<16xi32>,
    %eq3A_648 = arith.constant 0 : i32
    %eq3A_649 = vector.broadcast %eq3A_648 : i32 to vector<16xi32>
    %eq3A_650 = arith.cmpi eq, %get3A_647, %eq3A_649 : vector<16xi32>
    %ne3A_651 = arith.constant 0 : i32
    %ne3A_652 = vector.broadcast %ne3A_651 : i32 to vector<16xi32>
    %ne3A_653 = arith.cmpi ne, %get3A_647, %ne3A_652 : vector<16xi32>
    %add3A_654 = arith.constant 16 : i32
    %add3A_655 = arith.addi %mul3A_2, %add3A_654 : i32
    %add3A_656 = vector.broadcast %add3A_655 : i32 to vector<16xi32>
    %add3A_657 = arith.addi %iota3A, %add3A_656 : vector<16xi32>
    %masked_cumsum3A_658 = tpu.scan <sum>, %broadcast_in_dim3A_543 masked %eq3A_650 : vector<16xi32>, vector<16xi1> -> vector<16xi32>
    %add3A_659 = vector.broadcast %add3A_639 : i32 to vector<16xi32>
    %add3A_660 = arith.addi %add3A_659, %masked_cumsum3A_658 : vector<16xi32>
    %sub3A_661 = arith.constant 1 : i32
    %sub3A_662 = vector.broadcast %sub3A_661 : i32 to vector<16xi32>
    %sub3A_663 = arith.subi %add3A_660, %sub3A_662 : vector<16xi32>
    tpu.vector_store_idx %arg8[%sub3A_663], %get3A_645 masked %eq3A_650 : memref<512xi32, #tpu.memory_space<vmem>>[vector<16xi32>], vector<16xi32>, vector<16xi1>
    tpu.vector_store_idx %arg9[%sub3A_663], %add3A_657 masked %eq3A_650 : memref<512xi32, #tpu.memory_space<vmem>>[vector<16xi32>], vector<16xi32>, vector<16xi1>
    %masked_cumsum3A_664 = tpu.scan <sum>, %broadcast_in_dim3A_543 masked %ne3A_653 : vector<16xi32>, vector<16xi1> -> vector<16xi32>
    %sub3A_665 = vector.broadcast %sub3A_643 : i32 to vector<16xi32>
    %sub3A_666 = arith.subi %sub3A_665, %masked_cumsum3A_664 : vector<16xi32>
    tpu.vector_store_idx %arg9[%sub3A_666], %add3A_657 masked %ne3A_653 : memref<512xi32, #tpu.memory_space<vmem>>[vector<16xi32>], vector<16xi32>, vector<16xi1>
    %all_reduce_population_count3A_667 = tpu.all_reduce %eq3A_650 {dim = 0 : i64, kind = #tpu.reduction_kind<sum>} : vector<16xi1> -> vector<16xi32>
    %reduce_max3A_668 = arith.constant true
    %reduce_max3A_669 = vector.broadcast %reduce_max3A_668 : i1 to vector<16xi1>
    %reduce_max3A_670 = arith.constant -2147483648 : i32
    %reduce_max3A_671 = vector.broadcast %reduce_max3A_670 : i32 to vector<16xi32>
    %reduce_max3A_672 = arith.xori %all_reduce_population_count3A_667, %reduce_max3A_671 : vector<16xi32>
    %reduce_max3A_673 = tpu.scan <max>, %reduce_max3A_672 masked %reduce_max3A_669 : vector<16xi32>, vector<16xi1> -> vector<16xi32>
    %reduce_max3A_674 = arith.xori %reduce_max3A_673, %reduce_max3A_671 : vector<16xi32>
    %reduce_max3A_675 = vector.extract %reduce_max3A_674[15] : i32 from vector<16xi32>
    %add3A_676 = arith.addi %add3A_639, %reduce_max3A_675 : i32
    %sub3A_677 = arith.constant 16 : i32
    %sub3A_678 = arith.subi %sub3A_677, %reduce_max3A_675 : i32
    %sub3A_679 = arith.subi %sub3A_643, %sub3A_678 : i32
    %get3A_680 = arith.constant 32 : index
    %get3A_681 = tpu.vector_load %arg6[%get3A_680] {strides = array<i32>} : memref<512xi32, #tpu.memory_space<vmem>>, vector<16xi32>,
    %get3A_682 = arith.constant 32 : index
    %get3A_683 = tpu.vector_load %arg7[%get3A_682] {strides = array<i32>} : memref<512xi32, #tpu.memory_space<vmem>>, vector<16xi32>,
    %eq3A_684 = arith.constant 0 : i32
    %eq3A_685 = vector.broadcast %eq3A_684 : i32 to vector<16xi32>
    %eq3A_686 = arith.cmpi eq, %get3A_683, %eq3A_685 : vector<16xi32>
    %ne3A_687 = arith.constant 0 : i32
    %ne3A_688 = vector.broadcast %ne3A_687 : i32 to vector<16xi32>
    %ne3A_689 = arith.cmpi ne, %get3A_683, %ne3A_688 : vector<16xi32>
    %add3A_690 = arith.constant 32 : i32
    %add3A_691 = arith.addi %mul3A_2, %add3A_690 : i32
    %add3A_692 = vector.broadcast %add3A_691 : i32 to vector<16xi32>
    %add3A_693 = arith.addi %iota3A, %add3A_692 : vector<16xi32>
    %masked_cumsum3A_694 = tpu.scan <sum>, %broadcast_in_dim3A_543 masked %eq3A_686 : vector<16xi32>, vector<16xi1> -> vector<16xi32>
    %add3A_695 = vector.broadcast %add3A_676 : i32 to vector<16xi32>
    %add3A_696 = arith.addi %add3A_695, %masked_cumsum3A_694 : vector<16xi32>
    %sub3A_697 = arith.constant 1 : i32
    %sub3A_698 = vector.broadcast %sub3A_697 : i32 to vector<16xi32>
    %sub3A_699 = arith.subi %add3A_696, %sub3A_698 : vector<16xi32>
    tpu.vector_store_idx %arg8[%sub3A_699], %get3A_681 masked %eq3A_686 : memref<512xi32, #tpu.memory_space<vmem>>[vector<16xi32>], vector<16xi32>, vector<16xi1>
    tpu.vector_store_idx %arg9[%sub3A_699], %add3A_693 masked %eq3A_686 : memref<512xi32, #tpu.memory_space<vmem>>[vector<16xi32>], vector<16xi32>, vector<16xi1>
    %masked_cumsum3A_700 = tpu.scan <sum>, %broadcast_in_dim3A_543 masked %ne3A_689 : vector<16xi32>, vector<16xi1> -> vector<16xi32>
    %sub3A_701 = vector.broadcast %sub3A_679 : i32 to vector<16xi32>
    %sub3A_702 = arith.subi %sub3A_701, %masked_cumsum3A_700 : vector<16xi32>
    tpu.vector_store_idx %arg9[%sub3A_702], %add3A_693 masked %ne3A_689 : memref<512xi32, #tpu.memory_space<vmem>>[vector<16xi32>], vector<16xi32>, vector<16xi1>
    %all_reduce_population_count3A_703 = tpu.all_reduce %eq3A_686 {dim = 0 : i64, kind = #tpu.reduction_kind<sum>} : vector<16xi1> -> vector<16xi32>
    %reduce_max3A_704 = arith.constant true
    %reduce_max3A_705 = vector.broadcast %reduce_max3A_704 : i1 to vector<16xi1>
    %reduce_max3A_706 = arith.constant -2147483648 : i32
    %reduce_max3A_707 = vector.broadcast %reduce_max3A_706 : i32 to vector<16xi32>
    %reduce_max3A_708 = arith.xori %all_reduce_population_count3A_703, %reduce_max3A_707 : vector<16xi32>
    %reduce_max3A_709 = tpu.scan <max>, %reduce_max3A_708 masked %reduce_max3A_705 : vector<16xi32>, vector<16xi1> -> vector<16xi32>
    %reduce_max3A_710 = arith.xori %reduce_max3A_709, %reduce_max3A_707 : vector<16xi32>
    %reduce_max3A_711 = vector.extract %reduce_max3A_710[15] : i32 from vector<16xi32>
    %add3A_712 = arith.addi %add3A_676, %reduce_max3A_711 : i32
    %sub3A_713 = arith.constant 16 : i32
    %sub3A_714 = arith.subi %sub3A_713, %reduce_max3A_711 : i32
    %sub3A_715 = arith.subi %sub3A_679, %sub3A_714 : i32
    %get3A_716 = arith.constant 48 : index
    %get3A_717 = tpu.vector_load %arg6[%get3A_716] {strides = array<i32>} : memref<512xi32, #tpu.memory_space<vmem>>, vector<16xi32>,
    %get3A_718 = arith.constant 48 : index
    %get3A_719 = tpu.vector_load %arg7[%get3A_718] {strides = array<i32>} : memref<512xi32, #tpu.memory_space<vmem>>, vector<16xi32>,
    %eq3A_720 = arith.constant 0 : i32
    %eq3A_721 = vector.broadcast %eq3A_720 : i32 to vector<16xi32>
    %eq3A_722 = arith.cmpi eq, %get3A_719, %eq3A_721 : vector<16xi32>
    %ne3A_723 = arith.constant 0 : i32
    %ne3A_724 = vector.broadcast %ne3A_723 : i32 to vector<16xi32>
    %ne3A_725 = arith.cmpi ne, %get3A_719, %ne3A_724 : vector<16xi32>
    %add3A_726 = arith.constant 48 : i32
    %add3A_727 = arith.addi %mul3A_2, %add3A_726 : i32
    %add3A_728 = vector.broadcast %add3A_727 : i32 to vector<16xi32>
    %add3A_729 = arith.addi %iota3A, %add3A_728 : vector<16xi32>
    %masked_cumsum3A_730 = tpu.scan <sum>, %broadcast_in_dim3A_543 masked %eq3A_722 : vector<16xi32>, vector<16xi1> -> vector<16xi32>
    %add3A_731 = vector.broadcast %add3A_712 : i32 to vector<16xi32>
    %add3A_732 = arith.addi %add3A_731, %masked_cumsum3A_730 : vector<16xi32>
    %sub3A_733 = arith.constant 1 : i32
    %sub3A_734 = vector.broadcast %sub3A_733 : i32 to vector<16xi32>
    %sub3A_735 = arith.subi %add3A_732, %sub3A_734 : vector<16xi32>
    tpu.vector_store_idx %arg8[%sub3A_735], %get3A_717 masked %eq3A_722 : memref<512xi32, #tpu.memory_space<vmem>>[vector<16xi32>], vector<16xi32>, vector<16xi1>
    tpu.vector_store_idx %arg9[%sub3A_735], %add3A_729 masked %eq3A_722 : memref<512xi32, #tpu.memory_space<vmem>>[vector<16xi32>], vector<16xi32>, vector<16xi1>
    %masked_cumsum3A_736 = tpu.scan <sum>, %broadcast_in_dim3A_543 masked %ne3A_725 : vector<16xi32>, vector<16xi1> -> vector<16xi32>
    %sub3A_737 = vector.broadcast %sub3A_715 : i32 to vector<16xi32>
    %sub3A_738 = arith.subi %sub3A_737, %masked_cumsum3A_736 : vector<16xi32>
    tpu.vector_store_idx %arg9[%sub3A_738], %add3A_729 masked %ne3A_725 : memref<512xi32, #tpu.memory_space<vmem>>[vector<16xi32>], vector<16xi32>, vector<16xi1>
    %all_reduce_population_count3A_739 = tpu.all_reduce %eq3A_722 {dim = 0 : i64, kind = #tpu.reduction_kind<sum>} : vector<16xi1> -> vector<16xi32>
    %reduce_max3A_740 = arith.constant true
    %reduce_max3A_741 = vector.broadcast %reduce_max3A_740 : i1 to vector<16xi1>
    %reduce_max3A_742 = arith.constant -2147483648 : i32
    %reduce_max3A_743 = vector.broadcast %reduce_max3A_742 : i32 to vector<16xi32>
    %reduce_max3A_744 = arith.xori %all_reduce_population_count3A_739, %reduce_max3A_743 : vector<16xi32>
    %reduce_max3A_745 = tpu.scan <max>, %reduce_max3A_744 masked %reduce_max3A_741 : vector<16xi32>, vector<16xi1> -> vector<16xi32>
    %reduce_max3A_746 = arith.xori %reduce_max3A_745, %reduce_max3A_743 : vector<16xi32>
    %reduce_max3A_747 = vector.extract %reduce_max3A_746[15] : i32 from vector<16xi32>
    %add3A_748 = arith.addi %add3A_712, %reduce_max3A_747 : i32
    %sub3A_749 = arith.constant 16 : i32
    %sub3A_750 = arith.subi %sub3A_749, %reduce_max3A_747 : i32
    %sub3A_751 = arith.subi %sub3A_715, %sub3A_750 : i32
    %get3A_752 = arith.constant 64 : index
    %get3A_753 = tpu.vector_load %arg6[%get3A_752] {strides = array<i32>} : memref<512xi32, #tpu.memory_space<vmem>>, vector<16xi32>,
    %get3A_754 = arith.constant 64 : index
    %get3A_755 = tpu.vector_load %arg7[%get3A_754] {strides = array<i32>} : memref<512xi32, #tpu.memory_space<vmem>>, vector<16xi32>,
    %eq3A_756 = arith.constant 0 : i32
    %eq3A_757 = vector.broadcast %eq3A_756 : i32 to vector<16xi32>
    %eq3A_758 = arith.cmpi eq, %get3A_755, %eq3A_757 : vector<16xi32>
    %ne3A_759 = arith.constant 0 : i32
    %ne3A_760 = vector.broadcast %ne3A_759 : i32 to vector<16xi32>
    %ne3A_761 = arith.cmpi ne, %get3A_755, %ne3A_760 : vector<16xi32>
    %add3A_762 = arith.constant 64 : i32
    %add3A_763 = arith.addi %mul3A_2, %add3A_762 : i32
    %add3A_764 = vector.broadcast %add3A_763 : i32 to vector<16xi32>
    %add3A_765 = arith.addi %iota3A, %add3A_764 : vector<16xi32>
    %masked_cumsum3A_766 = tpu.scan <sum>, %broadcast_in_dim3A_543 masked %eq3A_758 : vector<16xi32>, vector<16xi1> -> vector<16xi32>
    %add3A_767 = vector.broadcast %add3A_748 : i32 to vector<16xi32>
    %add3A_768 = arith.addi %add3A_767, %masked_cumsum3A_766 : vector<16xi32>
    %sub3A_769 = arith.constant 1 : i32
    %sub3A_770 = vector.broadcast %sub3A_769 : i32 to vector<16xi32>
    %sub3A_771 = arith.subi %add3A_768, %sub3A_770 : vector<16xi32>
    tpu.vector_store_idx %arg8[%sub3A_771], %get3A_753 masked %eq3A_758 : memref<512xi32, #tpu.memory_space<vmem>>[vector<16xi32>], vector<16xi32>, vector<16xi1>
    tpu.vector_store_idx %arg9[%sub3A_771], %add3A_765 masked %eq3A_758 : memref<512xi32, #tpu.memory_space<vmem>>[vector<16xi32>], vector<16xi32>, vector<16xi1>
    %masked_cumsum3A_772 = tpu.scan <sum>, %broadcast_in_dim3A_543 masked %ne3A_761 : vector<16xi32>, vector<16xi1> -> vector<16xi32>
    %sub3A_773 = vector.broadcast %sub3A_751 : i32 to vector<16xi32>
    %sub3A_774 = arith.subi %sub3A_773, %masked_cumsum3A_772 : vector<16xi32>
    tpu.vector_store_idx %arg9[%sub3A_774], %add3A_765 masked %ne3A_761 : memref<512xi32, #tpu.memory_space<vmem>>[vector<16xi32>], vector<16xi32>, vector<16xi1>
    %all_reduce_population_count3A_775 = tpu.all_reduce %eq3A_758 {dim = 0 : i64, kind = #tpu.reduction_kind<sum>} : vector<16xi1> -> vector<16xi32>
    %reduce_max3A_776 = arith.constant true
    %reduce_max3A_777 = vector.broadcast %reduce_max3A_776 : i1 to vector<16xi1>
    %reduce_max3A_778 = arith.constant -2147483648 : i32
    %reduce_max3A_779 = vector.broadcast %reduce_max3A_778 : i32 to vector<16xi32>
    %reduce_max3A_780 = arith.xori %all_reduce_population_count3A_775, %reduce_max3A_779 : vector<16xi32>
    %reduce_max3A_781 = tpu.scan <max>, %reduce_max3A_780 masked %reduce_max3A_777 : vector<16xi32>, vector<16xi1> -> vector<16xi32>
    %reduce_max3A_782 = arith.xori %reduce_max3A_781, %reduce_max3A_779 : vector<16xi32>
    %reduce_max3A_783 = vector.extract %reduce_max3A_782[15] : i32 from vector<16xi32>
    %add3A_784 = arith.addi %add3A_748, %reduce_max3A_783 : i32
    %sub3A_785 = arith.constant 16 : i32
    %sub3A_786 = arith.subi %sub3A_785, %reduce_max3A_783 : i32
    %sub3A_787 = arith.subi %sub3A_751, %sub3A_786 : i32
    %get3A_788 = arith.constant 80 : index
    %get3A_789 = tpu.vector_load %arg6[%get3A_788] {strides = array<i32>} : memref<512xi32, #tpu.memory_space<vmem>>, vector<16xi32>,
    %get3A_790 = arith.constant 80 : index
    %get3A_791 = tpu.vector_load %arg7[%get3A_790] {strides = array<i32>} : memref<512xi32, #tpu.memory_space<vmem>>, vector<16xi32>,
    %eq3A_792 = arith.constant 0 : i32
    %eq3A_793 = vector.broadcast %eq3A_792 : i32 to vector<16xi32>
    %eq3A_794 = arith.cmpi eq, %get3A_791, %eq3A_793 : vector<16xi32>
    %ne3A_795 = arith.constant 0 : i32
    %ne3A_796 = vector.broadcast %ne3A_795 : i32 to vector<16xi32>
    %ne3A_797 = arith.cmpi ne, %get3A_791, %ne3A_796 : vector<16xi32>
    %add3A_798 = arith.constant 80 : i32
    %add3A_799 = arith.addi %mul3A_2, %add3A_798 : i32
    %add3A_800 = vector.broadcast %add3A_799 : i32 to vector<16xi32>
    %add3A_801 = arith.addi %iota3A, %add3A_800 : vector<16xi32>
    %masked_cumsum3A_802 = tpu.scan <sum>, %broadcast_in_dim3A_543 masked %eq3A_794 : vector<16xi32>, vector<16xi1> -> vector<16xi32>
    %add3A_803 = vector.broadcast %add3A_784 : i32 to vector<16xi32>
    %add3A_804 = arith.addi %add3A_803, %masked_cumsum3A_802 : vector<16xi32>
    %sub3A_805 = arith.constant 1 : i32
    %sub3A_806 = vector.broadcast %sub3A_805 : i32 to vector<16xi32>
    %sub3A_807 = arith.subi %add3A_804, %sub3A_806 : vector<16xi32>
    tpu.vector_store_idx %arg8[%sub3A_807], %get3A_789 masked %eq3A_794 : memref<512xi32, #tpu.memory_space<vmem>>[vector<16xi32>], vector<16xi32>, vector<16xi1>
    tpu.vector_store_idx %arg9[%sub3A_807], %add3A_801 masked %eq3A_794 : memref<512xi32, #tpu.memory_space<vmem>>[vector<16xi32>], vector<16xi32>, vector<16xi1>
    %masked_cumsum3A_808 = tpu.scan <sum>, %broadcast_in_dim3A_543 masked %ne3A_797 : vector<16xi32>, vector<16xi1> -> vector<16xi32>
    %sub3A_809 = vector.broadcast %sub3A_787 : i32 to vector<16xi32>
    %sub3A_810 = arith.subi %sub3A_809, %masked_cumsum3A_808 : vector<16xi32>
    tpu.vector_store_idx %arg9[%sub3A_810], %add3A_801 masked %ne3A_797 : memref<512xi32, #tpu.memory_space<vmem>>[vector<16xi32>], vector<16xi32>, vector<16xi1>
    %all_reduce_population_count3A_811 = tpu.all_reduce %eq3A_794 {dim = 0 : i64, kind = #tpu.reduction_kind<sum>} : vector<16xi1> -> vector<16xi32>
    %reduce_max3A_812 = arith.constant true
    %reduce_max3A_813 = vector.broadcast %reduce_max3A_812 : i1 to vector<16xi1>
    %reduce_max3A_814 = arith.constant -2147483648 : i32
    %reduce_max3A_815 = vector.broadcast %reduce_max3A_814 : i32 to vector<16xi32>
    %reduce_max3A_816 = arith.xori %all_reduce_population_count3A_811, %reduce_max3A_815 : vector<16xi32>
    %reduce_max3A_817 = tpu.scan <max>, %reduce_max3A_816 masked %reduce_max3A_813 : vector<16xi32>, vector<16xi1> -> vector<16xi32>
    %reduce_max3A_818 = arith.xori %reduce_max3A_817, %reduce_max3A_815 : vector<16xi32>
    %reduce_max3A_819 = vector.extract %reduce_max3A_818[15] : i32 from vector<16xi32>
    %add3A_820 = arith.addi %add3A_784, %reduce_max3A_819 : i32
    %sub3A_821 = arith.constant 16 : i32
    %sub3A_822 = arith.subi %sub3A_821, %reduce_max3A_819 : i32
    %sub3A_823 = arith.subi %sub3A_787, %sub3A_822 : i32
    %get3A_824 = arith.constant 96 : index
    %get3A_825 = tpu.vector_load %arg6[%get3A_824] {strides = array<i32>} : memref<512xi32, #tpu.memory_space<vmem>>, vector<16xi32>,
    %get3A_826 = arith.constant 96 : index
    %get3A_827 = tpu.vector_load %arg7[%get3A_826] {strides = array<i32>} : memref<512xi32, #tpu.memory_space<vmem>>, vector<16xi32>,
    %eq3A_828 = arith.constant 0 : i32
    %eq3A_829 = vector.broadcast %eq3A_828 : i32 to vector<16xi32>
    %eq3A_830 = arith.cmpi eq, %get3A_827, %eq3A_829 : vector<16xi32>
    %ne3A_831 = arith.constant 0 : i32
    %ne3A_832 = vector.broadcast %ne3A_831 : i32 to vector<16xi32>
    %ne3A_833 = arith.cmpi ne, %get3A_827, %ne3A_832 : vector<16xi32>
    %add3A_834 = arith.constant 96 : i32
    %add3A_835 = arith.addi %mul3A_2, %add3A_834 : i32
    %add3A_836 = vector.broadcast %add3A_835 : i32 to vector<16xi32>
    %add3A_837 = arith.addi %iota3A, %add3A_836 : vector<16xi32>
    %masked_cumsum3A_838 = tpu.scan <sum>, %broadcast_in_dim3A_543 masked %eq3A_830 : vector<16xi32>, vector<16xi1> -> vector<16xi32>
    %add3A_839 = vector.broadcast %add3A_820 : i32 to vector<16xi32>
    %add3A_840 = arith.addi %add3A_839, %masked_cumsum3A_838 : vector<16xi32>
    %sub3A_841 = arith.constant 1 : i32
    %sub3A_842 = vector.broadcast %sub3A_841 : i32 to vector<16xi32>
    %sub3A_843 = arith.subi %add3A_840, %sub3A_842 : vector<16xi32>
    tpu.vector_store_idx %arg8[%sub3A_843], %get3A_825 masked %eq3A_830 : memref<512xi32, #tpu.memory_space<vmem>>[vector<16xi32>], vector<16xi32>, vector<16xi1>
    tpu.vector_store_idx %arg9[%sub3A_843], %add3A_837 masked %eq3A_830 : memref<512xi32, #tpu.memory_space<vmem>>[vector<16xi32>], vector<16xi32>, vector<16xi1>
    %masked_cumsum3A_844 = tpu.scan <sum>, %broadcast_in_dim3A_543 masked %ne3A_833 : vector<16xi32>, vector<16xi1> -> vector<16xi32>
    %sub3A_845 = vector.broadcast %sub3A_823 : i32 to vector<16xi32>
    %sub3A_846 = arith.subi %sub3A_845, %masked_cumsum3A_844 : vector<16xi32>
    tpu.vector_store_idx %arg9[%sub3A_846], %add3A_837 masked %ne3A_833 : memref<512xi32, #tpu.memory_space<vmem>>[vector<16xi32>], vector<16xi32>, vector<16xi1>
    %all_reduce_population_count3A_847 = tpu.all_reduce %eq3A_830 {dim = 0 : i64, kind = #tpu.reduction_kind<sum>} : vector<16xi1> -> vector<16xi32>
    %reduce_max3A_848 = arith.constant true
    %reduce_max3A_849 = vector.broadcast %reduce_max3A_848 : i1 to vector<16xi1>
    %reduce_max3A_850 = arith.constant -2147483648 : i32
    %reduce_max3A_851 = vector.broadcast %reduce_max3A_850 : i32 to vector<16xi32>
    %reduce_max3A_852 = arith.xori %all_reduce_population_count3A_847, %reduce_max3A_851 : vector<16xi32>
    %reduce_max3A_853 = tpu.scan <max>, %reduce_max3A_852 masked %reduce_max3A_849 : vector<16xi32>, vector<16xi1> -> vector<16xi32>
    %reduce_max3A_854 = arith.xori %reduce_max3A_853, %reduce_max3A_851 : vector<16xi32>
    %reduce_max3A_855 = vector.extract %reduce_max3A_854[15] : i32 from vector<16xi32>
    %add3A_856 = arith.addi %add3A_820, %reduce_max3A_855 : i32
    %sub3A_857 = arith.constant 16 : i32
    %sub3A_858 = arith.subi %sub3A_857, %reduce_max3A_855 : i32
    %sub3A_859 = arith.subi %sub3A_823, %sub3A_858 : i32
    %get3A_860 = arith.constant 112 : index
    %get3A_861 = tpu.vector_load %arg6[%get3A_860] {strides = array<i32>} : memref<512xi32, #tpu.memory_space<vmem>>, vector<16xi32>,
    %get3A_862 = arith.constant 112 : index
    %get3A_863 = tpu.vector_load %arg7[%get3A_862] {strides = array<i32>} : memref<512xi32, #tpu.memory_space<vmem>>, vector<16xi32>,
    %eq3A_864 = arith.constant 0 : i32
    %eq3A_865 = vector.broadcast %eq3A_864 : i32 to vector<16xi32>
    %eq3A_866 = arith.cmpi eq, %get3A_863, %eq3A_865 : vector<16xi32>
    %ne3A_867 = arith.constant 0 : i32
    %ne3A_868 = vector.broadcast %ne3A_867 : i32 to vector<16xi32>
    %ne3A_869 = arith.cmpi ne, %get3A_863, %ne3A_868 : vector<16xi32>
    %add3A_870 = arith.constant 112 : i32
    %add3A_871 = arith.addi %mul3A_2, %add3A_870 : i32
    %add3A_872 = vector.broadcast %add3A_871 : i32 to vector<16xi32>
    %add3A_873 = arith.addi %iota3A, %add3A_872 : vector<16xi32>
    %masked_cumsum3A_874 = tpu.scan <sum>, %broadcast_in_dim3A_543 masked %eq3A_866 : vector<16xi32>, vector<16xi1> -> vector<16xi32>
    %add3A_875 = vector.broadcast %add3A_856 : i32 to vector<16xi32>
    %add3A_876 = arith.addi %add3A_875, %masked_cumsum3A_874 : vector<16xi32>
    %sub3A_877 = arith.constant 1 : i32
    %sub3A_878 = vector.broadcast %sub3A_877 : i32 to vector<16xi32>
    %sub3A_879 = arith.subi %add3A_876, %sub3A_878 : vector<16xi32>
    tpu.vector_store_idx %arg8[%sub3A_879], %get3A_861 masked %eq3A_866 : memref<512xi32, #tpu.memory_space<vmem>>[vector<16xi32>], vector<16xi32>, vector<16xi1>
    tpu.vector_store_idx %arg9[%sub3A_879], %add3A_873 masked %eq3A_866 : memref<512xi32, #tpu.memory_space<vmem>>[vector<16xi32>], vector<16xi32>, vector<16xi1>
    %masked_cumsum3A_880 = tpu.scan <sum>, %broadcast_in_dim3A_543 masked %ne3A_869 : vector<16xi32>, vector<16xi1> -> vector<16xi32>
    %sub3A_881 = vector.broadcast %sub3A_859 : i32 to vector<16xi32>
    %sub3A_882 = arith.subi %sub3A_881, %masked_cumsum3A_880 : vector<16xi32>
    tpu.vector_store_idx %arg9[%sub3A_882], %add3A_873 masked %ne3A_869 : memref<512xi32, #tpu.memory_space<vmem>>[vector<16xi32>], vector<16xi32>, vector<16xi1>
    %all_reduce_population_count3A_883 = tpu.all_reduce %eq3A_866 {dim = 0 : i64, kind = #tpu.reduction_kind<sum>} : vector<16xi1> -> vector<16xi32>
    %reduce_max3A_884 = arith.constant true
    %reduce_max3A_885 = vector.broadcast %reduce_max3A_884 : i1 to vector<16xi1>
    %reduce_max3A_886 = arith.constant -2147483648 : i32
    %reduce_max3A_887 = vector.broadcast %reduce_max3A_886 : i32 to vector<16xi32>
    %reduce_max3A_888 = arith.xori %all_reduce_population_count3A_883, %reduce_max3A_887 : vector<16xi32>
    %reduce_max3A_889 = tpu.scan <max>, %reduce_max3A_888 masked %reduce_max3A_885 : vector<16xi32>, vector<16xi1> -> vector<16xi32>
    %reduce_max3A_890 = arith.xori %reduce_max3A_889, %reduce_max3A_887 : vector<16xi32>
    %reduce_max3A_891 = vector.extract %reduce_max3A_890[15] : i32 from vector<16xi32>
    %add3A_892 = arith.addi %add3A_856, %reduce_max3A_891 : i32
    %sub3A_893 = arith.constant 16 : i32
    %sub3A_894 = arith.subi %sub3A_893, %reduce_max3A_891 : i32
    %sub3A_895 = arith.subi %sub3A_859, %sub3A_894 : i32
    %get3A_896 = arith.constant 128 : index
    %get3A_897 = tpu.vector_load %arg6[%get3A_896] {strides = array<i32>} : memref<512xi32, #tpu.memory_space<vmem>>, vector<16xi32>,
    %get3A_898 = arith.constant 128 : index
    %get3A_899 = tpu.vector_load %arg7[%get3A_898] {strides = array<i32>} : memref<512xi32, #tpu.memory_space<vmem>>, vector<16xi32>,
    %eq3A_900 = arith.constant 0 : i32
    %eq3A_901 = vector.broadcast %eq3A_900 : i32 to vector<16xi32>
    %eq3A_902 = arith.cmpi eq, %get3A_899, %eq3A_901 : vector<16xi32>
    %ne3A_903 = arith.constant 0 : i32
    %ne3A_904 = vector.broadcast %ne3A_903 : i32 to vector<16xi32>
    %ne3A_905 = arith.cmpi ne, %get3A_899, %ne3A_904 : vector<16xi32>
    %add3A_906 = arith.constant 128 : i32
    %add3A_907 = arith.addi %mul3A_2, %add3A_906 : i32
    %add3A_908 = vector.broadcast %add3A_907 : i32 to vector<16xi32>
    %add3A_909 = arith.addi %iota3A, %add3A_908 : vector<16xi32>
    %masked_cumsum3A_910 = tpu.scan <sum>, %broadcast_in_dim3A_543 masked %eq3A_902 : vector<16xi32>, vector<16xi1> -> vector<16xi32>
    %add3A_911 = vector.broadcast %add3A_892 : i32 to vector<16xi32>
    %add3A_912 = arith.addi %add3A_911, %masked_cumsum3A_910 : vector<16xi32>
    %sub3A_913 = arith.constant 1 : i32
    %sub3A_914 = vector.broadcast %sub3A_913 : i32 to vector<16xi32>
    %sub3A_915 = arith.subi %add3A_912, %sub3A_914 : vector<16xi32>
    tpu.vector_store_idx %arg8[%sub3A_915], %get3A_897 masked %eq3A_902 : memref<512xi32, #tpu.memory_space<vmem>>[vector<16xi32>], vector<16xi32>, vector<16xi1>
    tpu.vector_store_idx %arg9[%sub3A_915], %add3A_909 masked %eq3A_902 : memref<512xi32, #tpu.memory_space<vmem>>[vector<16xi32>], vector<16xi32>, vector<16xi1>
    %masked_cumsum3A_916 = tpu.scan <sum>, %broadcast_in_dim3A_543 masked %ne3A_905 : vector<16xi32>, vector<16xi1> -> vector<16xi32>
    %sub3A_917 = vector.broadcast %sub3A_895 : i32 to vector<16xi32>
    %sub3A_918 = arith.subi %sub3A_917, %masked_cumsum3A_916 : vector<16xi32>
    tpu.vector_store_idx %arg9[%sub3A_918], %add3A_909 masked %ne3A_905 : memref<512xi32, #tpu.memory_space<vmem>>[vector<16xi32>], vector<16xi32>, vector<16xi1>
    %all_reduce_population_count3A_919 = tpu.all_reduce %eq3A_902 {dim = 0 : i64, kind = #tpu.reduction_kind<sum>} : vector<16xi1> -> vector<16xi32>
    %reduce_max3A_920 = arith.constant true
    %reduce_max3A_921 = vector.broadcast %reduce_max3A_920 : i1 to vector<16xi1>
    %reduce_max3A_922 = arith.constant -2147483648 : i32
    %reduce_max3A_923 = vector.broadcast %reduce_max3A_922 : i32 to vector<16xi32>
    %reduce_max3A_924 = arith.xori %all_reduce_population_count3A_919, %reduce_max3A_923 : vector<16xi32>
    %reduce_max3A_925 = tpu.scan <max>, %reduce_max3A_924 masked %reduce_max3A_921 : vector<16xi32>, vector<16xi1> -> vector<16xi32>
    %reduce_max3A_926 = arith.xori %reduce_max3A_925, %reduce_max3A_923 : vector<16xi32>
    %reduce_max3A_927 = vector.extract %reduce_max3A_926[15] : i32 from vector<16xi32>
    %add3A_928 = arith.addi %add3A_892, %reduce_max3A_927 : i32
    %sub3A_929 = arith.constant 16 : i32
    %sub3A_930 = arith.subi %sub3A_929, %reduce_max3A_927 : i32
    %sub3A_931 = arith.subi %sub3A_895, %sub3A_930 : i32
    %get3A_932 = arith.constant 144 : index
    %get3A_933 = tpu.vector_load %arg6[%get3A_932] {strides = array<i32>} : memref<512xi32, #tpu.memory_space<vmem>>, vector<16xi32>,
    %get3A_934 = arith.constant 144 : index
    %get3A_935 = tpu.vector_load %arg7[%get3A_934] {strides = array<i32>} : memref<512xi32, #tpu.memory_space<vmem>>, vector<16xi32>,
    %eq3A_936 = arith.constant 0 : i32
    %eq3A_937 = vector.broadcast %eq3A_936 : i32 to vector<16xi32>
    %eq3A_938 = arith.cmpi eq, %get3A_935, %eq3A_937 : vector<16xi32>
    %ne3A_939 = arith.constant 0 : i32
    %ne3A_940 = vector.broadcast %ne3A_939 : i32 to vector<16xi32>
    %ne3A_941 = arith.cmpi ne, %get3A_935, %ne3A_940 : vector<16xi32>
    %add3A_942 = arith.constant 144 : i32
    %add3A_943 = arith.addi %mul3A_2, %add3A_942 : i32
    %add3A_944 = vector.broadcast %add3A_943 : i32 to vector<16xi32>
    %add3A_945 = arith.addi %iota3A, %add3A_944 : vector<16xi32>
    %masked_cumsum3A_946 = tpu.scan <sum>, %broadcast_in_dim3A_543 masked %eq3A_938 : vector<16xi32>, vector<16xi1> -> vector<16xi32>
    %add3A_947 = vector.broadcast %add3A_928 : i32 to vector<16xi32>
    %add3A_948 = arith.addi %add3A_947, %masked_cumsum3A_946 : vector<16xi32>
    %sub3A_949 = arith.constant 1 : i32
    %sub3A_950 = vector.broadcast %sub3A_949 : i32 to vector<16xi32>
    %sub3A_951 = arith.subi %add3A_948, %sub3A_950 : vector<16xi32>
    tpu.vector_store_idx %arg8[%sub3A_951], %get3A_933 masked %eq3A_938 : memref<512xi32, #tpu.memory_space<vmem>>[vector<16xi32>], vector<16xi32>, vector<16xi1>
    tpu.vector_store_idx %arg9[%sub3A_951], %add3A_945 masked %eq3A_938 : memref<512xi32, #tpu.memory_space<vmem>>[vector<16xi32>], vector<16xi32>, vector<16xi1>
    %masked_cumsum3A_952 = tpu.scan <sum>, %broadcast_in_dim3A_543 masked %ne3A_941 : vector<16xi32>, vector<16xi1> -> vector<16xi32>
    %sub3A_953 = vector.broadcast %sub3A_931 : i32 to vector<16xi32>
    %sub3A_954 = arith.subi %sub3A_953, %masked_cumsum3A_952 : vector<16xi32>
    tpu.vector_store_idx %arg9[%sub3A_954], %add3A_945 masked %ne3A_941 : memref<512xi32, #tpu.memory_space<vmem>>[vector<16xi32>], vector<16xi32>, vector<16xi1>
    %all_reduce_population_count3A_955 = tpu.all_reduce %eq3A_938 {dim = 0 : i64, kind = #tpu.reduction_kind<sum>} : vector<16xi1> -> vector<16xi32>
    %reduce_max3A_956 = arith.constant true
    %reduce_max3A_957 = vector.broadcast %reduce_max3A_956 : i1 to vector<16xi1>
    %reduce_max3A_958 = arith.constant -2147483648 : i32
    %reduce_max3A_959 = vector.broadcast %reduce_max3A_958 : i32 to vector<16xi32>
    %reduce_max3A_960 = arith.xori %all_reduce_population_count3A_955, %reduce_max3A_959 : vector<16xi32>
    %reduce_max3A_961 = tpu.scan <max>, %reduce_max3A_960 masked %reduce_max3A_957 : vector<16xi32>, vector<16xi1> -> vector<16xi32>
    %reduce_max3A_962 = arith.xori %reduce_max3A_961, %reduce_max3A_959 : vector<16xi32>
    %reduce_max3A_963 = vector.extract %reduce_max3A_962[15] : i32 from vector<16xi32>
    %add3A_964 = arith.addi %add3A_928, %reduce_max3A_963 : i32
    %sub3A_965 = arith.constant 16 : i32
    %sub3A_966 = arith.subi %sub3A_965, %reduce_max3A_963 : i32
    %sub3A_967 = arith.subi %sub3A_931, %sub3A_966 : i32
    %get3A_968 = arith.constant 160 : index
    %get3A_969 = tpu.vector_load %arg6[%get3A_968] {strides = array<i32>} : memref<512xi32, #tpu.memory_space<vmem>>, vector<16xi32>,
    %get3A_970 = arith.constant 160 : index
    %get3A_971 = tpu.vector_load %arg7[%get3A_970] {strides = array<i32>} : memref<512xi32, #tpu.memory_space<vmem>>, vector<16xi32>,
    %eq3A_972 = arith.constant 0 : i32
    %eq3A_973 = vector.broadcast %eq3A_972 : i32 to vector<16xi32>
    %eq3A_974 = arith.cmpi eq, %get3A_971, %eq3A_973 : vector<16xi32>
    %ne3A_975 = arith.constant 0 : i32
    %ne3A_976 = vector.broadcast %ne3A_975 : i32 to vector<16xi32>
    %ne3A_977 = arith.cmpi ne, %get3A_971, %ne3A_976 : vector<16xi32>
    %add3A_978 = arith.constant 160 : i32
    %add3A_979 = arith.addi %mul3A_2, %add3A_978 : i32
    %add3A_980 = vector.broadcast %add3A_979 : i32 to vector<16xi32>
    %add3A_981 = arith.addi %iota3A, %add3A_980 : vector<16xi32>
    %masked_cumsum3A_982 = tpu.scan <sum>, %broadcast_in_dim3A_543 masked %eq3A_974 : vector<16xi32>, vector<16xi1> -> vector<16xi32>
    %add3A_983 = vector.broadcast %add3A_964 : i32 to vector<16xi32>
    %add3A_984 = arith.addi %add3A_983, %masked_cumsum3A_982 : vector<16xi32>
    %sub3A_985 = arith.constant 1 : i32
    %sub3A_986 = vector.broadcast %sub3A_985 : i32 to vector<16xi32>
    %sub3A_987 = arith.subi %add3A_984, %sub3A_986 : vector<16xi32>
    tpu.vector_store_idx %arg8[%sub3A_987], %get3A_969 masked %eq3A_974 : memref<512xi32, #tpu.memory_space<vmem>>[vector<16xi32>], vector<16xi32>, vector<16xi1>
    tpu.vector_store_idx %arg9[%sub3A_987], %add3A_981 masked %eq3A_974 : memref<512xi32, #tpu.memory_space<vmem>>[vector<16xi32>], vector<16xi32>, vector<16xi1>
    %masked_cumsum3A_988 = tpu.scan <sum>, %broadcast_in_dim3A_543 masked %ne3A_977 : vector<16xi32>, vector<16xi1> -> vector<16xi32>
    %sub3A_989 = vector.broadcast %sub3A_967 : i32 to vector<16xi32>
    %sub3A_990 = arith.subi %sub3A_989, %masked_cumsum3A_988 : vector<16xi32>
    tpu.vector_store_idx %arg9[%sub3A_990], %add3A_981 masked %ne3A_977 : memref<512xi32, #tpu.memory_space<vmem>>[vector<16xi32>], vector<16xi32>, vector<16xi1>
    %all_reduce_population_count3A_991 = tpu.all_reduce %eq3A_974 {dim = 0 : i64, kind = #tpu.reduction_kind<sum>} : vector<16xi1> -> vector<16xi32>
    %reduce_max3A_992 = arith.constant true
    %reduce_max3A_993 = vector.broadcast %reduce_max3A_992 : i1 to vector<16xi1>
    %reduce_max3A_994 = arith.constant -2147483648 : i32
    %reduce_max3A_995 = vector.broadcast %reduce_max3A_994 : i32 to vector<16xi32>
    %reduce_max3A_996 = arith.xori %all_reduce_population_count3A_991, %reduce_max3A_995 : vector<16xi32>
    %reduce_max3A_997 = tpu.scan <max>, %reduce_max3A_996 masked %reduce_max3A_993 : vector<16xi32>, vector<16xi1> -> vector<16xi32>
    %reduce_max3A_998 = arith.xori %reduce_max3A_997, %reduce_max3A_995 : vector<16xi32>
    %reduce_max3A_999 = vector.extract %reduce_max3A_998[15] : i32 from vector<16xi32>
    %add3A_1000 = arith.addi %add3A_964, %reduce_max3A_999 : i32
    %sub3A_1001 = arith.constant 16 : i32
    %sub3A_1002 = arith.subi %sub3A_1001, %reduce_max3A_999 : i32
    %sub3A_1003 = arith.subi %sub3A_967, %sub3A_1002 : i32
    %get3A_1004 = arith.constant 176 : index
    %get3A_1005 = tpu.vector_load %arg6[%get3A_1004] {strides = array<i32>} : memref<512xi32, #tpu.memory_space<vmem>>, vector<16xi32>,
    %get3A_1006 = arith.constant 176 : index
    %get3A_1007 = tpu.vector_load %arg7[%get3A_1006] {strides = array<i32>} : memref<512xi32, #tpu.memory_space<vmem>>, vector<16xi32>,
    %eq3A_1008 = arith.constant 0 : i32
    %eq3A_1009 = vector.broadcast %eq3A_1008 : i32 to vector<16xi32>
    %eq3A_1010 = arith.cmpi eq, %get3A_1007, %eq3A_1009 : vector<16xi32>
    %ne3A_1011 = arith.constant 0 : i32
    %ne3A_1012 = vector.broadcast %ne3A_1011 : i32 to vector<16xi32>
    %ne3A_1013 = arith.cmpi ne, %get3A_1007, %ne3A_1012 : vector<16xi32>
    %add3A_1014 = arith.constant 176 : i32
    %add3A_1015 = arith.addi %mul3A_2, %add3A_1014 : i32
    %add3A_1016 = vector.broadcast %add3A_1015 : i32 to vector<16xi32>
    %add3A_1017 = arith.addi %iota3A, %add3A_1016 : vector<16xi32>
    %masked_cumsum3A_1018 = tpu.scan <sum>, %broadcast_in_dim3A_543 masked %eq3A_1010 : vector<16xi32>, vector<16xi1> -> vector<16xi32>
    %add3A_1019 = vector.broadcast %add3A_1000 : i32 to vector<16xi32>
    %add3A_1020 = arith.addi %add3A_1019, %masked_cumsum3A_1018 : vector<16xi32>
    %sub3A_1021 = arith.constant 1 : i32
    %sub3A_1022 = vector.broadcast %sub3A_1021 : i32 to vector<16xi32>
    %sub3A_1023 = arith.subi %add3A_1020, %sub3A_1022 : vector<16xi32>
    tpu.vector_store_idx %arg8[%sub3A_1023], %get3A_1005 masked %eq3A_1010 : memref<512xi32, #tpu.memory_space<vmem>>[vector<16xi32>], vector<16xi32>, vector<16xi1>
    tpu.vector_store_idx %arg9[%sub3A_1023], %add3A_1017 masked %eq3A_1010 : memref<512xi32, #tpu.memory_space<vmem>>[vector<16xi32>], vector<16xi32>, vector<16xi1>
    %masked_cumsum3A_1024 = tpu.scan <sum>, %broadcast_in_dim3A_543 masked %ne3A_1013 : vector<16xi32>, vector<16xi1> -> vector<16xi32>
    %sub3A_1025 = vector.broadcast %sub3A_1003 : i32 to vector<16xi32>
    %sub3A_1026 = arith.subi %sub3A_1025, %masked_cumsum3A_1024 : vector<16xi32>
    tpu.vector_store_idx %arg9[%sub3A_1026], %add3A_1017 masked %ne3A_1013 : memref<512xi32, #tpu.memory_space<vmem>>[vector<16xi32>], vector<16xi32>, vector<16xi1>
    %all_reduce_population_count3A_1027 = tpu.all_reduce %eq3A_1010 {dim = 0 : i64, kind = #tpu.reduction_kind<sum>} : vector<16xi1> -> vector<16xi32>
    %reduce_max3A_1028 = arith.constant true
    %reduce_max3A_1029 = vector.broadcast %reduce_max3A_1028 : i1 to vector<16xi1>
    %reduce_max3A_1030 = arith.constant -2147483648 : i32
    %reduce_max3A_1031 = vector.broadcast %reduce_max3A_1030 : i32 to vector<16xi32>
    %reduce_max3A_1032 = arith.xori %all_reduce_population_count3A_1027, %reduce_max3A_1031 : vector<16xi32>
    %reduce_max3A_1033 = tpu.scan <max>, %reduce_max3A_1032 masked %reduce_max3A_1029 : vector<16xi32>, vector<16xi1> -> vector<16xi32>
    %reduce_max3A_1034 = arith.xori %reduce_max3A_1033, %reduce_max3A_1031 : vector<16xi32>
    %reduce_max3A_1035 = vector.extract %reduce_max3A_1034[15] : i32 from vector<16xi32>
    %add3A_1036 = arith.addi %add3A_1000, %reduce_max3A_1035 : i32
    %sub3A_1037 = arith.constant 16 : i32
    %sub3A_1038 = arith.subi %sub3A_1037, %reduce_max3A_1035 : i32
    %sub3A_1039 = arith.subi %sub3A_1003, %sub3A_1038 : i32
    %get3A_1040 = arith.constant 192 : index
    %get3A_1041 = tpu.vector_load %arg6[%get3A_1040] {strides = array<i32>} : memref<512xi32, #tpu.memory_space<vmem>>, vector<16xi32>,
    %get3A_1042 = arith.constant 192 : index
    %get3A_1043 = tpu.vector_load %arg7[%get3A_1042] {strides = array<i32>} : memref<512xi32, #tpu.memory_space<vmem>>, vector<16xi32>,
    %eq3A_1044 = arith.constant 0 : i32
    %eq3A_1045 = vector.broadcast %eq3A_1044 : i32 to vector<16xi32>
    %eq3A_1046 = arith.cmpi eq, %get3A_1043, %eq3A_1045 : vector<16xi32>
    %ne3A_1047 = arith.constant 0 : i32
    %ne3A_1048 = vector.broadcast %ne3A_1047 : i32 to vector<16xi32>
    %ne3A_1049 = arith.cmpi ne, %get3A_1043, %ne3A_1048 : vector<16xi32>
    %add3A_1050 = arith.constant 192 : i32
    %add3A_1051 = arith.addi %mul3A_2, %add3A_1050 : i32
    %add3A_1052 = vector.broadcast %add3A_1051 : i32 to vector<16xi32>
    %add3A_1053 = arith.addi %iota3A, %add3A_1052 : vector<16xi32>
    %masked_cumsum3A_1054 = tpu.scan <sum>, %broadcast_in_dim3A_543 masked %eq3A_1046 : vector<16xi32>, vector<16xi1> -> vector<16xi32>
    %add3A_1055 = vector.broadcast %add3A_1036 : i32 to vector<16xi32>
    %add3A_1056 = arith.addi %add3A_1055, %masked_cumsum3A_1054 : vector<16xi32>
    %sub3A_1057 = arith.constant 1 : i32
    %sub3A_1058 = vector.broadcast %sub3A_1057 : i32 to vector<16xi32>
    %sub3A_1059 = arith.subi %add3A_1056, %sub3A_1058 : vector<16xi32>
    tpu.vector_store_idx %arg8[%sub3A_1059], %get3A_1041 masked %eq3A_1046 : memref<512xi32, #tpu.memory_space<vmem>>[vector<16xi32>], vector<16xi32>, vector<16xi1>
    tpu.vector_store_idx %arg9[%sub3A_1059], %add3A_1053 masked %eq3A_1046 : memref<512xi32, #tpu.memory_space<vmem>>[vector<16xi32>], vector<16xi32>, vector<16xi1>
    %masked_cumsum3A_1060 = tpu.scan <sum>, %broadcast_in_dim3A_543 masked %ne3A_1049 : vector<16xi32>, vector<16xi1> -> vector<16xi32>
    %sub3A_1061 = vector.broadcast %sub3A_1039 : i32 to vector<16xi32>
    %sub3A_1062 = arith.subi %sub3A_1061, %masked_cumsum3A_1060 : vector<16xi32>
    tpu.vector_store_idx %arg9[%sub3A_1062], %add3A_1053 masked %ne3A_1049 : memref<512xi32, #tpu.memory_space<vmem>>[vector<16xi32>], vector<16xi32>, vector<16xi1>
    %all_reduce_population_count3A_1063 = tpu.all_reduce %eq3A_1046 {dim = 0 : i64, kind = #tpu.reduction_kind<sum>} : vector<16xi1> -> vector<16xi32>
    %reduce_max3A_1064 = arith.constant true
    %reduce_max3A_1065 = vector.broadcast %reduce_max3A_1064 : i1 to vector<16xi1>
    %reduce_max3A_1066 = arith.constant -2147483648 : i32
    %reduce_max3A_1067 = vector.broadcast %reduce_max3A_1066 : i32 to vector<16xi32>
    %reduce_max3A_1068 = arith.xori %all_reduce_population_count3A_1063, %reduce_max3A_1067 : vector<16xi32>
    %reduce_max3A_1069 = tpu.scan <max>, %reduce_max3A_1068 masked %reduce_max3A_1065 : vector<16xi32>, vector<16xi1> -> vector<16xi32>
    %reduce_max3A_1070 = arith.xori %reduce_max3A_1069, %reduce_max3A_1067 : vector<16xi32>
    %reduce_max3A_1071 = vector.extract %reduce_max3A_1070[15] : i32 from vector<16xi32>
    %add3A_1072 = arith.addi %add3A_1036, %reduce_max3A_1071 : i32
    %sub3A_1073 = arith.constant 16 : i32
    %sub3A_1074 = arith.subi %sub3A_1073, %reduce_max3A_1071 : i32
    %sub3A_1075 = arith.subi %sub3A_1039, %sub3A_1074 : i32
    %get3A_1076 = arith.constant 208 : index
    %get3A_1077 = tpu.vector_load %arg6[%get3A_1076] {strides = array<i32>} : memref<512xi32, #tpu.memory_space<vmem>>, vector<16xi32>,
    %get3A_1078 = arith.constant 208 : index
    %get3A_1079 = tpu.vector_load %arg7[%get3A_1078] {strides = array<i32>} : memref<512xi32, #tpu.memory_space<vmem>>, vector<16xi32>,
    %eq3A_1080 = arith.constant 0 : i32
    %eq3A_1081 = vector.broadcast %eq3A_1080 : i32 to vector<16xi32>
    %eq3A_1082 = arith.cmpi eq, %get3A_1079, %eq3A_1081 : vector<16xi32>
    %ne3A_1083 = arith.constant 0 : i32
    %ne3A_1084 = vector.broadcast %ne3A_1083 : i32 to vector<16xi32>
    %ne3A_1085 = arith.cmpi ne, %get3A_1079, %ne3A_1084 : vector<16xi32>
    %add3A_1086 = arith.constant 208 : i32
    %add3A_1087 = arith.addi %mul3A_2, %add3A_1086 : i32
    %add3A_1088 = vector.broadcast %add3A_1087 : i32 to vector<16xi32>
    %add3A_1089 = arith.addi %iota3A, %add3A_1088 : vector<16xi32>
    %masked_cumsum3A_1090 = tpu.scan <sum>, %broadcast_in_dim3A_543 masked %eq3A_1082 : vector<16xi32>, vector<16xi1> -> vector<16xi32>
    %add3A_1091 = vector.broadcast %add3A_1072 : i32 to vector<16xi32>
    %add3A_1092 = arith.addi %add3A_1091, %masked_cumsum3A_1090 : vector<16xi32>
    %sub3A_1093 = arith.constant 1 : i32
    %sub3A_1094 = vector.broadcast %sub3A_1093 : i32 to vector<16xi32>
    %sub3A_1095 = arith.subi %add3A_1092, %sub3A_1094 : vector<16xi32>
    tpu.vector_store_idx %arg8[%sub3A_1095], %get3A_1077 masked %eq3A_1082 : memref<512xi32, #tpu.memory_space<vmem>>[vector<16xi32>], vector<16xi32>, vector<16xi1>
    tpu.vector_store_idx %arg9[%sub3A_1095], %add3A_1089 masked %eq3A_1082 : memref<512xi32, #tpu.memory_space<vmem>>[vector<16xi32>], vector<16xi32>, vector<16xi1>
    %masked_cumsum3A_1096 = tpu.scan <sum>, %broadcast_in_dim3A_543 masked %ne3A_1085 : vector<16xi32>, vector<16xi1> -> vector<16xi32>
    %sub3A_1097 = vector.broadcast %sub3A_1075 : i32 to vector<16xi32>
    %sub3A_1098 = arith.subi %sub3A_1097, %masked_cumsum3A_1096 : vector<16xi32>
    tpu.vector_store_idx %arg9[%sub3A_1098], %add3A_1089 masked %ne3A_1085 : memref<512xi32, #tpu.memory_space<vmem>>[vector<16xi32>], vector<16xi32>, vector<16xi1>
    %all_reduce_population_count3A_1099 = tpu.all_reduce %eq3A_1082 {dim = 0 : i64, kind = #tpu.reduction_kind<sum>} : vector<16xi1> -> vector<16xi32>
    %reduce_max3A_1100 = arith.constant true
    %reduce_max3A_1101 = vector.broadcast %reduce_max3A_1100 : i1 to vector<16xi1>
    %reduce_max3A_1102 = arith.constant -2147483648 : i32
    %reduce_max3A_1103 = vector.broadcast %reduce_max3A_1102 : i32 to vector<16xi32>
    %reduce_max3A_1104 = arith.xori %all_reduce_population_count3A_1099, %reduce_max3A_1103 : vector<16xi32>
    %reduce_max3A_1105 = tpu.scan <max>, %reduce_max3A_1104 masked %reduce_max3A_1101 : vector<16xi32>, vector<16xi1> -> vector<16xi32>
    %reduce_max3A_1106 = arith.xori %reduce_max3A_1105, %reduce_max3A_1103 : vector<16xi32>
    %reduce_max3A_1107 = vector.extract %reduce_max3A_1106[15] : i32 from vector<16xi32>
    %add3A_1108 = arith.addi %add3A_1072, %reduce_max3A_1107 : i32
    %sub3A_1109 = arith.constant 16 : i32
    %sub3A_1110 = arith.subi %sub3A_1109, %reduce_max3A_1107 : i32
    %sub3A_1111 = arith.subi %sub3A_1075, %sub3A_1110 : i32
    %get3A_1112 = arith.constant 224 : index
    %get3A_1113 = tpu.vector_load %arg6[%get3A_1112] {strides = array<i32>} : memref<512xi32, #tpu.memory_space<vmem>>, vector<16xi32>,
    %get3A_1114 = arith.constant 224 : index
    %get3A_1115 = tpu.vector_load %arg7[%get3A_1114] {strides = array<i32>} : memref<512xi32, #tpu.memory_space<vmem>>, vector<16xi32>,
    %eq3A_1116 = arith.constant 0 : i32
    %eq3A_1117 = vector.broadcast %eq3A_1116 : i32 to vector<16xi32>
    %eq3A_1118 = arith.cmpi eq, %get3A_1115, %eq3A_1117 : vector<16xi32>
    %ne3A_1119 = arith.constant 0 : i32
    %ne3A_1120 = vector.broadcast %ne3A_1119 : i32 to vector<16xi32>
    %ne3A_1121 = arith.cmpi ne, %get3A_1115, %ne3A_1120 : vector<16xi32>
    %add3A_1122 = arith.constant 224 : i32
    %add3A_1123 = arith.addi %mul3A_2, %add3A_1122 : i32
    %add3A_1124 = vector.broadcast %add3A_1123 : i32 to vector<16xi32>
    %add3A_1125 = arith.addi %iota3A, %add3A_1124 : vector<16xi32>
    %masked_cumsum3A_1126 = tpu.scan <sum>, %broadcast_in_dim3A_543 masked %eq3A_1118 : vector<16xi32>, vector<16xi1> -> vector<16xi32>
    %add3A_1127 = vector.broadcast %add3A_1108 : i32 to vector<16xi32>
    %add3A_1128 = arith.addi %add3A_1127, %masked_cumsum3A_1126 : vector<16xi32>
    %sub3A_1129 = arith.constant 1 : i32
    %sub3A_1130 = vector.broadcast %sub3A_1129 : i32 to vector<16xi32>
    %sub3A_1131 = arith.subi %add3A_1128, %sub3A_1130 : vector<16xi32>
    tpu.vector_store_idx %arg8[%sub3A_1131], %get3A_1113 masked %eq3A_1118 : memref<512xi32, #tpu.memory_space<vmem>>[vector<16xi32>], vector<16xi32>, vector<16xi1>
    tpu.vector_store_idx %arg9[%sub3A_1131], %add3A_1125 masked %eq3A_1118 : memref<512xi32, #tpu.memory_space<vmem>>[vector<16xi32>], vector<16xi32>, vector<16xi1>
    %masked_cumsum3A_1132 = tpu.scan <sum>, %broadcast_in_dim3A_543 masked %ne3A_1121 : vector<16xi32>, vector<16xi1> -> vector<16xi32>
    %sub3A_1133 = vector.broadcast %sub3A_1111 : i32 to vector<16xi32>
    %sub3A_1134 = arith.subi %sub3A_1133, %masked_cumsum3A_1132 : vector<16xi32>
    tpu.vector_store_idx %arg9[%sub3A_1134], %add3A_1125 masked %ne3A_1121 : memref<512xi32, #tpu.memory_space<vmem>>[vector<16xi32>], vector<16xi32>, vector<16xi1>
    %all_reduce_population_count3A_1135 = tpu.all_reduce %eq3A_1118 {dim = 0 : i64, kind = #tpu.reduction_kind<sum>} : vector<16xi1> -> vector<16xi32>
    %reduce_max3A_1136 = arith.constant true
    %reduce_max3A_1137 = vector.broadcast %reduce_max3A_1136 : i1 to vector<16xi1>
    %reduce_max3A_1138 = arith.constant -2147483648 : i32
    %reduce_max3A_1139 = vector.broadcast %reduce_max3A_1138 : i32 to vector<16xi32>
    %reduce_max3A_1140 = arith.xori %all_reduce_population_count3A_1135, %reduce_max3A_1139 : vector<16xi32>
    %reduce_max3A_1141 = tpu.scan <max>, %reduce_max3A_1140 masked %reduce_max3A_1137 : vector<16xi32>, vector<16xi1> -> vector<16xi32>
    %reduce_max3A_1142 = arith.xori %reduce_max3A_1141, %reduce_max3A_1139 : vector<16xi32>
    %reduce_max3A_1143 = vector.extract %reduce_max3A_1142[15] : i32 from vector<16xi32>
    %add3A_1144 = arith.addi %add3A_1108, %reduce_max3A_1143 : i32
    %sub3A_1145 = arith.constant 16 : i32
    %sub3A_1146 = arith.subi %sub3A_1145, %reduce_max3A_1143 : i32
    %sub3A_1147 = arith.subi %sub3A_1111, %sub3A_1146 : i32
    %get3A_1148 = arith.constant 240 : index
    %get3A_1149 = tpu.vector_load %arg6[%get3A_1148] {strides = array<i32>} : memref<512xi32, #tpu.memory_space<vmem>>, vector<16xi32>,
    %get3A_1150 = arith.constant 240 : index
    %get3A_1151 = tpu.vector_load %arg7[%get3A_1150] {strides = array<i32>} : memref<512xi32, #tpu.memory_space<vmem>>, vector<16xi32>,
    %eq3A_1152 = arith.constant 0 : i32
    %eq3A_1153 = vector.broadcast %eq3A_1152 : i32 to vector<16xi32>
    %eq3A_1154 = arith.cmpi eq, %get3A_1151, %eq3A_1153 : vector<16xi32>
    %ne3A_1155 = arith.constant 0 : i32
    %ne3A_1156 = vector.broadcast %ne3A_1155 : i32 to vector<16xi32>
    %ne3A_1157 = arith.cmpi ne, %get3A_1151, %ne3A_1156 : vector<16xi32>
    %add3A_1158 = arith.constant 240 : i32
    %add3A_1159 = arith.addi %mul3A_2, %add3A_1158 : i32
    %add3A_1160 = vector.broadcast %add3A_1159 : i32 to vector<16xi32>
    %add3A_1161 = arith.addi %iota3A, %add3A_1160 : vector<16xi32>
    %masked_cumsum3A_1162 = tpu.scan <sum>, %broadcast_in_dim3A_543 masked %eq3A_1154 : vector<16xi32>, vector<16xi1> -> vector<16xi32>
    %add3A_1163 = vector.broadcast %add3A_1144 : i32 to vector<16xi32>
    %add3A_1164 = arith.addi %add3A_1163, %masked_cumsum3A_1162 : vector<16xi32>
    %sub3A_1165 = arith.constant 1 : i32
    %sub3A_1166 = vector.broadcast %sub3A_1165 : i32 to vector<16xi32>
    %sub3A_1167 = arith.subi %add3A_1164, %sub3A_1166 : vector<16xi32>
    tpu.vector_store_idx %arg8[%sub3A_1167], %get3A_1149 masked %eq3A_1154 : memref<512xi32, #tpu.memory_space<vmem>>[vector<16xi32>], vector<16xi32>, vector<16xi1>
    tpu.vector_store_idx %arg9[%sub3A_1167], %add3A_1161 masked %eq3A_1154 : memref<512xi32, #tpu.memory_space<vmem>>[vector<16xi32>], vector<16xi32>, vector<16xi1>
    %masked_cumsum3A_1168 = tpu.scan <sum>, %broadcast_in_dim3A_543 masked %ne3A_1157 : vector<16xi32>, vector<16xi1> -> vector<16xi32>
    %sub3A_1169 = vector.broadcast %sub3A_1147 : i32 to vector<16xi32>
    %sub3A_1170 = arith.subi %sub3A_1169, %masked_cumsum3A_1168 : vector<16xi32>
    tpu.vector_store_idx %arg9[%sub3A_1170], %add3A_1161 masked %ne3A_1157 : memref<512xi32, #tpu.memory_space<vmem>>[vector<16xi32>], vector<16xi32>, vector<16xi1>
    %all_reduce_population_count3A_1171 = tpu.all_reduce %eq3A_1154 {dim = 0 : i64, kind = #tpu.reduction_kind<sum>} : vector<16xi1> -> vector<16xi32>
    %reduce_max3A_1172 = arith.constant true
    %reduce_max3A_1173 = vector.broadcast %reduce_max3A_1172 : i1 to vector<16xi1>
    %reduce_max3A_1174 = arith.constant -2147483648 : i32
    %reduce_max3A_1175 = vector.broadcast %reduce_max3A_1174 : i32 to vector<16xi32>
    %reduce_max3A_1176 = arith.xori %all_reduce_population_count3A_1171, %reduce_max3A_1175 : vector<16xi32>
    %reduce_max3A_1177 = tpu.scan <max>, %reduce_max3A_1176 masked %reduce_max3A_1173 : vector<16xi32>, vector<16xi1> -> vector<16xi32>
    %reduce_max3A_1178 = arith.xori %reduce_max3A_1177, %reduce_max3A_1175 : vector<16xi32>
    %reduce_max3A_1179 = vector.extract %reduce_max3A_1178[15] : i32 from vector<16xi32>
    %add3A_1180 = arith.addi %add3A_1144, %reduce_max3A_1179 : i32
    %sub3A_1181 = arith.constant 16 : i32
    %sub3A_1182 = arith.subi %sub3A_1181, %reduce_max3A_1179 : i32
    %sub3A_1183 = arith.subi %sub3A_1147, %sub3A_1182 : i32
    %get3A_1184 = arith.constant 256 : index
    %get3A_1185 = tpu.vector_load %arg6[%get3A_1184] {strides = array<i32>} : memref<512xi32, #tpu.memory_space<vmem>>, vector<16xi32>,
    %get3A_1186 = arith.constant 256 : index
    %get3A_1187 = tpu.vector_load %arg7[%get3A_1186] {strides = array<i32>} : memref<512xi32, #tpu.memory_space<vmem>>, vector<16xi32>,
    %eq3A_1188 = arith.constant 0 : i32
    %eq3A_1189 = vector.broadcast %eq3A_1188 : i32 to vector<16xi32>
    %eq3A_1190 = arith.cmpi eq, %get3A_1187, %eq3A_1189 : vector<16xi32>
    %ne3A_1191 = arith.constant 0 : i32
    %ne3A_1192 = vector.broadcast %ne3A_1191 : i32 to vector<16xi32>
    %ne3A_1193 = arith.cmpi ne, %get3A_1187, %ne3A_1192 : vector<16xi32>
    %add3A_1194 = arith.constant 256 : i32
    %add3A_1195 = arith.addi %mul3A_2, %add3A_1194 : i32
    %add3A_1196 = vector.broadcast %add3A_1195 : i32 to vector<16xi32>
    %add3A_1197 = arith.addi %iota3A, %add3A_1196 : vector<16xi32>
    %masked_cumsum3A_1198 = tpu.scan <sum>, %broadcast_in_dim3A_543 masked %eq3A_1190 : vector<16xi32>, vector<16xi1> -> vector<16xi32>
    %add3A_1199 = vector.broadcast %add3A_1180 : i32 to vector<16xi32>
    %add3A_1200 = arith.addi %add3A_1199, %masked_cumsum3A_1198 : vector<16xi32>
    %sub3A_1201 = arith.constant 1 : i32
    %sub3A_1202 = vector.broadcast %sub3A_1201 : i32 to vector<16xi32>
    %sub3A_1203 = arith.subi %add3A_1200, %sub3A_1202 : vector<16xi32>
    tpu.vector_store_idx %arg8[%sub3A_1203], %get3A_1185 masked %eq3A_1190 : memref<512xi32, #tpu.memory_space<vmem>>[vector<16xi32>], vector<16xi32>, vector<16xi1>
    tpu.vector_store_idx %arg9[%sub3A_1203], %add3A_1197 masked %eq3A_1190 : memref<512xi32, #tpu.memory_space<vmem>>[vector<16xi32>], vector<16xi32>, vector<16xi1>
    %masked_cumsum3A_1204 = tpu.scan <sum>, %broadcast_in_dim3A_543 masked %ne3A_1193 : vector<16xi32>, vector<16xi1> -> vector<16xi32>
    %sub3A_1205 = vector.broadcast %sub3A_1183 : i32 to vector<16xi32>
    %sub3A_1206 = arith.subi %sub3A_1205, %masked_cumsum3A_1204 : vector<16xi32>
    tpu.vector_store_idx %arg9[%sub3A_1206], %add3A_1197 masked %ne3A_1193 : memref<512xi32, #tpu.memory_space<vmem>>[vector<16xi32>], vector<16xi32>, vector<16xi1>
    %all_reduce_population_count3A_1207 = tpu.all_reduce %eq3A_1190 {dim = 0 : i64, kind = #tpu.reduction_kind<sum>} : vector<16xi1> -> vector<16xi32>
    %reduce_max3A_1208 = arith.constant true
    %reduce_max3A_1209 = vector.broadcast %reduce_max3A_1208 : i1 to vector<16xi1>
    %reduce_max3A_1210 = arith.constant -2147483648 : i32
    %reduce_max3A_1211 = vector.broadcast %reduce_max3A_1210 : i32 to vector<16xi32>
    %reduce_max3A_1212 = arith.xori %all_reduce_population_count3A_1207, %reduce_max3A_1211 : vector<16xi32>
    %reduce_max3A_1213 = tpu.scan <max>, %reduce_max3A_1212 masked %reduce_max3A_1209 : vector<16xi32>, vector<16xi1> -> vector<16xi32>
    %reduce_max3A_1214 = arith.xori %reduce_max3A_1213, %reduce_max3A_1211 : vector<16xi32>
    %reduce_max3A_1215 = vector.extract %reduce_max3A_1214[15] : i32 from vector<16xi32>
    %add3A_1216 = arith.addi %add3A_1180, %reduce_max3A_1215 : i32
    %sub3A_1217 = arith.constant 16 : i32
    %sub3A_1218 = arith.subi %sub3A_1217, %reduce_max3A_1215 : i32
    %sub3A_1219 = arith.subi %sub3A_1183, %sub3A_1218 : i32
    %get3A_1220 = arith.constant 272 : index
    %get3A_1221 = tpu.vector_load %arg6[%get3A_1220] {strides = array<i32>} : memref<512xi32, #tpu.memory_space<vmem>>, vector<16xi32>,
    %get3A_1222 = arith.constant 272 : index
    %get3A_1223 = tpu.vector_load %arg7[%get3A_1222] {strides = array<i32>} : memref<512xi32, #tpu.memory_space<vmem>>, vector<16xi32>,
    %eq3A_1224 = arith.constant 0 : i32
    %eq3A_1225 = vector.broadcast %eq3A_1224 : i32 to vector<16xi32>
    %eq3A_1226 = arith.cmpi eq, %get3A_1223, %eq3A_1225 : vector<16xi32>
    %ne3A_1227 = arith.constant 0 : i32
    %ne3A_1228 = vector.broadcast %ne3A_1227 : i32 to vector<16xi32>
    %ne3A_1229 = arith.cmpi ne, %get3A_1223, %ne3A_1228 : vector<16xi32>
    %add3A_1230 = arith.constant 272 : i32
    %add3A_1231 = arith.addi %mul3A_2, %add3A_1230 : i32
    %add3A_1232 = vector.broadcast %add3A_1231 : i32 to vector<16xi32>
    %add3A_1233 = arith.addi %iota3A, %add3A_1232 : vector<16xi32>
    %masked_cumsum3A_1234 = tpu.scan <sum>, %broadcast_in_dim3A_543 masked %eq3A_1226 : vector<16xi32>, vector<16xi1> -> vector<16xi32>
    %add3A_1235 = vector.broadcast %add3A_1216 : i32 to vector<16xi32>
    %add3A_1236 = arith.addi %add3A_1235, %masked_cumsum3A_1234 : vector<16xi32>
    %sub3A_1237 = arith.constant 1 : i32
    %sub3A_1238 = vector.broadcast %sub3A_1237 : i32 to vector<16xi32>
    %sub3A_1239 = arith.subi %add3A_1236, %sub3A_1238 : vector<16xi32>
    tpu.vector_store_idx %arg8[%sub3A_1239], %get3A_1221 masked %eq3A_1226 : memref<512xi32, #tpu.memory_space<vmem>>[vector<16xi32>], vector<16xi32>, vector<16xi1>
    tpu.vector_store_idx %arg9[%sub3A_1239], %add3A_1233 masked %eq3A_1226 : memref<512xi32, #tpu.memory_space<vmem>>[vector<16xi32>], vector<16xi32>, vector<16xi1>
    %masked_cumsum3A_1240 = tpu.scan <sum>, %broadcast_in_dim3A_543 masked %ne3A_1229 : vector<16xi32>, vector<16xi1> -> vector<16xi32>
    %sub3A_1241 = vector.broadcast %sub3A_1219 : i32 to vector<16xi32>
    %sub3A_1242 = arith.subi %sub3A_1241, %masked_cumsum3A_1240 : vector<16xi32>
    tpu.vector_store_idx %arg9[%sub3A_1242], %add3A_1233 masked %ne3A_1229 : memref<512xi32, #tpu.memory_space<vmem>>[vector<16xi32>], vector<16xi32>, vector<16xi1>
    %all_reduce_population_count3A_1243 = tpu.all_reduce %eq3A_1226 {dim = 0 : i64, kind = #tpu.reduction_kind<sum>} : vector<16xi1> -> vector<16xi32>
    %reduce_max3A_1244 = arith.constant true
    %reduce_max3A_1245 = vector.broadcast %reduce_max3A_1244 : i1 to vector<16xi1>
    %reduce_max3A_1246 = arith.constant -2147483648 : i32
    %reduce_max3A_1247 = vector.broadcast %reduce_max3A_1246 : i32 to vector<16xi32>
    %reduce_max3A_1248 = arith.xori %all_reduce_population_count3A_1243, %reduce_max3A_1247 : vector<16xi32>
    %reduce_max3A_1249 = tpu.scan <max>, %reduce_max3A_1248 masked %reduce_max3A_1245 : vector<16xi32>, vector<16xi1> -> vector<16xi32>
    %reduce_max3A_1250 = arith.xori %reduce_max3A_1249, %reduce_max3A_1247 : vector<16xi32>
    %reduce_max3A_1251 = vector.extract %reduce_max3A_1250[15] : i32 from vector<16xi32>
    %add3A_1252 = arith.addi %add3A_1216, %reduce_max3A_1251 : i32
    %sub3A_1253 = arith.constant 16 : i32
    %sub3A_1254 = arith.subi %sub3A_1253, %reduce_max3A_1251 : i32
    %sub3A_1255 = arith.subi %sub3A_1219, %sub3A_1254 : i32
    %get3A_1256 = arith.constant 288 : index
    %get3A_1257 = tpu.vector_load %arg6[%get3A_1256] {strides = array<i32>} : memref<512xi32, #tpu.memory_space<vmem>>, vector<16xi32>,
    %get3A_1258 = arith.constant 288 : index
    %get3A_1259 = tpu.vector_load %arg7[%get3A_1258] {strides = array<i32>} : memref<512xi32, #tpu.memory_space<vmem>>, vector<16xi32>,
    %eq3A_1260 = arith.constant 0 : i32
    %eq3A_1261 = vector.broadcast %eq3A_1260 : i32 to vector<16xi32>
    %eq3A_1262 = arith.cmpi eq, %get3A_1259, %eq3A_1261 : vector<16xi32>
    %ne3A_1263 = arith.constant 0 : i32
    %ne3A_1264 = vector.broadcast %ne3A_1263 : i32 to vector<16xi32>
    %ne3A_1265 = arith.cmpi ne, %get3A_1259, %ne3A_1264 : vector<16xi32>
    %add3A_1266 = arith.constant 288 : i32
    %add3A_1267 = arith.addi %mul3A_2, %add3A_1266 : i32
    %add3A_1268 = vector.broadcast %add3A_1267 : i32 to vector<16xi32>
    %add3A_1269 = arith.addi %iota3A, %add3A_1268 : vector<16xi32>
    %masked_cumsum3A_1270 = tpu.scan <sum>, %broadcast_in_dim3A_543 masked %eq3A_1262 : vector<16xi32>, vector<16xi1> -> vector<16xi32>
    %add3A_1271 = vector.broadcast %add3A_1252 : i32 to vector<16xi32>
    %add3A_1272 = arith.addi %add3A_1271, %masked_cumsum3A_1270 : vector<16xi32>
    %sub3A_1273 = arith.constant 1 : i32
    %sub3A_1274 = vector.broadcast %sub3A_1273 : i32 to vector<16xi32>
    %sub3A_1275 = arith.subi %add3A_1272, %sub3A_1274 : vector<16xi32>
    tpu.vector_store_idx %arg8[%sub3A_1275], %get3A_1257 masked %eq3A_1262 : memref<512xi32, #tpu.memory_space<vmem>>[vector<16xi32>], vector<16xi32>, vector<16xi1>
    tpu.vector_store_idx %arg9[%sub3A_1275], %add3A_1269 masked %eq3A_1262 : memref<512xi32, #tpu.memory_space<vmem>>[vector<16xi32>], vector<16xi32>, vector<16xi1>
    %masked_cumsum3A_1276 = tpu.scan <sum>, %broadcast_in_dim3A_543 masked %ne3A_1265 : vector<16xi32>, vector<16xi1> -> vector<16xi32>
    %sub3A_1277 = vector.broadcast %sub3A_1255 : i32 to vector<16xi32>
    %sub3A_1278 = arith.subi %sub3A_1277, %masked_cumsum3A_1276 : vector<16xi32>
    tpu.vector_store_idx %arg9[%sub3A_1278], %add3A_1269 masked %ne3A_1265 : memref<512xi32, #tpu.memory_space<vmem>>[vector<16xi32>], vector<16xi32>, vector<16xi1>
    %all_reduce_population_count3A_1279 = tpu.all_reduce %eq3A_1262 {dim = 0 : i64, kind = #tpu.reduction_kind<sum>} : vector<16xi1> -> vector<16xi32>
    %reduce_max3A_1280 = arith.constant true
    %reduce_max3A_1281 = vector.broadcast %reduce_max3A_1280 : i1 to vector<16xi1>
    %reduce_max3A_1282 = arith.constant -2147483648 : i32
    %reduce_max3A_1283 = vector.broadcast %reduce_max3A_1282 : i32 to vector<16xi32>
    %reduce_max3A_1284 = arith.xori %all_reduce_population_count3A_1279, %reduce_max3A_1283 : vector<16xi32>
    %reduce_max3A_1285 = tpu.scan <max>, %reduce_max3A_1284 masked %reduce_max3A_1281 : vector<16xi32>, vector<16xi1> -> vector<16xi32>
    %reduce_max3A_1286 = arith.xori %reduce_max3A_1285, %reduce_max3A_1283 : vector<16xi32>
    %reduce_max3A_1287 = vector.extract %reduce_max3A_1286[15] : i32 from vector<16xi32>
    %add3A_1288 = arith.addi %add3A_1252, %reduce_max3A_1287 : i32
    %sub3A_1289 = arith.constant 16 : i32
    %sub3A_1290 = arith.subi %sub3A_1289, %reduce_max3A_1287 : i32
    %sub3A_1291 = arith.subi %sub3A_1255, %sub3A_1290 : i32
    %get3A_1292 = arith.constant 304 : index
    %get3A_1293 = tpu.vector_load %arg6[%get3A_1292] {strides = array<i32>} : memref<512xi32, #tpu.memory_space<vmem>>, vector<16xi32>,
    %get3A_1294 = arith.constant 304 : index
    %get3A_1295 = tpu.vector_load %arg7[%get3A_1294] {strides = array<i32>} : memref<512xi32, #tpu.memory_space<vmem>>, vector<16xi32>,
    %eq3A_1296 = arith.constant 0 : i32
    %eq3A_1297 = vector.broadcast %eq3A_1296 : i32 to vector<16xi32>
    %eq3A_1298 = arith.cmpi eq, %get3A_1295, %eq3A_1297 : vector<16xi32>
    %ne3A_1299 = arith.constant 0 : i32
    %ne3A_1300 = vector.broadcast %ne3A_1299 : i32 to vector<16xi32>
    %ne3A_1301 = arith.cmpi ne, %get3A_1295, %ne3A_1300 : vector<16xi32>
    %add3A_1302 = arith.constant 304 : i32
    %add3A_1303 = arith.addi %mul3A_2, %add3A_1302 : i32
    %add3A_1304 = vector.broadcast %add3A_1303 : i32 to vector<16xi32>
    %add3A_1305 = arith.addi %iota3A, %add3A_1304 : vector<16xi32>
    %masked_cumsum3A_1306 = tpu.scan <sum>, %broadcast_in_dim3A_543 masked %eq3A_1298 : vector<16xi32>, vector<16xi1> -> vector<16xi32>
    %add3A_1307 = vector.broadcast %add3A_1288 : i32 to vector<16xi32>
    %add3A_1308 = arith.addi %add3A_1307, %masked_cumsum3A_1306 : vector<16xi32>
    %sub3A_1309 = arith.constant 1 : i32
    %sub3A_1310 = vector.broadcast %sub3A_1309 : i32 to vector<16xi32>
    %sub3A_1311 = arith.subi %add3A_1308, %sub3A_1310 : vector<16xi32>
    tpu.vector_store_idx %arg8[%sub3A_1311], %get3A_1293 masked %eq3A_1298 : memref<512xi32, #tpu.memory_space<vmem>>[vector<16xi32>], vector<16xi32>, vector<16xi1>
    tpu.vector_store_idx %arg9[%sub3A_1311], %add3A_1305 masked %eq3A_1298 : memref<512xi32, #tpu.memory_space<vmem>>[vector<16xi32>], vector<16xi32>, vector<16xi1>
    %masked_cumsum3A_1312 = tpu.scan <sum>, %broadcast_in_dim3A_543 masked %ne3A_1301 : vector<16xi32>, vector<16xi1> -> vector<16xi32>
    %sub3A_1313 = vector.broadcast %sub3A_1291 : i32 to vector<16xi32>
    %sub3A_1314 = arith.subi %sub3A_1313, %masked_cumsum3A_1312 : vector<16xi32>
    tpu.vector_store_idx %arg9[%sub3A_1314], %add3A_1305 masked %ne3A_1301 : memref<512xi32, #tpu.memory_space<vmem>>[vector<16xi32>], vector<16xi32>, vector<16xi1>
    %all_reduce_population_count3A_1315 = tpu.all_reduce %eq3A_1298 {dim = 0 : i64, kind = #tpu.reduction_kind<sum>} : vector<16xi1> -> vector<16xi32>
    %reduce_max3A_1316 = arith.constant true
    %reduce_max3A_1317 = vector.broadcast %reduce_max3A_1316 : i1 to vector<16xi1>
    %reduce_max3A_1318 = arith.constant -2147483648 : i32
    %reduce_max3A_1319 = vector.broadcast %reduce_max3A_1318 : i32 to vector<16xi32>
    %reduce_max3A_1320 = arith.xori %all_reduce_population_count3A_1315, %reduce_max3A_1319 : vector<16xi32>
    %reduce_max3A_1321 = tpu.scan <max>, %reduce_max3A_1320 masked %reduce_max3A_1317 : vector<16xi32>, vector<16xi1> -> vector<16xi32>
    %reduce_max3A_1322 = arith.xori %reduce_max3A_1321, %reduce_max3A_1319 : vector<16xi32>
    %reduce_max3A_1323 = vector.extract %reduce_max3A_1322[15] : i32 from vector<16xi32>
    %add3A_1324 = arith.addi %add3A_1288, %reduce_max3A_1323 : i32
    %sub3A_1325 = arith.constant 16 : i32
    %sub3A_1326 = arith.subi %sub3A_1325, %reduce_max3A_1323 : i32
    %sub3A_1327 = arith.subi %sub3A_1291, %sub3A_1326 : i32
    %get3A_1328 = arith.constant 320 : index
    %get3A_1329 = tpu.vector_load %arg6[%get3A_1328] {strides = array<i32>} : memref<512xi32, #tpu.memory_space<vmem>>, vector<16xi32>,
    %get3A_1330 = arith.constant 320 : index
    %get3A_1331 = tpu.vector_load %arg7[%get3A_1330] {strides = array<i32>} : memref<512xi32, #tpu.memory_space<vmem>>, vector<16xi32>,
    %eq3A_1332 = arith.constant 0 : i32
    %eq3A_1333 = vector.broadcast %eq3A_1332 : i32 to vector<16xi32>
    %eq3A_1334 = arith.cmpi eq, %get3A_1331, %eq3A_1333 : vector<16xi32>
    %ne3A_1335 = arith.constant 0 : i32
    %ne3A_1336 = vector.broadcast %ne3A_1335 : i32 to vector<16xi32>
    %ne3A_1337 = arith.cmpi ne, %get3A_1331, %ne3A_1336 : vector<16xi32>
    %add3A_1338 = arith.constant 320 : i32
    %add3A_1339 = arith.addi %mul3A_2, %add3A_1338 : i32
    %add3A_1340 = vector.broadcast %add3A_1339 : i32 to vector<16xi32>
    %add3A_1341 = arith.addi %iota3A, %add3A_1340 : vector<16xi32>
    %masked_cumsum3A_1342 = tpu.scan <sum>, %broadcast_in_dim3A_543 masked %eq3A_1334 : vector<16xi32>, vector<16xi1> -> vector<16xi32>
    %add3A_1343 = vector.broadcast %add3A_1324 : i32 to vector<16xi32>
    %add3A_1344 = arith.addi %add3A_1343, %masked_cumsum3A_1342 : vector<16xi32>
    %sub3A_1345 = arith.constant 1 : i32
    %sub3A_1346 = vector.broadcast %sub3A_1345 : i32 to vector<16xi32>
    %sub3A_1347 = arith.subi %add3A_1344, %sub3A_1346 : vector<16xi32>
    tpu.vector_store_idx %arg8[%sub3A_1347], %get3A_1329 masked %eq3A_1334 : memref<512xi32, #tpu.memory_space<vmem>>[vector<16xi32>], vector<16xi32>, vector<16xi1>
    tpu.vector_store_idx %arg9[%sub3A_1347], %add3A_1341 masked %eq3A_1334 : memref<512xi32, #tpu.memory_space<vmem>>[vector<16xi32>], vector<16xi32>, vector<16xi1>
    %masked_cumsum3A_1348 = tpu.scan <sum>, %broadcast_in_dim3A_543 masked %ne3A_1337 : vector<16xi32>, vector<16xi1> -> vector<16xi32>
    %sub3A_1349 = vector.broadcast %sub3A_1327 : i32 to vector<16xi32>
    %sub3A_1350 = arith.subi %sub3A_1349, %masked_cumsum3A_1348 : vector<16xi32>
    tpu.vector_store_idx %arg9[%sub3A_1350], %add3A_1341 masked %ne3A_1337 : memref<512xi32, #tpu.memory_space<vmem>>[vector<16xi32>], vector<16xi32>, vector<16xi1>
    %all_reduce_population_count3A_1351 = tpu.all_reduce %eq3A_1334 {dim = 0 : i64, kind = #tpu.reduction_kind<sum>} : vector<16xi1> -> vector<16xi32>
    %reduce_max3A_1352 = arith.constant true
    %reduce_max3A_1353 = vector.broadcast %reduce_max3A_1352 : i1 to vector<16xi1>
    %reduce_max3A_1354 = arith.constant -2147483648 : i32
    %reduce_max3A_1355 = vector.broadcast %reduce_max3A_1354 : i32 to vector<16xi32>
    %reduce_max3A_1356 = arith.xori %all_reduce_population_count3A_1351, %reduce_max3A_1355 : vector<16xi32>
    %reduce_max3A_1357 = tpu.scan <max>, %reduce_max3A_1356 masked %reduce_max3A_1353 : vector<16xi32>, vector<16xi1> -> vector<16xi32>
    %reduce_max3A_1358 = arith.xori %reduce_max3A_1357, %reduce_max3A_1355 : vector<16xi32>
    %reduce_max3A_1359 = vector.extract %reduce_max3A_1358[15] : i32 from vector<16xi32>
    %add3A_1360 = arith.addi %add3A_1324, %reduce_max3A_1359 : i32
    %sub3A_1361 = arith.constant 16 : i32
    %sub3A_1362 = arith.subi %sub3A_1361, %reduce_max3A_1359 : i32
    %sub3A_1363 = arith.subi %sub3A_1327, %sub3A_1362 : i32
    %get3A_1364 = arith.constant 336 : index
    %get3A_1365 = tpu.vector_load %arg6[%get3A_1364] {strides = array<i32>} : memref<512xi32, #tpu.memory_space<vmem>>, vector<16xi32>,
    %get3A_1366 = arith.constant 336 : index
    %get3A_1367 = tpu.vector_load %arg7[%get3A_1366] {strides = array<i32>} : memref<512xi32, #tpu.memory_space<vmem>>, vector<16xi32>,
    %eq3A_1368 = arith.constant 0 : i32
    %eq3A_1369 = vector.broadcast %eq3A_1368 : i32 to vector<16xi32>
    %eq3A_1370 = arith.cmpi eq, %get3A_1367, %eq3A_1369 : vector<16xi32>
    %ne3A_1371 = arith.constant 0 : i32
    %ne3A_1372 = vector.broadcast %ne3A_1371 : i32 to vector<16xi32>
    %ne3A_1373 = arith.cmpi ne, %get3A_1367, %ne3A_1372 : vector<16xi32>
    %add3A_1374 = arith.constant 336 : i32
    %add3A_1375 = arith.addi %mul3A_2, %add3A_1374 : i32
    %add3A_1376 = vector.broadcast %add3A_1375 : i32 to vector<16xi32>
    %add3A_1377 = arith.addi %iota3A, %add3A_1376 : vector<16xi32>
    %masked_cumsum3A_1378 = tpu.scan <sum>, %broadcast_in_dim3A_543 masked %eq3A_1370 : vector<16xi32>, vector<16xi1> -> vector<16xi32>
    %add3A_1379 = vector.broadcast %add3A_1360 : i32 to vector<16xi32>
    %add3A_1380 = arith.addi %add3A_1379, %masked_cumsum3A_1378 : vector<16xi32>
    %sub3A_1381 = arith.constant 1 : i32
    %sub3A_1382 = vector.broadcast %sub3A_1381 : i32 to vector<16xi32>
    %sub3A_1383 = arith.subi %add3A_1380, %sub3A_1382 : vector<16xi32>
    tpu.vector_store_idx %arg8[%sub3A_1383], %get3A_1365 masked %eq3A_1370 : memref<512xi32, #tpu.memory_space<vmem>>[vector<16xi32>], vector<16xi32>, vector<16xi1>
    tpu.vector_store_idx %arg9[%sub3A_1383], %add3A_1377 masked %eq3A_1370 : memref<512xi32, #tpu.memory_space<vmem>>[vector<16xi32>], vector<16xi32>, vector<16xi1>
    %masked_cumsum3A_1384 = tpu.scan <sum>, %broadcast_in_dim3A_543 masked %ne3A_1373 : vector<16xi32>, vector<16xi1> -> vector<16xi32>
    %sub3A_1385 = vector.broadcast %sub3A_1363 : i32 to vector<16xi32>
    %sub3A_1386 = arith.subi %sub3A_1385, %masked_cumsum3A_1384 : vector<16xi32>
    tpu.vector_store_idx %arg9[%sub3A_1386], %add3A_1377 masked %ne3A_1373 : memref<512xi32, #tpu.memory_space<vmem>>[vector<16xi32>], vector<16xi32>, vector<16xi1>
    %all_reduce_population_count3A_1387 = tpu.all_reduce %eq3A_1370 {dim = 0 : i64, kind = #tpu.reduction_kind<sum>} : vector<16xi1> -> vector<16xi32>
    %reduce_max3A_1388 = arith.constant true
    %reduce_max3A_1389 = vector.broadcast %reduce_max3A_1388 : i1 to vector<16xi1>
    %reduce_max3A_1390 = arith.constant -2147483648 : i32
    %reduce_max3A_1391 = vector.broadcast %reduce_max3A_1390 : i32 to vector<16xi32>
    %reduce_max3A_1392 = arith.xori %all_reduce_population_count3A_1387, %reduce_max3A_1391 : vector<16xi32>
    %reduce_max3A_1393 = tpu.scan <max>, %reduce_max3A_1392 masked %reduce_max3A_1389 : vector<16xi32>, vector<16xi1> -> vector<16xi32>
    %reduce_max3A_1394 = arith.xori %reduce_max3A_1393, %reduce_max3A_1391 : vector<16xi32>
    %reduce_max3A_1395 = vector.extract %reduce_max3A_1394[15] : i32 from vector<16xi32>
    %add3A_1396 = arith.addi %add3A_1360, %reduce_max3A_1395 : i32
    %sub3A_1397 = arith.constant 16 : i32
    %sub3A_1398 = arith.subi %sub3A_1397, %reduce_max3A_1395 : i32
    %sub3A_1399 = arith.subi %sub3A_1363, %sub3A_1398 : i32
    %get3A_1400 = arith.constant 352 : index
    %get3A_1401 = tpu.vector_load %arg6[%get3A_1400] {strides = array<i32>} : memref<512xi32, #tpu.memory_space<vmem>>, vector<16xi32>,
    %get3A_1402 = arith.constant 352 : index
    %get3A_1403 = tpu.vector_load %arg7[%get3A_1402] {strides = array<i32>} : memref<512xi32, #tpu.memory_space<vmem>>, vector<16xi32>,
    %eq3A_1404 = arith.constant 0 : i32
    %eq3A_1405 = vector.broadcast %eq3A_1404 : i32 to vector<16xi32>
    %eq3A_1406 = arith.cmpi eq, %get3A_1403, %eq3A_1405 : vector<16xi32>
    %ne3A_1407 = arith.constant 0 : i32
    %ne3A_1408 = vector.broadcast %ne3A_1407 : i32 to vector<16xi32>
    %ne3A_1409 = arith.cmpi ne, %get3A_1403, %ne3A_1408 : vector<16xi32>
    %add3A_1410 = arith.constant 352 : i32
    %add3A_1411 = arith.addi %mul3A_2, %add3A_1410 : i32
    %add3A_1412 = vector.broadcast %add3A_1411 : i32 to vector<16xi32>
    %add3A_1413 = arith.addi %iota3A, %add3A_1412 : vector<16xi32>
    %masked_cumsum3A_1414 = tpu.scan <sum>, %broadcast_in_dim3A_543 masked %eq3A_1406 : vector<16xi32>, vector<16xi1> -> vector<16xi32>
    %add3A_1415 = vector.broadcast %add3A_1396 : i32 to vector<16xi32>
    %add3A_1416 = arith.addi %add3A_1415, %masked_cumsum3A_1414 : vector<16xi32>
    %sub3A_1417 = arith.constant 1 : i32
    %sub3A_1418 = vector.broadcast %sub3A_1417 : i32 to vector<16xi32>
    %sub3A_1419 = arith.subi %add3A_1416, %sub3A_1418 : vector<16xi32>
    tpu.vector_store_idx %arg8[%sub3A_1419], %get3A_1401 masked %eq3A_1406 : memref<512xi32, #tpu.memory_space<vmem>>[vector<16xi32>], vector<16xi32>, vector<16xi1>
    tpu.vector_store_idx %arg9[%sub3A_1419], %add3A_1413 masked %eq3A_1406 : memref<512xi32, #tpu.memory_space<vmem>>[vector<16xi32>], vector<16xi32>, vector<16xi1>
    %masked_cumsum3A_1420 = tpu.scan <sum>, %broadcast_in_dim3A_543 masked %ne3A_1409 : vector<16xi32>, vector<16xi1> -> vector<16xi32>
    %sub3A_1421 = vector.broadcast %sub3A_1399 : i32 to vector<16xi32>
    %sub3A_1422 = arith.subi %sub3A_1421, %masked_cumsum3A_1420 : vector<16xi32>
    tpu.vector_store_idx %arg9[%sub3A_1422], %add3A_1413 masked %ne3A_1409 : memref<512xi32, #tpu.memory_space<vmem>>[vector<16xi32>], vector<16xi32>, vector<16xi1>
    %all_reduce_population_count3A_1423 = tpu.all_reduce %eq3A_1406 {dim = 0 : i64, kind = #tpu.reduction_kind<sum>} : vector<16xi1> -> vector<16xi32>
    %reduce_max3A_1424 = arith.constant true
    %reduce_max3A_1425 = vector.broadcast %reduce_max3A_1424 : i1 to vector<16xi1>
    %reduce_max3A_1426 = arith.constant -2147483648 : i32
    %reduce_max3A_1427 = vector.broadcast %reduce_max3A_1426 : i32 to vector<16xi32>
    %reduce_max3A_1428 = arith.xori %all_reduce_population_count3A_1423, %reduce_max3A_1427 : vector<16xi32>
    %reduce_max3A_1429 = tpu.scan <max>, %reduce_max3A_1428 masked %reduce_max3A_1425 : vector<16xi32>, vector<16xi1> -> vector<16xi32>
    %reduce_max3A_1430 = arith.xori %reduce_max3A_1429, %reduce_max3A_1427 : vector<16xi32>
    %reduce_max3A_1431 = vector.extract %reduce_max3A_1430[15] : i32 from vector<16xi32>
    %add3A_1432 = arith.addi %add3A_1396, %reduce_max3A_1431 : i32
    %sub3A_1433 = arith.constant 16 : i32
    %sub3A_1434 = arith.subi %sub3A_1433, %reduce_max3A_1431 : i32
    %sub3A_1435 = arith.subi %sub3A_1399, %sub3A_1434 : i32
    %get3A_1436 = arith.constant 368 : index
    %get3A_1437 = tpu.vector_load %arg6[%get3A_1436] {strides = array<i32>} : memref<512xi32, #tpu.memory_space<vmem>>, vector<16xi32>,
    %get3A_1438 = arith.constant 368 : index
    %get3A_1439 = tpu.vector_load %arg7[%get3A_1438] {strides = array<i32>} : memref<512xi32, #tpu.memory_space<vmem>>, vector<16xi32>,
    %eq3A_1440 = arith.constant 0 : i32
    %eq3A_1441 = vector.broadcast %eq3A_1440 : i32 to vector<16xi32>
    %eq3A_1442 = arith.cmpi eq, %get3A_1439, %eq3A_1441 : vector<16xi32>
    %ne3A_1443 = arith.constant 0 : i32
    %ne3A_1444 = vector.broadcast %ne3A_1443 : i32 to vector<16xi32>
    %ne3A_1445 = arith.cmpi ne, %get3A_1439, %ne3A_1444 : vector<16xi32>
    %add3A_1446 = arith.constant 368 : i32
    %add3A_1447 = arith.addi %mul3A_2, %add3A_1446 : i32
    %add3A_1448 = vector.broadcast %add3A_1447 : i32 to vector<16xi32>
    %add3A_1449 = arith.addi %iota3A, %add3A_1448 : vector<16xi32>
    %masked_cumsum3A_1450 = tpu.scan <sum>, %broadcast_in_dim3A_543 masked %eq3A_1442 : vector<16xi32>, vector<16xi1> -> vector<16xi32>
    %add3A_1451 = vector.broadcast %add3A_1432 : i32 to vector<16xi32>
    %add3A_1452 = arith.addi %add3A_1451, %masked_cumsum3A_1450 : vector<16xi32>
    %sub3A_1453 = arith.constant 1 : i32
    %sub3A_1454 = vector.broadcast %sub3A_1453 : i32 to vector<16xi32>
    %sub3A_1455 = arith.subi %add3A_1452, %sub3A_1454 : vector<16xi32>
    tpu.vector_store_idx %arg8[%sub3A_1455], %get3A_1437 masked %eq3A_1442 : memref<512xi32, #tpu.memory_space<vmem>>[vector<16xi32>], vector<16xi32>, vector<16xi1>
    tpu.vector_store_idx %arg9[%sub3A_1455], %add3A_1449 masked %eq3A_1442 : memref<512xi32, #tpu.memory_space<vmem>>[vector<16xi32>], vector<16xi32>, vector<16xi1>
    %masked_cumsum3A_1456 = tpu.scan <sum>, %broadcast_in_dim3A_543 masked %ne3A_1445 : vector<16xi32>, vector<16xi1> -> vector<16xi32>
    %sub3A_1457 = vector.broadcast %sub3A_1435 : i32 to vector<16xi32>
    %sub3A_1458 = arith.subi %sub3A_1457, %masked_cumsum3A_1456 : vector<16xi32>
    tpu.vector_store_idx %arg9[%sub3A_1458], %add3A_1449 masked %ne3A_1445 : memref<512xi32, #tpu.memory_space<vmem>>[vector<16xi32>], vector<16xi32>, vector<16xi1>
    %all_reduce_population_count3A_1459 = tpu.all_reduce %eq3A_1442 {dim = 0 : i64, kind = #tpu.reduction_kind<sum>} : vector<16xi1> -> vector<16xi32>
    %reduce_max3A_1460 = arith.constant true
    %reduce_max3A_1461 = vector.broadcast %reduce_max3A_1460 : i1 to vector<16xi1>
    %reduce_max3A_1462 = arith.constant -2147483648 : i32
    %reduce_max3A_1463 = vector.broadcast %reduce_max3A_1462 : i32 to vector<16xi32>
    %reduce_max3A_1464 = arith.xori %all_reduce_population_count3A_1459, %reduce_max3A_1463 : vector<16xi32>
    %reduce_max3A_1465 = tpu.scan <max>, %reduce_max3A_1464 masked %reduce_max3A_1461 : vector<16xi32>, vector<16xi1> -> vector<16xi32>
    %reduce_max3A_1466 = arith.xori %reduce_max3A_1465, %reduce_max3A_1463 : vector<16xi32>
    %reduce_max3A_1467 = vector.extract %reduce_max3A_1466[15] : i32 from vector<16xi32>
    %add3A_1468 = arith.addi %add3A_1432, %reduce_max3A_1467 : i32
    %sub3A_1469 = arith.constant 16 : i32
    %sub3A_1470 = arith.subi %sub3A_1469, %reduce_max3A_1467 : i32
    %sub3A_1471 = arith.subi %sub3A_1435, %sub3A_1470 : i32
    %get3A_1472 = arith.constant 384 : index
    %get3A_1473 = tpu.vector_load %arg6[%get3A_1472] {strides = array<i32>} : memref<512xi32, #tpu.memory_space<vmem>>, vector<16xi32>,
    %get3A_1474 = arith.constant 384 : index
    %get3A_1475 = tpu.vector_load %arg7[%get3A_1474] {strides = array<i32>} : memref<512xi32, #tpu.memory_space<vmem>>, vector<16xi32>,
    %eq3A_1476 = arith.constant 0 : i32
    %eq3A_1477 = vector.broadcast %eq3A_1476 : i32 to vector<16xi32>
    %eq3A_1478 = arith.cmpi eq, %get3A_1475, %eq3A_1477 : vector<16xi32>
    %ne3A_1479 = arith.constant 0 : i32
    %ne3A_1480 = vector.broadcast %ne3A_1479 : i32 to vector<16xi32>
    %ne3A_1481 = arith.cmpi ne, %get3A_1475, %ne3A_1480 : vector<16xi32>
    %add3A_1482 = arith.constant 384 : i32
    %add3A_1483 = arith.addi %mul3A_2, %add3A_1482 : i32
    %add3A_1484 = vector.broadcast %add3A_1483 : i32 to vector<16xi32>
    %add3A_1485 = arith.addi %iota3A, %add3A_1484 : vector<16xi32>
    %masked_cumsum3A_1486 = tpu.scan <sum>, %broadcast_in_dim3A_543 masked %eq3A_1478 : vector<16xi32>, vector<16xi1> -> vector<16xi32>
    %add3A_1487 = vector.broadcast %add3A_1468 : i32 to vector<16xi32>
    %add3A_1488 = arith.addi %add3A_1487, %masked_cumsum3A_1486 : vector<16xi32>
    %sub3A_1489 = arith.constant 1 : i32
    %sub3A_1490 = vector.broadcast %sub3A_1489 : i32 to vector<16xi32>
    %sub3A_1491 = arith.subi %add3A_1488, %sub3A_1490 : vector<16xi32>
    tpu.vector_store_idx %arg8[%sub3A_1491], %get3A_1473 masked %eq3A_1478 : memref<512xi32, #tpu.memory_space<vmem>>[vector<16xi32>], vector<16xi32>, vector<16xi1>
    tpu.vector_store_idx %arg9[%sub3A_1491], %add3A_1485 masked %eq3A_1478 : memref<512xi32, #tpu.memory_space<vmem>>[vector<16xi32>], vector<16xi32>, vector<16xi1>
    %masked_cumsum3A_1492 = tpu.scan <sum>, %broadcast_in_dim3A_543 masked %ne3A_1481 : vector<16xi32>, vector<16xi1> -> vector<16xi32>
    %sub3A_1493 = vector.broadcast %sub3A_1471 : i32 to vector<16xi32>
    %sub3A_1494 = arith.subi %sub3A_1493, %masked_cumsum3A_1492 : vector<16xi32>
    tpu.vector_store_idx %arg9[%sub3A_1494], %add3A_1485 masked %ne3A_1481 : memref<512xi32, #tpu.memory_space<vmem>>[vector<16xi32>], vector<16xi32>, vector<16xi1>
    %all_reduce_population_count3A_1495 = tpu.all_reduce %eq3A_1478 {dim = 0 : i64, kind = #tpu.reduction_kind<sum>} : vector<16xi1> -> vector<16xi32>
    %reduce_max3A_1496 = arith.constant true
    %reduce_max3A_1497 = vector.broadcast %reduce_max3A_1496 : i1 to vector<16xi1>
    %reduce_max3A_1498 = arith.constant -2147483648 : i32
    %reduce_max3A_1499 = vector.broadcast %reduce_max3A_1498 : i32 to vector<16xi32>
    %reduce_max3A_1500 = arith.xori %all_reduce_population_count3A_1495, %reduce_max3A_1499 : vector<16xi32>
    %reduce_max3A_1501 = tpu.scan <max>, %reduce_max3A_1500 masked %reduce_max3A_1497 : vector<16xi32>, vector<16xi1> -> vector<16xi32>
    %reduce_max3A_1502 = arith.xori %reduce_max3A_1501, %reduce_max3A_1499 : vector<16xi32>
    %reduce_max3A_1503 = vector.extract %reduce_max3A_1502[15] : i32 from vector<16xi32>
    %add3A_1504 = arith.addi %add3A_1468, %reduce_max3A_1503 : i32
    %sub3A_1505 = arith.constant 16 : i32
    %sub3A_1506 = arith.subi %sub3A_1505, %reduce_max3A_1503 : i32
    %sub3A_1507 = arith.subi %sub3A_1471, %sub3A_1506 : i32
    %get3A_1508 = arith.constant 400 : index
    %get3A_1509 = tpu.vector_load %arg6[%get3A_1508] {strides = array<i32>} : memref<512xi32, #tpu.memory_space<vmem>>, vector<16xi32>,
    %get3A_1510 = arith.constant 400 : index
    %get3A_1511 = tpu.vector_load %arg7[%get3A_1510] {strides = array<i32>} : memref<512xi32, #tpu.memory_space<vmem>>, vector<16xi32>,
    %eq3A_1512 = arith.constant 0 : i32
    %eq3A_1513 = vector.broadcast %eq3A_1512 : i32 to vector<16xi32>
    %eq3A_1514 = arith.cmpi eq, %get3A_1511, %eq3A_1513 : vector<16xi32>
    %ne3A_1515 = arith.constant 0 : i32
    %ne3A_1516 = vector.broadcast %ne3A_1515 : i32 to vector<16xi32>
    %ne3A_1517 = arith.cmpi ne, %get3A_1511, %ne3A_1516 : vector<16xi32>
    %add3A_1518 = arith.constant 400 : i32
    %add3A_1519 = arith.addi %mul3A_2, %add3A_1518 : i32
    %add3A_1520 = vector.broadcast %add3A_1519 : i32 to vector<16xi32>
    %add3A_1521 = arith.addi %iota3A, %add3A_1520 : vector<16xi32>
    %masked_cumsum3A_1522 = tpu.scan <sum>, %broadcast_in_dim3A_543 masked %eq3A_1514 : vector<16xi32>, vector<16xi1> -> vector<16xi32>
    %add3A_1523 = vector.broadcast %add3A_1504 : i32 to vector<16xi32>
    %add3A_1524 = arith.addi %add3A_1523, %masked_cumsum3A_1522 : vector<16xi32>
    %sub3A_1525 = arith.constant 1 : i32
    %sub3A_1526 = vector.broadcast %sub3A_1525 : i32 to vector<16xi32>
    %sub3A_1527 = arith.subi %add3A_1524, %sub3A_1526 : vector<16xi32>
    tpu.vector_store_idx %arg8[%sub3A_1527], %get3A_1509 masked %eq3A_1514 : memref<512xi32, #tpu.memory_space<vmem>>[vector<16xi32>], vector<16xi32>, vector<16xi1>
    tpu.vector_store_idx %arg9[%sub3A_1527], %add3A_1521 masked %eq3A_1514 : memref<512xi32, #tpu.memory_space<vmem>>[vector<16xi32>], vector<16xi32>, vector<16xi1>
    %masked_cumsum3A_1528 = tpu.scan <sum>, %broadcast_in_dim3A_543 masked %ne3A_1517 : vector<16xi32>, vector<16xi1> -> vector<16xi32>
    %sub3A_1529 = vector.broadcast %sub3A_1507 : i32 to vector<16xi32>
    %sub3A_1530 = arith.subi %sub3A_1529, %masked_cumsum3A_1528 : vector<16xi32>
    tpu.vector_store_idx %arg9[%sub3A_1530], %add3A_1521 masked %ne3A_1517 : memref<512xi32, #tpu.memory_space<vmem>>[vector<16xi32>], vector<16xi32>, vector<16xi1>
    %all_reduce_population_count3A_1531 = tpu.all_reduce %eq3A_1514 {dim = 0 : i64, kind = #tpu.reduction_kind<sum>} : vector<16xi1> -> vector<16xi32>
    %reduce_max3A_1532 = arith.constant true
    %reduce_max3A_1533 = vector.broadcast %reduce_max3A_1532 : i1 to vector<16xi1>
    %reduce_max3A_1534 = arith.constant -2147483648 : i32
    %reduce_max3A_1535 = vector.broadcast %reduce_max3A_1534 : i32 to vector<16xi32>
    %reduce_max3A_1536 = arith.xori %all_reduce_population_count3A_1531, %reduce_max3A_1535 : vector<16xi32>
    %reduce_max3A_1537 = tpu.scan <max>, %reduce_max3A_1536 masked %reduce_max3A_1533 : vector<16xi32>, vector<16xi1> -> vector<16xi32>
    %reduce_max3A_1538 = arith.xori %reduce_max3A_1537, %reduce_max3A_1535 : vector<16xi32>
    %reduce_max3A_1539 = vector.extract %reduce_max3A_1538[15] : i32 from vector<16xi32>
    %add3A_1540 = arith.addi %add3A_1504, %reduce_max3A_1539 : i32
    %sub3A_1541 = arith.constant 16 : i32
    %sub3A_1542 = arith.subi %sub3A_1541, %reduce_max3A_1539 : i32
    %sub3A_1543 = arith.subi %sub3A_1507, %sub3A_1542 : i32
    %get3A_1544 = arith.constant 416 : index
    %get3A_1545 = tpu.vector_load %arg6[%get3A_1544] {strides = array<i32>} : memref<512xi32, #tpu.memory_space<vmem>>, vector<16xi32>,
    %get3A_1546 = arith.constant 416 : index
    %get3A_1547 = tpu.vector_load %arg7[%get3A_1546] {strides = array<i32>} : memref<512xi32, #tpu.memory_space<vmem>>, vector<16xi32>,
    %eq3A_1548 = arith.constant 0 : i32
    %eq3A_1549 = vector.broadcast %eq3A_1548 : i32 to vector<16xi32>
    %eq3A_1550 = arith.cmpi eq, %get3A_1547, %eq3A_1549 : vector<16xi32>
    %ne3A_1551 = arith.constant 0 : i32
    %ne3A_1552 = vector.broadcast %ne3A_1551 : i32 to vector<16xi32>
    %ne3A_1553 = arith.cmpi ne, %get3A_1547, %ne3A_1552 : vector<16xi32>
    %add3A_1554 = arith.constant 416 : i32
    %add3A_1555 = arith.addi %mul3A_2, %add3A_1554 : i32
    %add3A_1556 = vector.broadcast %add3A_1555 : i32 to vector<16xi32>
    %add3A_1557 = arith.addi %iota3A, %add3A_1556 : vector<16xi32>
    %masked_cumsum3A_1558 = tpu.scan <sum>, %broadcast_in_dim3A_543 masked %eq3A_1550 : vector<16xi32>, vector<16xi1> -> vector<16xi32>
    %add3A_1559 = vector.broadcast %add3A_1540 : i32 to vector<16xi32>
    %add3A_1560 = arith.addi %add3A_1559, %masked_cumsum3A_1558 : vector<16xi32>
    %sub3A_1561 = arith.constant 1 : i32
    %sub3A_1562 = vector.broadcast %sub3A_1561 : i32 to vector<16xi32>
    %sub3A_1563 = arith.subi %add3A_1560, %sub3A_1562 : vector<16xi32>
    tpu.vector_store_idx %arg8[%sub3A_1563], %get3A_1545 masked %eq3A_1550 : memref<512xi32, #tpu.memory_space<vmem>>[vector<16xi32>], vector<16xi32>, vector<16xi1>
    tpu.vector_store_idx %arg9[%sub3A_1563], %add3A_1557 masked %eq3A_1550 : memref<512xi32, #tpu.memory_space<vmem>>[vector<16xi32>], vector<16xi32>, vector<16xi1>
    %masked_cumsum3A_1564 = tpu.scan <sum>, %broadcast_in_dim3A_543 masked %ne3A_1553 : vector<16xi32>, vector<16xi1> -> vector<16xi32>
    %sub3A_1565 = vector.broadcast %sub3A_1543 : i32 to vector<16xi32>
    %sub3A_1566 = arith.subi %sub3A_1565, %masked_cumsum3A_1564 : vector<16xi32>
    tpu.vector_store_idx %arg9[%sub3A_1566], %add3A_1557 masked %ne3A_1553 : memref<512xi32, #tpu.memory_space<vmem>>[vector<16xi32>], vector<16xi32>, vector<16xi1>
    %all_reduce_population_count3A_1567 = tpu.all_reduce %eq3A_1550 {dim = 0 : i64, kind = #tpu.reduction_kind<sum>} : vector<16xi1> -> vector<16xi32>
    %reduce_max3A_1568 = arith.constant true
    %reduce_max3A_1569 = vector.broadcast %reduce_max3A_1568 : i1 to vector<16xi1>
    %reduce_max3A_1570 = arith.constant -2147483648 : i32
    %reduce_max3A_1571 = vector.broadcast %reduce_max3A_1570 : i32 to vector<16xi32>
    %reduce_max3A_1572 = arith.xori %all_reduce_population_count3A_1567, %reduce_max3A_1571 : vector<16xi32>
    %reduce_max3A_1573 = tpu.scan <max>, %reduce_max3A_1572 masked %reduce_max3A_1569 : vector<16xi32>, vector<16xi1> -> vector<16xi32>
    %reduce_max3A_1574 = arith.xori %reduce_max3A_1573, %reduce_max3A_1571 : vector<16xi32>
    %reduce_max3A_1575 = vector.extract %reduce_max3A_1574[15] : i32 from vector<16xi32>
    %add3A_1576 = arith.addi %add3A_1540, %reduce_max3A_1575 : i32
    %sub3A_1577 = arith.constant 16 : i32
    %sub3A_1578 = arith.subi %sub3A_1577, %reduce_max3A_1575 : i32
    %sub3A_1579 = arith.subi %sub3A_1543, %sub3A_1578 : i32
    %get3A_1580 = arith.constant 432 : index
    %get3A_1581 = tpu.vector_load %arg6[%get3A_1580] {strides = array<i32>} : memref<512xi32, #tpu.memory_space<vmem>>, vector<16xi32>,
    %get3A_1582 = arith.constant 432 : index
    %get3A_1583 = tpu.vector_load %arg7[%get3A_1582] {strides = array<i32>} : memref<512xi32, #tpu.memory_space<vmem>>, vector<16xi32>,
    %eq3A_1584 = arith.constant 0 : i32
    %eq3A_1585 = vector.broadcast %eq3A_1584 : i32 to vector<16xi32>
    %eq3A_1586 = arith.cmpi eq, %get3A_1583, %eq3A_1585 : vector<16xi32>
    %ne3A_1587 = arith.constant 0 : i32
    %ne3A_1588 = vector.broadcast %ne3A_1587 : i32 to vector<16xi32>
    %ne3A_1589 = arith.cmpi ne, %get3A_1583, %ne3A_1588 : vector<16xi32>
    %add3A_1590 = arith.constant 432 : i32
    %add3A_1591 = arith.addi %mul3A_2, %add3A_1590 : i32
    %add3A_1592 = vector.broadcast %add3A_1591 : i32 to vector<16xi32>
    %add3A_1593 = arith.addi %iota3A, %add3A_1592 : vector<16xi32>
    %masked_cumsum3A_1594 = tpu.scan <sum>, %broadcast_in_dim3A_543 masked %eq3A_1586 : vector<16xi32>, vector<16xi1> -> vector<16xi32>
    %add3A_1595 = vector.broadcast %add3A_1576 : i32 to vector<16xi32>
    %add3A_1596 = arith.addi %add3A_1595, %masked_cumsum3A_1594 : vector<16xi32>
    %sub3A_1597 = arith.constant 1 : i32
    %sub3A_1598 = vector.broadcast %sub3A_1597 : i32 to vector<16xi32>
    %sub3A_1599 = arith.subi %add3A_1596, %sub3A_1598 : vector<16xi32>
    tpu.vector_store_idx %arg8[%sub3A_1599], %get3A_1581 masked %eq3A_1586 : memref<512xi32, #tpu.memory_space<vmem>>[vector<16xi32>], vector<16xi32>, vector<16xi1>
    tpu.vector_store_idx %arg9[%sub3A_1599], %add3A_1593 masked %eq3A_1586 : memref<512xi32, #tpu.memory_space<vmem>>[vector<16xi32>], vector<16xi32>, vector<16xi1>
    %masked_cumsum3A_1600 = tpu.scan <sum>, %broadcast_in_dim3A_543 masked %ne3A_1589 : vector<16xi32>, vector<16xi1> -> vector<16xi32>
    %sub3A_1601 = vector.broadcast %sub3A_1579 : i32 to vector<16xi32>
    %sub3A_1602 = arith.subi %sub3A_1601, %masked_cumsum3A_1600 : vector<16xi32>
    tpu.vector_store_idx %arg9[%sub3A_1602], %add3A_1593 masked %ne3A_1589 : memref<512xi32, #tpu.memory_space<vmem>>[vector<16xi32>], vector<16xi32>, vector<16xi1>
    %all_reduce_population_count3A_1603 = tpu.all_reduce %eq3A_1586 {dim = 0 : i64, kind = #tpu.reduction_kind<sum>} : vector<16xi1> -> vector<16xi32>
    %reduce_max3A_1604 = arith.constant true
    %reduce_max3A_1605 = vector.broadcast %reduce_max3A_1604 : i1 to vector<16xi1>
    %reduce_max3A_1606 = arith.constant -2147483648 : i32
    %reduce_max3A_1607 = vector.broadcast %reduce_max3A_1606 : i32 to vector<16xi32>
    %reduce_max3A_1608 = arith.xori %all_reduce_population_count3A_1603, %reduce_max3A_1607 : vector<16xi32>
    %reduce_max3A_1609 = tpu.scan <max>, %reduce_max3A_1608 masked %reduce_max3A_1605 : vector<16xi32>, vector<16xi1> -> vector<16xi32>
    %reduce_max3A_1610 = arith.xori %reduce_max3A_1609, %reduce_max3A_1607 : vector<16xi32>
    %reduce_max3A_1611 = vector.extract %reduce_max3A_1610[15] : i32 from vector<16xi32>
    %add3A_1612 = arith.addi %add3A_1576, %reduce_max3A_1611 : i32
    %sub3A_1613 = arith.constant 16 : i32
    %sub3A_1614 = arith.subi %sub3A_1613, %reduce_max3A_1611 : i32
    %sub3A_1615 = arith.subi %sub3A_1579, %sub3A_1614 : i32
    %get3A_1616 = arith.constant 448 : index
    %get3A_1617 = tpu.vector_load %arg6[%get3A_1616] {strides = array<i32>} : memref<512xi32, #tpu.memory_space<vmem>>, vector<16xi32>,
    %get3A_1618 = arith.constant 448 : index
    %get3A_1619 = tpu.vector_load %arg7[%get3A_1618] {strides = array<i32>} : memref<512xi32, #tpu.memory_space<vmem>>, vector<16xi32>,
    %eq3A_1620 = arith.constant 0 : i32
    %eq3A_1621 = vector.broadcast %eq3A_1620 : i32 to vector<16xi32>
    %eq3A_1622 = arith.cmpi eq, %get3A_1619, %eq3A_1621 : vector<16xi32>
    %ne3A_1623 = arith.constant 0 : i32
    %ne3A_1624 = vector.broadcast %ne3A_1623 : i32 to vector<16xi32>
    %ne3A_1625 = arith.cmpi ne, %get3A_1619, %ne3A_1624 : vector<16xi32>
    %add3A_1626 = arith.constant 448 : i32
    %add3A_1627 = arith.addi %mul3A_2, %add3A_1626 : i32
    %add3A_1628 = vector.broadcast %add3A_1627 : i32 to vector<16xi32>
    %add3A_1629 = arith.addi %iota3A, %add3A_1628 : vector<16xi32>
    %masked_cumsum3A_1630 = tpu.scan <sum>, %broadcast_in_dim3A_543 masked %eq3A_1622 : vector<16xi32>, vector<16xi1> -> vector<16xi32>
    %add3A_1631 = vector.broadcast %add3A_1612 : i32 to vector<16xi32>
    %add3A_1632 = arith.addi %add3A_1631, %masked_cumsum3A_1630 : vector<16xi32>
    %sub3A_1633 = arith.constant 1 : i32
    %sub3A_1634 = vector.broadcast %sub3A_1633 : i32 to vector<16xi32>
    %sub3A_1635 = arith.subi %add3A_1632, %sub3A_1634 : vector<16xi32>
    tpu.vector_store_idx %arg8[%sub3A_1635], %get3A_1617 masked %eq3A_1622 : memref<512xi32, #tpu.memory_space<vmem>>[vector<16xi32>], vector<16xi32>, vector<16xi1>
    tpu.vector_store_idx %arg9[%sub3A_1635], %add3A_1629 masked %eq3A_1622 : memref<512xi32, #tpu.memory_space<vmem>>[vector<16xi32>], vector<16xi32>, vector<16xi1>
    %masked_cumsum3A_1636 = tpu.scan <sum>, %broadcast_in_dim3A_543 masked %ne3A_1625 : vector<16xi32>, vector<16xi1> -> vector<16xi32>
    %sub3A_1637 = vector.broadcast %sub3A_1615 : i32 to vector<16xi32>
    %sub3A_1638 = arith.subi %sub3A_1637, %masked_cumsum3A_1636 : vector<16xi32>
    tpu.vector_store_idx %arg9[%sub3A_1638], %add3A_1629 masked %ne3A_1625 : memref<512xi32, #tpu.memory_space<vmem>>[vector<16xi32>], vector<16xi32>, vector<16xi1>
    %all_reduce_population_count3A_1639 = tpu.all_reduce %eq3A_1622 {dim = 0 : i64, kind = #tpu.reduction_kind<sum>} : vector<16xi1> -> vector<16xi32>
    %reduce_max3A_1640 = arith.constant true
    %reduce_max3A_1641 = vector.broadcast %reduce_max3A_1640 : i1 to vector<16xi1>
    %reduce_max3A_1642 = arith.constant -2147483648 : i32
    %reduce_max3A_1643 = vector.broadcast %reduce_max3A_1642 : i32 to vector<16xi32>
    %reduce_max3A_1644 = arith.xori %all_reduce_population_count3A_1639, %reduce_max3A_1643 : vector<16xi32>
    %reduce_max3A_1645 = tpu.scan <max>, %reduce_max3A_1644 masked %reduce_max3A_1641 : vector<16xi32>, vector<16xi1> -> vector<16xi32>
    %reduce_max3A_1646 = arith.xori %reduce_max3A_1645, %reduce_max3A_1643 : vector<16xi32>
    %reduce_max3A_1647 = vector.extract %reduce_max3A_1646[15] : i32 from vector<16xi32>
    %add3A_1648 = arith.addi %add3A_1612, %reduce_max3A_1647 : i32
    %sub3A_1649 = arith.constant 16 : i32
    %sub3A_1650 = arith.subi %sub3A_1649, %reduce_max3A_1647 : i32
    %sub3A_1651 = arith.subi %sub3A_1615, %sub3A_1650 : i32
    %get3A_1652 = arith.constant 464 : index
    %get3A_1653 = tpu.vector_load %arg6[%get3A_1652] {strides = array<i32>} : memref<512xi32, #tpu.memory_space<vmem>>, vector<16xi32>,
    %get3A_1654 = arith.constant 464 : index
    %get3A_1655 = tpu.vector_load %arg7[%get3A_1654] {strides = array<i32>} : memref<512xi32, #tpu.memory_space<vmem>>, vector<16xi32>,
    %eq3A_1656 = arith.constant 0 : i32
    %eq3A_1657 = vector.broadcast %eq3A_1656 : i32 to vector<16xi32>
    %eq3A_1658 = arith.cmpi eq, %get3A_1655, %eq3A_1657 : vector<16xi32>
    %ne3A_1659 = arith.constant 0 : i32
    %ne3A_1660 = vector.broadcast %ne3A_1659 : i32 to vector<16xi32>
    %ne3A_1661 = arith.cmpi ne, %get3A_1655, %ne3A_1660 : vector<16xi32>
    %add3A_1662 = arith.constant 464 : i32
    %add3A_1663 = arith.addi %mul3A_2, %add3A_1662 : i32
    %add3A_1664 = vector.broadcast %add3A_1663 : i32 to vector<16xi32>
    %add3A_1665 = arith.addi %iota3A, %add3A_1664 : vector<16xi32>
    %masked_cumsum3A_1666 = tpu.scan <sum>, %broadcast_in_dim3A_543 masked %eq3A_1658 : vector<16xi32>, vector<16xi1> -> vector<16xi32>
    %add3A_1667 = vector.broadcast %add3A_1648 : i32 to vector<16xi32>
    %add3A_1668 = arith.addi %add3A_1667, %masked_cumsum3A_1666 : vector<16xi32>
    %sub3A_1669 = arith.constant 1 : i32
    %sub3A_1670 = vector.broadcast %sub3A_1669 : i32 to vector<16xi32>
    %sub3A_1671 = arith.subi %add3A_1668, %sub3A_1670 : vector<16xi32>
    tpu.vector_store_idx %arg8[%sub3A_1671], %get3A_1653 masked %eq3A_1658 : memref<512xi32, #tpu.memory_space<vmem>>[vector<16xi32>], vector<16xi32>, vector<16xi1>
    tpu.vector_store_idx %arg9[%sub3A_1671], %add3A_1665 masked %eq3A_1658 : memref<512xi32, #tpu.memory_space<vmem>>[vector<16xi32>], vector<16xi32>, vector<16xi1>
    %masked_cumsum3A_1672 = tpu.scan <sum>, %broadcast_in_dim3A_543 masked %ne3A_1661 : vector<16xi32>, vector<16xi1> -> vector<16xi32>
    %sub3A_1673 = vector.broadcast %sub3A_1651 : i32 to vector<16xi32>
    %sub3A_1674 = arith.subi %sub3A_1673, %masked_cumsum3A_1672 : vector<16xi32>
    tpu.vector_store_idx %arg9[%sub3A_1674], %add3A_1665 masked %ne3A_1661 : memref<512xi32, #tpu.memory_space<vmem>>[vector<16xi32>], vector<16xi32>, vector<16xi1>
    %all_reduce_population_count3A_1675 = tpu.all_reduce %eq3A_1658 {dim = 0 : i64, kind = #tpu.reduction_kind<sum>} : vector<16xi1> -> vector<16xi32>
    %reduce_max3A_1676 = arith.constant true
    %reduce_max3A_1677 = vector.broadcast %reduce_max3A_1676 : i1 to vector<16xi1>
    %reduce_max3A_1678 = arith.constant -2147483648 : i32
    %reduce_max3A_1679 = vector.broadcast %reduce_max3A_1678 : i32 to vector<16xi32>
    %reduce_max3A_1680 = arith.xori %all_reduce_population_count3A_1675, %reduce_max3A_1679 : vector<16xi32>
    %reduce_max3A_1681 = tpu.scan <max>, %reduce_max3A_1680 masked %reduce_max3A_1677 : vector<16xi32>, vector<16xi1> -> vector<16xi32>
    %reduce_max3A_1682 = arith.xori %reduce_max3A_1681, %reduce_max3A_1679 : vector<16xi32>
    %reduce_max3A_1683 = vector.extract %reduce_max3A_1682[15] : i32 from vector<16xi32>
    %add3A_1684 = arith.addi %add3A_1648, %reduce_max3A_1683 : i32
    %sub3A_1685 = arith.constant 16 : i32
    %sub3A_1686 = arith.subi %sub3A_1685, %reduce_max3A_1683 : i32
    %sub3A_1687 = arith.subi %sub3A_1651, %sub3A_1686 : i32
    %get3A_1688 = arith.constant 480 : index
    %get3A_1689 = tpu.vector_load %arg6[%get3A_1688] {strides = array<i32>} : memref<512xi32, #tpu.memory_space<vmem>>, vector<16xi32>,
    %get3A_1690 = arith.constant 480 : index
    %get3A_1691 = tpu.vector_load %arg7[%get3A_1690] {strides = array<i32>} : memref<512xi32, #tpu.memory_space<vmem>>, vector<16xi32>,
    %eq3A_1692 = arith.constant 0 : i32
    %eq3A_1693 = vector.broadcast %eq3A_1692 : i32 to vector<16xi32>
    %eq3A_1694 = arith.cmpi eq, %get3A_1691, %eq3A_1693 : vector<16xi32>
    %ne3A_1695 = arith.constant 0 : i32
    %ne3A_1696 = vector.broadcast %ne3A_1695 : i32 to vector<16xi32>
    %ne3A_1697 = arith.cmpi ne, %get3A_1691, %ne3A_1696 : vector<16xi32>
    %add3A_1698 = arith.constant 480 : i32
    %add3A_1699 = arith.addi %mul3A_2, %add3A_1698 : i32
    %add3A_1700 = vector.broadcast %add3A_1699 : i32 to vector<16xi32>
    %add3A_1701 = arith.addi %iota3A, %add3A_1700 : vector<16xi32>
    %masked_cumsum3A_1702 = tpu.scan <sum>, %broadcast_in_dim3A_543 masked %eq3A_1694 : vector<16xi32>, vector<16xi1> -> vector<16xi32>
    %add3A_1703 = vector.broadcast %add3A_1684 : i32 to vector<16xi32>
    %add3A_1704 = arith.addi %add3A_1703, %masked_cumsum3A_1702 : vector<16xi32>
    %sub3A_1705 = arith.constant 1 : i32
    %sub3A_1706 = vector.broadcast %sub3A_1705 : i32 to vector<16xi32>
    %sub3A_1707 = arith.subi %add3A_1704, %sub3A_1706 : vector<16xi32>
    tpu.vector_store_idx %arg8[%sub3A_1707], %get3A_1689 masked %eq3A_1694 : memref<512xi32, #tpu.memory_space<vmem>>[vector<16xi32>], vector<16xi32>, vector<16xi1>
    tpu.vector_store_idx %arg9[%sub3A_1707], %add3A_1701 masked %eq3A_1694 : memref<512xi32, #tpu.memory_space<vmem>>[vector<16xi32>], vector<16xi32>, vector<16xi1>
    %masked_cumsum3A_1708 = tpu.scan <sum>, %broadcast_in_dim3A_543 masked %ne3A_1697 : vector<16xi32>, vector<16xi1> -> vector<16xi32>
    %sub3A_1709 = vector.broadcast %sub3A_1687 : i32 to vector<16xi32>
    %sub3A_1710 = arith.subi %sub3A_1709, %masked_cumsum3A_1708 : vector<16xi32>
    tpu.vector_store_idx %arg9[%sub3A_1710], %add3A_1701 masked %ne3A_1697 : memref<512xi32, #tpu.memory_space<vmem>>[vector<16xi32>], vector<16xi32>, vector<16xi1>
    %all_reduce_population_count3A_1711 = tpu.all_reduce %eq3A_1694 {dim = 0 : i64, kind = #tpu.reduction_kind<sum>} : vector<16xi1> -> vector<16xi32>
    %reduce_max3A_1712 = arith.constant true
    %reduce_max3A_1713 = vector.broadcast %reduce_max3A_1712 : i1 to vector<16xi1>
    %reduce_max3A_1714 = arith.constant -2147483648 : i32
    %reduce_max3A_1715 = vector.broadcast %reduce_max3A_1714 : i32 to vector<16xi32>
    %reduce_max3A_1716 = arith.xori %all_reduce_population_count3A_1711, %reduce_max3A_1715 : vector<16xi32>
    %reduce_max3A_1717 = tpu.scan <max>, %reduce_max3A_1716 masked %reduce_max3A_1713 : vector<16xi32>, vector<16xi1> -> vector<16xi32>
    %reduce_max3A_1718 = arith.xori %reduce_max3A_1717, %reduce_max3A_1715 : vector<16xi32>
    %reduce_max3A_1719 = vector.extract %reduce_max3A_1718[15] : i32 from vector<16xi32>
    %add3A_1720 = arith.addi %add3A_1684, %reduce_max3A_1719 : i32
    %sub3A_1721 = arith.constant 16 : i32
    %sub3A_1722 = arith.subi %sub3A_1721, %reduce_max3A_1719 : i32
    %sub3A_1723 = arith.subi %sub3A_1687, %sub3A_1722 : i32
    %get3A_1724 = arith.constant 496 : index
    %get3A_1725 = tpu.vector_load %arg6[%get3A_1724] {strides = array<i32>} : memref<512xi32, #tpu.memory_space<vmem>>, vector<16xi32>,
    %get3A_1726 = arith.constant 496 : index
    %get3A_1727 = tpu.vector_load %arg7[%get3A_1726] {strides = array<i32>} : memref<512xi32, #tpu.memory_space<vmem>>, vector<16xi32>,
    %eq3A_1728 = arith.constant 0 : i32
    %eq3A_1729 = vector.broadcast %eq3A_1728 : i32 to vector<16xi32>
    %eq3A_1730 = arith.cmpi eq, %get3A_1727, %eq3A_1729 : vector<16xi32>
    %ne3A_1731 = arith.constant 0 : i32
    %ne3A_1732 = vector.broadcast %ne3A_1731 : i32 to vector<16xi32>
    %ne3A_1733 = arith.cmpi ne, %get3A_1727, %ne3A_1732 : vector<16xi32>
    %add3A_1734 = arith.constant 496 : i32
    %add3A_1735 = arith.addi %mul3A_2, %add3A_1734 : i32
    %add3A_1736 = vector.broadcast %add3A_1735 : i32 to vector<16xi32>
    %add3A_1737 = arith.addi %iota3A, %add3A_1736 : vector<16xi32>
    %masked_cumsum3A_1738 = tpu.scan <sum>, %broadcast_in_dim3A_543 masked %eq3A_1730 : vector<16xi32>, vector<16xi1> -> vector<16xi32>
    %add3A_1739 = vector.broadcast %add3A_1720 : i32 to vector<16xi32>
    %add3A_1740 = arith.addi %add3A_1739, %masked_cumsum3A_1738 : vector<16xi32>
    %sub3A_1741 = arith.constant 1 : i32
    %sub3A_1742 = vector.broadcast %sub3A_1741 : i32 to vector<16xi32>
    %sub3A_1743 = arith.subi %add3A_1740, %sub3A_1742 : vector<16xi32>
    tpu.vector_store_idx %arg8[%sub3A_1743], %get3A_1725 masked %eq3A_1730 : memref<512xi32, #tpu.memory_space<vmem>>[vector<16xi32>], vector<16xi32>, vector<16xi1>
    tpu.vector_store_idx %arg9[%sub3A_1743], %add3A_1737 masked %eq3A_1730 : memref<512xi32, #tpu.memory_space<vmem>>[vector<16xi32>], vector<16xi32>, vector<16xi1>
    %masked_cumsum3A_1744 = tpu.scan <sum>, %broadcast_in_dim3A_543 masked %ne3A_1733 : vector<16xi32>, vector<16xi1> -> vector<16xi32>
    %sub3A_1745 = vector.broadcast %sub3A_1723 : i32 to vector<16xi32>
    %sub3A_1746 = arith.subi %sub3A_1745, %masked_cumsum3A_1744 : vector<16xi32>
    tpu.vector_store_idx %arg9[%sub3A_1746], %add3A_1737 masked %ne3A_1733 : memref<512xi32, #tpu.memory_space<vmem>>[vector<16xi32>], vector<16xi32>, vector<16xi1>
    %all_reduce_population_count3A_1747 = tpu.all_reduce %eq3A_1730 {dim = 0 : i64, kind = #tpu.reduction_kind<sum>} : vector<16xi1> -> vector<16xi32>
    %reduce_max3A_1748 = arith.constant true
    %reduce_max3A_1749 = vector.broadcast %reduce_max3A_1748 : i1 to vector<16xi1>
    %reduce_max3A_1750 = arith.constant -2147483648 : i32
    %reduce_max3A_1751 = vector.broadcast %reduce_max3A_1750 : i32 to vector<16xi32>
    %reduce_max3A_1752 = arith.xori %all_reduce_population_count3A_1747, %reduce_max3A_1751 : vector<16xi32>
    %reduce_max3A_1753 = tpu.scan <max>, %reduce_max3A_1752 masked %reduce_max3A_1749 : vector<16xi32>, vector<16xi1> -> vector<16xi32>
    %reduce_max3A_1754 = arith.xori %reduce_max3A_1753, %reduce_max3A_1751 : vector<16xi32>
    %reduce_max3A_1755 = vector.extract %reduce_max3A_1754[15] : i32 from vector<16xi32>
    %add3A_1756 = arith.addi %add3A_1720, %reduce_max3A_1755 : i32
    %sub3A_1757 = arith.constant 16 : i32
    %sub3A_1758 = arith.subi %sub3A_1757, %reduce_max3A_1755 : i32
    %sub3A_1759 = arith.subi %sub3A_1723, %sub3A_1758 : i32
    %add3A_1760 = arith.constant 15 : i32
    %add3A_1761 = arith.addi %add3A_1756, %add3A_1760 : i32
    %jit3A = arith.constant 16 : i32
    %div3A = arith.divsi %add3A_1761, %jit3A : i32
    %sign3A = arith.constant 0 : i32
    %sign3A_1762 = arith.cmpi sgt, %add3A_1761, %sign3A : i32
    %sign3A_1763 = arith.extui %sign3A_1762 : i1 to i32
    %sign3A_1764 = arith.constant 0 : i32
    %sign3A_1765 = arith.cmpi slt, %add3A_1761, %sign3A_1764 : i32
    %sign3A_1766 = arith.extui %sign3A_1765 : i1 to i32
    %sign3A_1767 = arith.subi %sign3A_1763, %sign3A_1766 : i32
    %sign3A_1768 = arith.constant 0 : i32
    %sign3A_1769 = arith.cmpi sgt, %jit3A, %sign3A_1768 : i32
    %sign3A_1770 = arith.extui %sign3A_1769 : i1 to i32
    %sign3A_1771 = arith.constant 0 : i32
    %sign3A_1772 = arith.cmpi slt, %jit3A, %sign3A_1771 : i32
    %sign3A_1773 = arith.extui %sign3A_1772 : i1 to i32
    %sign3A_1774 = arith.subi %sign3A_1770, %sign3A_1773 : i32
    %ne3A_1775 = arith.cmpi ne, %sign3A_1767, %sign3A_1774 : i32
    %rem3A = arith.remsi %add3A_1761, %jit3A : i32
    %ne3A_1776 = arith.constant 0 : i32
    %ne3A_1777 = arith.cmpi ne, %rem3A, %ne3A_1776 : i32
    %and3A = arith.andi %ne3A_1775, %ne3A_1777 : i1
    %sub3A_1778 = arith.constant 1 : i32
    %sub3A_1779 = arith.subi %div3A, %sub3A_1778 : i32
    %select_n3A = arith.select %and3A, %sub3A_1779, %div3A : i32
    %mul3A_1780 = arith.constant 2 : i32
    %mul3A_1781 = arith.muli %select_n3A, %mul3A_1780 : i32
    %while3A = arith.constant 0 : i32
    %while3A_1782 = arith.constant 0 : i32
    %while3A_1783 = arith.subi %mul3A_1781, %while3A_1782 : i32
    %while3A_1784 = arith.addi %while3A_1782, %while3A_1783 : i32
    %while3A_1785 = arith.constant 1 : i32
    %while3A_1786 = arith.divsi %while3A_1783, %while3A_1785 : i32
    %while3A_1787 = arith.muli %while3A_1786, %while3A_1785 : i32
    %while3A_1788 = arith.addi %while3A_1782, %while3A_1787 : i32
    %while3A_1789 = arith.constant 1 : i32
    scf.for %while3A_2101 = %while3A_1782 to %while3A_1788 step %while3A_1789  : i32 {
      %mul3A_2102 = arith.constant 8 : i32
      %mul3A_2103 = arith.muli %while3A_2101, %mul3A_2102 : i32
      %mul3A_2104 = arith.constant 8 : i32
      %mul3A_2105 = arith.muli %while3A_2101, %mul3A_2104 : i32
      %dma_start3A_2106 = arith.constant 0 : i32
      %dma_start3A_2107 = tpu.memref_slice %arg11[%mul3A_2105, %dma_start3A_2106] : memref<512x128xf32, #tpu.memory_space<vmem>> -> memref<8x128xf32, #tpu.memory_space<vmem>>
      %dma_start3A_2108 = tpu.memref_slice %arg8[%mul3A_2103] : memref<512xi32, #tpu.memory_space<vmem>> -> memref<8xi32, #tpu.memory_space<vmem>>
      %dma_start3A_2109 = arith.constant 0 : i32
      %dma_start3A_2110 = arith.constant 0 : i32
      %dma_start3A_2111 = tpu.memref_slice %arg2[%dma_start3A_2109, %dma_start3A_2110] : memref<100001x128xf32, #tpu.memory_space<hbm>> -> memref<100001x128xf32, #tpu.memory_space<hbm>>
      tpu.enqueue_indirect_dma source(%dma_start3A_2111 : memref<100001x128xf32, #tpu.memory_space<hbm>>) target(%dma_start3A_2107 : memref<8x128xf32, #tpu.memory_space<vmem>>) offsets(%dma_start3A_2108 : memref<8xi32, #tpu.memory_space<vmem>>) semaphore(%arg12 : memref<!tpu.dma_semaphore, #tpu.memory_space<semaphore_mem>>)
    }
    %while3A_1790 = arith.constant 1 : i32
    scf.for %while3A_2101 = %while3A_1788 to %while3A_1784 step %while3A_1790  : i32 {
      %mul3A_2102 = arith.constant 8 : i32
      %mul3A_2103 = arith.muli %while3A_2101, %mul3A_2102 : i32
      %mul3A_2104 = arith.constant 8 : i32
      %mul3A_2105 = arith.muli %while3A_2101, %mul3A_2104 : i32
      %dma_start3A_2106 = arith.constant 0 : i32
      %dma_start3A_2107 = tpu.memref_slice %arg11[%mul3A_2105, %dma_start3A_2106] : memref<512x128xf32, #tpu.memory_space<vmem>> -> memref<8x128xf32, #tpu.memory_space<vmem>>
      %dma_start3A_2108 = tpu.memref_slice %arg8[%mul3A_2103] : memref<512xi32, #tpu.memory_space<vmem>> -> memref<8xi32, #tpu.memory_space<vmem>>
      %dma_start3A_2109 = arith.constant 0 : i32
      %dma_start3A_2110 = arith.constant 0 : i32
      %dma_start3A_2111 = tpu.memref_slice %arg2[%dma_start3A_2109, %dma_start3A_2110] : memref<100001x128xf32, #tpu.memory_space<hbm>> -> memref<100001x128xf32, #tpu.memory_space<hbm>>
      tpu.enqueue_indirect_dma source(%dma_start3A_2111 : memref<100001x128xf32, #tpu.memory_space<hbm>>) target(%dma_start3A_2107 : memref<8x128xf32, #tpu.memory_space<vmem>>) offsets(%dma_start3A_2108 : memref<8xi32, #tpu.memory_space<vmem>>) semaphore(%arg12 : memref<!tpu.dma_semaphore, #tpu.memory_space<semaphore_mem>>)
    }
    %while3A_1791 = arith.constant 0 : i32
    %while3A_1792 = arith.constant 32 : i32
    %while3A_1793 = arith.subi %while3A_1792, %select_n3A : i32
    %while3A_1794 = arith.addi %select_n3A, %while3A_1793 : i32
    %while3A_1795 = arith.constant 1 : i32
    %while3A_1796 = arith.divsi %while3A_1793, %while3A_1795 : i32
    %while3A_1797 = arith.muli %while3A_1796, %while3A_1795 : i32
    %while3A_1798 = arith.addi %select_n3A, %while3A_1797 : i32
    %while3A_1799 = arith.constant 1 : i32
    scf.for %while3A_2101 = %select_n3A to %while3A_1798 step %while3A_1799  : i32 {
      %mul3A_2102 = arith.constant 16 : i32
      %mul3A_2103 = arith.muli %while3A_2101, %mul3A_2102 : i32
      %dma_start3A_2104 = tpu.memref_slice %arg9[%mul3A_2103] : memref<512xi32, #tpu.memory_space<vmem>> -> memref<16xi32, #tpu.memory_space<vmem>>
      %dma_start3A_2105 = arith.constant 0 : i32
      %dma_start3A_2106 = arith.constant 0 : i32
      %dma_start3A_2107 = tpu.memref_slice %arg5[%dma_start3A_2105, %dma_start3A_2106] : memref<16384x128xf32, #tpu.memory_space<hbm>> -> memref<16384x128xf32, #tpu.memory_space<hbm>>
      tpu.enqueue_indirect_dma source(%arg10 : memref<16x128xf32, #tpu.memory_space<vmem>>) target(%dma_start3A_2107 : memref<16384x128xf32, #tpu.memory_space<hbm>>) offsets(%dma_start3A_2104 : memref<16xi32, #tpu.memory_space<vmem>>) semaphore(%arg13 : memref<!tpu.dma_semaphore, #tpu.memory_space<semaphore_mem>>)
    }
    %while3A_1800 = arith.constant 1 : i32
    scf.for %while3A_2101 = %while3A_1798 to %while3A_1794 step %while3A_1800  : i32 {
      %mul3A_2102 = arith.constant 16 : i32
      %mul3A_2103 = arith.muli %while3A_2101, %mul3A_2102 : i32
      %dma_start3A_2104 = tpu.memref_slice %arg9[%mul3A_2103] : memref<512xi32, #tpu.memory_space<vmem>> -> memref<16xi32, #tpu.memory_space<vmem>>
      %dma_start3A_2105 = arith.constant 0 : i32
      %dma_start3A_2106 = arith.constant 0 : i32
      %dma_start3A_2107 = tpu.memref_slice %arg5[%dma_start3A_2105, %dma_start3A_2106] : memref<16384x128xf32, #tpu.memory_space<hbm>> -> memref<16384x128xf32, #tpu.memory_space<hbm>>
      tpu.enqueue_indirect_dma source(%arg10 : memref<16x128xf32, #tpu.memory_space<vmem>>) target(%dma_start3A_2107 : memref<16384x128xf32, #tpu.memory_space<hbm>>) offsets(%dma_start3A_2104 : memref<16xi32, #tpu.memory_space<vmem>>) semaphore(%arg13 : memref<!tpu.dma_semaphore, #tpu.memory_space<semaphore_mem>>)
    }
    %mul3A_1801 = arith.constant 0 : i32
    %mul3A_1802 = arith.muli %mul3A_1781, %mul3A_1801 : i32
    %jit3A_1803 = arith.constant 4 : i32
    %div3A_1804 = arith.divsi %mul3A_1802, %jit3A_1803 : i32
    %sign3A_1805 = arith.constant 0 : i32
    %sign3A_1806 = arith.cmpi sgt, %mul3A_1802, %sign3A_1805 : i32
    %sign3A_1807 = arith.extui %sign3A_1806 : i1 to i32
    %sign3A_1808 = arith.constant 0 : i32
    %sign3A_1809 = arith.cmpi slt, %mul3A_1802, %sign3A_1808 : i32
    %sign3A_1810 = arith.extui %sign3A_1809 : i1 to i32
    %sign3A_1811 = arith.subi %sign3A_1807, %sign3A_1810 : i32
    %sign3A_1812 = arith.constant 0 : i32
    %sign3A_1813 = arith.cmpi sgt, %jit3A_1803, %sign3A_1812 : i32
    %sign3A_1814 = arith.extui %sign3A_1813 : i1 to i32
    %sign3A_1815 = arith.constant 0 : i32
    %sign3A_1816 = arith.cmpi slt, %jit3A_1803, %sign3A_1815 : i32
    %sign3A_1817 = arith.extui %sign3A_1816 : i1 to i32
    %sign3A_1818 = arith.subi %sign3A_1814, %sign3A_1817 : i32
    %ne3A_1819 = arith.cmpi ne, %sign3A_1811, %sign3A_1818 : i32
    %rem3A_1820 = arith.remsi %mul3A_1802, %jit3A_1803 : i32
    %ne3A_1821 = arith.constant 0 : i32
    %ne3A_1822 = arith.cmpi ne, %rem3A_1820, %ne3A_1821 : i32
    %and3A_1823 = arith.andi %ne3A_1819, %ne3A_1822 : i1
    %sub3A_1824 = arith.constant 1 : i32
    %sub3A_1825 = arith.subi %div3A_1804, %sub3A_1824 : i32
    %select_n3A_1826 = arith.select %and3A_1823, %sub3A_1825, %div3A_1804 : i32
    %mul3A_1827 = arith.constant 1 : i32
    %mul3A_1828 = arith.muli %mul3A_1781, %mul3A_1827 : i32
    %jit3A_1829 = arith.constant 4 : i32
    %div3A_1830 = arith.divsi %mul3A_1828, %jit3A_1829 : i32
    %sign3A_1831 = arith.constant 0 : i32
    %sign3A_1832 = arith.cmpi sgt, %mul3A_1828, %sign3A_1831 : i32
    %sign3A_1833 = arith.extui %sign3A_1832 : i1 to i32
    %sign3A_1834 = arith.constant 0 : i32
    %sign3A_1835 = arith.cmpi slt, %mul3A_1828, %sign3A_1834 : i32
    %sign3A_1836 = arith.extui %sign3A_1835 : i1 to i32
    %sign3A_1837 = arith.subi %sign3A_1833, %sign3A_1836 : i32
    %sign3A_1838 = arith.constant 0 : i32
    %sign3A_1839 = arith.cmpi sgt, %jit3A_1829, %sign3A_1838 : i32
    %sign3A_1840 = arith.extui %sign3A_1839 : i1 to i32
    %sign3A_1841 = arith.constant 0 : i32
    %sign3A_1842 = arith.cmpi slt, %jit3A_1829, %sign3A_1841 : i32
    %sign3A_1843 = arith.extui %sign3A_1842 : i1 to i32
    %sign3A_1844 = arith.subi %sign3A_1840, %sign3A_1843 : i32
    %ne3A_1845 = arith.cmpi ne, %sign3A_1837, %sign3A_1844 : i32
    %rem3A_1846 = arith.remsi %mul3A_1828, %jit3A_1829 : i32
    %ne3A_1847 = arith.constant 0 : i32
    %ne3A_1848 = arith.cmpi ne, %rem3A_1846, %ne3A_1847 : i32
    %and3A_1849 = arith.andi %ne3A_1845, %ne3A_1848 : i1
    %sub3A_1850 = arith.constant 1 : i32
    %sub3A_1851 = arith.subi %div3A_1830, %sub3A_1850 : i32
    %select_n3A_1852 = arith.select %and3A_1849, %sub3A_1851, %div3A_1830 : i32
    %while3A_1853 = arith.constant 0 : i32
    %while3A_1854 = arith.subi %select_n3A_1852, %select_n3A_1826 : i32
    %while3A_1855 = arith.addi %select_n3A_1826, %while3A_1854 : i32
    %while3A_1856 = arith.constant 1 : i32
    %while3A_1857 = arith.divsi %while3A_1854, %while3A_1856 : i32
    %while3A_1858 = arith.muli %while3A_1857, %while3A_1856 : i32
    %while3A_1859 = arith.addi %select_n3A_1826, %while3A_1858 : i32
    %while3A_1860 = arith.constant 1 : i32
    scf.for %while3A_2101 = %select_n3A_1826 to %while3A_1859 step %while3A_1860  : i32 {
      %dma_wait3A_2102 = arith.constant 0 : i32
      %dma_wait3A_2103 = arith.constant 0 : i32
      %dma_wait3A_2104 = tpu.memref_slice %arg11[%dma_wait3A_2102, %dma_wait3A_2103] : memref<512x128xf32, #tpu.memory_space<vmem>> -> memref<8x128xf32, #tpu.memory_space<vmem>>
      %dma_wait3A_2105 = arith.constant 0 : i32
      %dma_wait3A_2106 = arith.constant 0 : i32
      %dma_wait3A_2107 = tpu.memref_slice %arg2[%dma_wait3A_2105, %dma_wait3A_2106] : memref<100001x128xf32, #tpu.memory_space<hbm>> -> memref<8x128xf32, #tpu.memory_space<hbm>>
      %dma_wait3A_2108 = arith.constant 0 : i32
      %dma_wait3A_2109 = arith.constant 0 : i32
      %dma_wait3A_2110 = tpu.memref_slice %arg11[%dma_wait3A_2108, %dma_wait3A_2109] : memref<512x128xf32, #tpu.memory_space<vmem>> -> memref<8x128xf32, #tpu.memory_space<vmem>>
      %dma_wait3A_2111 = arith.constant 0 : i32
      %dma_wait3A_2112 = arith.constant 0 : i32
      %dma_wait3A_2113 = tpu.memref_slice %arg2[%dma_wait3A_2111, %dma_wait3A_2112] : memref<100001x128xf32, #tpu.memory_space<hbm>> -> memref<8x128xf32, #tpu.memory_space<hbm>>
      tpu.wait_dma2 semaphore(%arg12 : memref<!tpu.dma_semaphore, #tpu.memory_space<semaphore_mem>>) src(%dma_wait3A_2113 : memref<8x128xf32, #tpu.memory_space<hbm>>) dst(%dma_wait3A_2110 : memref<8x128xf32, #tpu.memory_space<vmem>>)
    }
    %while3A_1861 = arith.constant 1 : i32
    scf.for %while3A_2101 = %while3A_1859 to %while3A_1855 step %while3A_1861  : i32 {
      %dma_wait3A_2102 = arith.constant 0 : i32
      %dma_wait3A_2103 = arith.constant 0 : i32
      %dma_wait3A_2104 = tpu.memref_slice %arg11[%dma_wait3A_2102, %dma_wait3A_2103] : memref<512x128xf32, #tpu.memory_space<vmem>> -> memref<8x128xf32, #tpu.memory_space<vmem>>
      %dma_wait3A_2105 = arith.constant 0 : i32
      %dma_wait3A_2106 = arith.constant 0 : i32
      %dma_wait3A_2107 = tpu.memref_slice %arg2[%dma_wait3A_2105, %dma_wait3A_2106] : memref<100001x128xf32, #tpu.memory_space<hbm>> -> memref<8x128xf32, #tpu.memory_space<hbm>>
      %dma_wait3A_2108 = arith.constant 0 : i32
      %dma_wait3A_2109 = arith.constant 0 : i32
      %dma_wait3A_2110 = tpu.memref_slice %arg11[%dma_wait3A_2108, %dma_wait3A_2109] : memref<512x128xf32, #tpu.memory_space<vmem>> -> memref<8x128xf32, #tpu.memory_space<vmem>>
      %dma_wait3A_2111 = arith.constant 0 : i32
      %dma_wait3A_2112 = arith.constant 0 : i32
      %dma_wait3A_2113 = tpu.memref_slice %arg2[%dma_wait3A_2111, %dma_wait3A_2112] : memref<100001x128xf32, #tpu.memory_space<hbm>> -> memref<8x128xf32, #tpu.memory_space<hbm>>
      tpu.wait_dma2 semaphore(%arg12 : memref<!tpu.dma_semaphore, #tpu.memory_space<semaphore_mem>>) src(%dma_wait3A_2113 : memref<8x128xf32, #tpu.memory_space<hbm>>) dst(%dma_wait3A_2110 : memref<8x128xf32, #tpu.memory_space<vmem>>)
    }
    %while3A_1862 = arith.constant 0 : i32
    %while3A_1863 = arith.subi %select_n3A_1852, %select_n3A_1826 : i32
    %while3A_1864 = arith.addi %select_n3A_1826, %while3A_1863 : i32
    %while3A_1865 = arith.constant 1 : i32
    %while3A_1866 = arith.divsi %while3A_1863, %while3A_1865 : i32
    %while3A_1867 = arith.muli %while3A_1866, %while3A_1865 : i32
    %while3A_1868 = arith.addi %select_n3A_1826, %while3A_1867 : i32
    %while3A_1869 = arith.constant 1 : i32
    scf.for %while3A_2101 = %select_n3A_1826 to %while3A_1868 step %while3A_1869  : i32 {
      %mul3A_2102 = arith.constant 8 : i32
      %mul3A_2103 = arith.muli %while3A_2101, %mul3A_2102 : i32
      %mul3A_2104 = arith.constant 8 : i32
      %mul3A_2105 = arith.muli %while3A_2101, %mul3A_2104 : i32
      %dma_start3A_2106 = arith.constant 0 : i32
      %dma_start3A_2107 = tpu.memref_slice %arg11[%mul3A_2103, %dma_start3A_2106] : memref<512x128xf32, #tpu.memory_space<vmem>> -> memref<8x128xf32, #tpu.memory_space<vmem>>
      %dma_start3A_2108 = tpu.memref_slice %arg9[%mul3A_2105] : memref<512xi32, #tpu.memory_space<vmem>> -> memref<8xi32, #tpu.memory_space<vmem>>
      %dma_start3A_2109 = arith.constant 0 : i32
      %dma_start3A_2110 = arith.constant 0 : i32
      %dma_start3A_2111 = tpu.memref_slice %arg5[%dma_start3A_2109, %dma_start3A_2110] : memref<16384x128xf32, #tpu.memory_space<hbm>> -> memref<16384x128xf32, #tpu.memory_space<hbm>>
      tpu.enqueue_indirect_dma source(%dma_start3A_2107 : memref<8x128xf32, #tpu.memory_space<vmem>>) target(%dma_start3A_2111 : memref<16384x128xf32, #tpu.memory_space<hbm>>) offsets(%dma_start3A_2108 : memref<8xi32, #tpu.memory_space<vmem>>) semaphore(%arg13 : memref<!tpu.dma_semaphore, #tpu.memory_space<semaphore_mem>>)
    }
    %while3A_1870 = arith.constant 1 : i32
    scf.for %while3A_2101 = %while3A_1868 to %while3A_1864 step %while3A_1870  : i32 {
      %mul3A_2102 = arith.constant 8 : i32
      %mul3A_2103 = arith.muli %while3A_2101, %mul3A_2102 : i32
      %mul3A_2104 = arith.constant 8 : i32
      %mul3A_2105 = arith.muli %while3A_2101, %mul3A_2104 : i32
      %dma_start3A_2106 = arith.constant 0 : i32
      %dma_start3A_2107 = tpu.memref_slice %arg11[%mul3A_2103, %dma_start3A_2106] : memref<512x128xf32, #tpu.memory_space<vmem>> -> memref<8x128xf32, #tpu.memory_space<vmem>>
      %dma_start3A_2108 = tpu.memref_slice %arg9[%mul3A_2105] : memref<512xi32, #tpu.memory_space<vmem>> -> memref<8xi32, #tpu.memory_space<vmem>>
      %dma_start3A_2109 = arith.constant 0 : i32
      %dma_start3A_2110 = arith.constant 0 : i32
      %dma_start3A_2111 = tpu.memref_slice %arg5[%dma_start3A_2109, %dma_start3A_2110] : memref<16384x128xf32, #tpu.memory_space<hbm>> -> memref<16384x128xf32, #tpu.memory_space<hbm>>
      tpu.enqueue_indirect_dma source(%dma_start3A_2107 : memref<8x128xf32, #tpu.memory_space<vmem>>) target(%dma_start3A_2111 : memref<16384x128xf32, #tpu.memory_space<hbm>>) offsets(%dma_start3A_2108 : memref<8xi32, #tpu.memory_space<vmem>>) semaphore(%arg13 : memref<!tpu.dma_semaphore, #tpu.memory_space<semaphore_mem>>)
    }
    %mul3A_1871 = arith.constant 1 : i32
    %mul3A_1872 = arith.muli %mul3A_1781, %mul3A_1871 : i32
    %jit3A_1873 = arith.constant 4 : i32
    %div3A_1874 = arith.divsi %mul3A_1872, %jit3A_1873 : i32
    %sign3A_1875 = arith.constant 0 : i32
    %sign3A_1876 = arith.cmpi sgt, %mul3A_1872, %sign3A_1875 : i32
    %sign3A_1877 = arith.extui %sign3A_1876 : i1 to i32
    %sign3A_1878 = arith.constant 0 : i32
    %sign3A_1879 = arith.cmpi slt, %mul3A_1872, %sign3A_1878 : i32
    %sign3A_1880 = arith.extui %sign3A_1879 : i1 to i32
    %sign3A_1881 = arith.subi %sign3A_1877, %sign3A_1880 : i32
    %sign3A_1882 = arith.constant 0 : i32
    %sign3A_1883 = arith.cmpi sgt, %jit3A_1873, %sign3A_1882 : i32
    %sign3A_1884 = arith.extui %sign3A_1883 : i1 to i32
    %sign3A_1885 = arith.constant 0 : i32
    %sign3A_1886 = arith.cmpi slt, %jit3A_1873, %sign3A_1885 : i32
    %sign3A_1887 = arith.extui %sign3A_1886 : i1 to i32
    %sign3A_1888 = arith.subi %sign3A_1884, %sign3A_1887 : i32
    %ne3A_1889 = arith.cmpi ne, %sign3A_1881, %sign3A_1888 : i32
    %rem3A_1890 = arith.remsi %mul3A_1872, %jit3A_1873 : i32
    %ne3A_1891 = arith.constant 0 : i32
    %ne3A_1892 = arith.cmpi ne, %rem3A_1890, %ne3A_1891 : i32
    %and3A_1893 = arith.andi %ne3A_1889, %ne3A_1892 : i1
    %sub3A_1894 = arith.constant 1 : i32
    %sub3A_1895 = arith.subi %div3A_1874, %sub3A_1894 : i32
    %select_n3A_1896 = arith.select %and3A_1893, %sub3A_1895, %div3A_1874 : i32
    %mul3A_1897 = arith.constant 2 : i32
    %mul3A_1898 = arith.muli %mul3A_1781, %mul3A_1897 : i32
    %jit3A_1899 = arith.constant 4 : i32
    %div3A_1900 = arith.divsi %mul3A_1898, %jit3A_1899 : i32
    %sign3A_1901 = arith.constant 0 : i32
    %sign3A_1902 = arith.cmpi sgt, %mul3A_1898, %sign3A_1901 : i32
    %sign3A_1903 = arith.extui %sign3A_1902 : i1 to i32
    %sign3A_1904 = arith.constant 0 : i32
    %sign3A_1905 = arith.cmpi slt, %mul3A_1898, %sign3A_1904 : i32
    %sign3A_1906 = arith.extui %sign3A_1905 : i1 to i32
    %sign3A_1907 = arith.subi %sign3A_1903, %sign3A_1906 : i32
    %sign3A_1908 = arith.constant 0 : i32
    %sign3A_1909 = arith.cmpi sgt, %jit3A_1899, %sign3A_1908 : i32
    %sign3A_1910 = arith.extui %sign3A_1909 : i1 to i32
    %sign3A_1911 = arith.constant 0 : i32
    %sign3A_1912 = arith.cmpi slt, %jit3A_1899, %sign3A_1911 : i32
    %sign3A_1913 = arith.extui %sign3A_1912 : i1 to i32
    %sign3A_1914 = arith.subi %sign3A_1910, %sign3A_1913 : i32
    %ne3A_1915 = arith.cmpi ne, %sign3A_1907, %sign3A_1914 : i32
    %rem3A_1916 = arith.remsi %mul3A_1898, %jit3A_1899 : i32
    %ne3A_1917 = arith.constant 0 : i32
    %ne3A_1918 = arith.cmpi ne, %rem3A_1916, %ne3A_1917 : i32
    %and3A_1919 = arith.andi %ne3A_1915, %ne3A_1918 : i1
    %sub3A_1920 = arith.constant 1 : i32
    %sub3A_1921 = arith.subi %div3A_1900, %sub3A_1920 : i32
    %select_n3A_1922 = arith.select %and3A_1919, %sub3A_1921, %div3A_1900 : i32
    %while3A_1923 = arith.constant 0 : i32
    %while3A_1924 = arith.subi %select_n3A_1922, %select_n3A_1896 : i32
    %while3A_1925 = arith.addi %select_n3A_1896, %while3A_1924 : i32
    %while3A_1926 = arith.constant 1 : i32
    %while3A_1927 = arith.divsi %while3A_1924, %while3A_1926 : i32
    %while3A_1928 = arith.muli %while3A_1927, %while3A_1926 : i32
    %while3A_1929 = arith.addi %select_n3A_1896, %while3A_1928 : i32
    %while3A_1930 = arith.constant 1 : i32
    scf.for %while3A_2101 = %select_n3A_1896 to %while3A_1929 step %while3A_1930  : i32 {
      %dma_wait3A_2102 = arith.constant 0 : i32
      %dma_wait3A_2103 = arith.constant 0 : i32
      %dma_wait3A_2104 = tpu.memref_slice %arg11[%dma_wait3A_2102, %dma_wait3A_2103] : memref<512x128xf32, #tpu.memory_space<vmem>> -> memref<8x128xf32, #tpu.memory_space<vmem>>
      %dma_wait3A_2105 = arith.constant 0 : i32
      %dma_wait3A_2106 = arith.constant 0 : i32
      %dma_wait3A_2107 = tpu.memref_slice %arg2[%dma_wait3A_2105, %dma_wait3A_2106] : memref<100001x128xf32, #tpu.memory_space<hbm>> -> memref<8x128xf32, #tpu.memory_space<hbm>>
      %dma_wait3A_2108 = arith.constant 0 : i32
      %dma_wait3A_2109 = arith.constant 0 : i32
      %dma_wait3A_2110 = tpu.memref_slice %arg11[%dma_wait3A_2108, %dma_wait3A_2109] : memref<512x128xf32, #tpu.memory_space<vmem>> -> memref<8x128xf32, #tpu.memory_space<vmem>>
      %dma_wait3A_2111 = arith.constant 0 : i32
      %dma_wait3A_2112 = arith.constant 0 : i32
      %dma_wait3A_2113 = tpu.memref_slice %arg2[%dma_wait3A_2111, %dma_wait3A_2112] : memref<100001x128xf32, #tpu.memory_space<hbm>> -> memref<8x128xf32, #tpu.memory_space<hbm>>
      tpu.wait_dma2 semaphore(%arg12 : memref<!tpu.dma_semaphore, #tpu.memory_space<semaphore_mem>>) src(%dma_wait3A_2113 : memref<8x128xf32, #tpu.memory_space<hbm>>) dst(%dma_wait3A_2110 : memref<8x128xf32, #tpu.memory_space<vmem>>)
    }
    %while3A_1931 = arith.constant 1 : i32
    scf.for %while3A_2101 = %while3A_1929 to %while3A_1925 step %while3A_1931  : i32 {
      %dma_wait3A_2102 = arith.constant 0 : i32
      %dma_wait3A_2103 = arith.constant 0 : i32
      %dma_wait3A_2104 = tpu.memref_slice %arg11[%dma_wait3A_2102, %dma_wait3A_2103] : memref<512x128xf32, #tpu.memory_space<vmem>> -> memref<8x128xf32, #tpu.memory_space<vmem>>
      %dma_wait3A_2105 = arith.constant 0 : i32
      %dma_wait3A_2106 = arith.constant 0 : i32
      %dma_wait3A_2107 = tpu.memref_slice %arg2[%dma_wait3A_2105, %dma_wait3A_2106] : memref<100001x128xf32, #tpu.memory_space<hbm>> -> memref<8x128xf32, #tpu.memory_space<hbm>>
      %dma_wait3A_2108 = arith.constant 0 : i32
      %dma_wait3A_2109 = arith.constant 0 : i32
      %dma_wait3A_2110 = tpu.memref_slice %arg11[%dma_wait3A_2108, %dma_wait3A_2109] : memref<512x128xf32, #tpu.memory_space<vmem>> -> memref<8x128xf32, #tpu.memory_space<vmem>>
      %dma_wait3A_2111 = arith.constant 0 : i32
      %dma_wait3A_2112 = arith.constant 0 : i32
      %dma_wait3A_2113 = tpu.memref_slice %arg2[%dma_wait3A_2111, %dma_wait3A_2112] : memref<100001x128xf32, #tpu.memory_space<hbm>> -> memref<8x128xf32, #tpu.memory_space<hbm>>
      tpu.wait_dma2 semaphore(%arg12 : memref<!tpu.dma_semaphore, #tpu.memory_space<semaphore_mem>>) src(%dma_wait3A_2113 : memref<8x128xf32, #tpu.memory_space<hbm>>) dst(%dma_wait3A_2110 : memref<8x128xf32, #tpu.memory_space<vmem>>)
    }
    %while3A_1932 = arith.constant 0 : i32
    %while3A_1933 = arith.subi %select_n3A_1922, %select_n3A_1896 : i32
    %while3A_1934 = arith.addi %select_n3A_1896, %while3A_1933 : i32
    %while3A_1935 = arith.constant 1 : i32
    %while3A_1936 = arith.divsi %while3A_1933, %while3A_1935 : i32
    %while3A_1937 = arith.muli %while3A_1936, %while3A_1935 : i32
    %while3A_1938 = arith.addi %select_n3A_1896, %while3A_1937 : i32
    %while3A_1939 = arith.constant 1 : i32
    scf.for %while3A_2101 = %select_n3A_1896 to %while3A_1938 step %while3A_1939  : i32 {
      %mul3A_2102 = arith.constant 8 : i32
      %mul3A_2103 = arith.muli %while3A_2101, %mul3A_2102 : i32
      %mul3A_2104 = arith.constant 8 : i32
      %mul3A_2105 = arith.muli %while3A_2101, %mul3A_2104 : i32
      %dma_start3A_2106 = arith.constant 0 : i32
      %dma_start3A_2107 = tpu.memref_slice %arg11[%mul3A_2103, %dma_start3A_2106] : memref<512x128xf32, #tpu.memory_space<vmem>> -> memref<8x128xf32, #tpu.memory_space<vmem>>
      %dma_start3A_2108 = tpu.memref_slice %arg9[%mul3A_2105] : memref<512xi32, #tpu.memory_space<vmem>> -> memref<8xi32, #tpu.memory_space<vmem>>
      %dma_start3A_2109 = arith.constant 0 : i32
      %dma_start3A_2110 = arith.constant 0 : i32
      %dma_start3A_2111 = tpu.memref_slice %arg5[%dma_start3A_2109, %dma_start3A_2110] : memref<16384x128xf32, #tpu.memory_space<hbm>> -> memref<16384x128xf32, #tpu.memory_space<hbm>>
      tpu.enqueue_indirect_dma source(%dma_start3A_2107 : memref<8x128xf32, #tpu.memory_space<vmem>>) target(%dma_start3A_2111 : memref<16384x128xf32, #tpu.memory_space<hbm>>) offsets(%dma_start3A_2108 : memref<8xi32, #tpu.memory_space<vmem>>) semaphore(%arg13 : memref<!tpu.dma_semaphore, #tpu.memory_space<semaphore_mem>>)
    }
    %while3A_1940 = arith.constant 1 : i32
    scf.for %while3A_2101 = %while3A_1938 to %while3A_1934 step %while3A_1940  : i32 {
      %mul3A_2102 = arith.constant 8 : i32
      %mul3A_2103 = arith.muli %while3A_2101, %mul3A_2102 : i32
      %mul3A_2104 = arith.constant 8 : i32
      %mul3A_2105 = arith.muli %while3A_2101, %mul3A_2104 : i32
      %dma_start3A_2106 = arith.constant 0 : i32
      %dma_start3A_2107 = tpu.memref_slice %arg11[%mul3A_2103, %dma_start3A_2106] : memref<512x128xf32, #tpu.memory_space<vmem>> -> memref<8x128xf32, #tpu.memory_space<vmem>>
      %dma_start3A_2108 = tpu.memref_slice %arg9[%mul3A_2105] : memref<512xi32, #tpu.memory_space<vmem>> -> memref<8xi32, #tpu.memory_space<vmem>>
      %dma_start3A_2109 = arith.constant 0 : i32
      %dma_start3A_2110 = arith.constant 0 : i32
      %dma_start3A_2111 = tpu.memref_slice %arg5[%dma_start3A_2109, %dma_start3A_2110] : memref<16384x128xf32, #tpu.memory_space<hbm>> -> memref<16384x128xf32, #tpu.memory_space<hbm>>
      tpu.enqueue_indirect_dma source(%dma_start3A_2107 : memref<8x128xf32, #tpu.memory_space<vmem>>) target(%dma_start3A_2111 : memref<16384x128xf32, #tpu.memory_space<hbm>>) offsets(%dma_start3A_2108 : memref<8xi32, #tpu.memory_space<vmem>>) semaphore(%arg13 : memref<!tpu.dma_semaphore, #tpu.memory_space<semaphore_mem>>)
    }
    %mul3A_1941 = arith.constant 2 : i32
    %mul3A_1942 = arith.muli %mul3A_1781, %mul3A_1941 : i32
    %jit3A_1943 = arith.constant 4 : i32
    %div3A_1944 = arith.divsi %mul3A_1942, %jit3A_1943 : i32
    %sign3A_1945 = arith.constant 0 : i32
    %sign3A_1946 = arith.cmpi sgt, %mul3A_1942, %sign3A_1945 : i32
    %sign3A_1947 = arith.extui %sign3A_1946 : i1 to i32
    %sign3A_1948 = arith.constant 0 : i32
    %sign3A_1949 = arith.cmpi slt, %mul3A_1942, %sign3A_1948 : i32
    %sign3A_1950 = arith.extui %sign3A_1949 : i1 to i32
    %sign3A_1951 = arith.subi %sign3A_1947, %sign3A_1950 : i32
    %sign3A_1952 = arith.constant 0 : i32
    %sign3A_1953 = arith.cmpi sgt, %jit3A_1943, %sign3A_1952 : i32
    %sign3A_1954 = arith.extui %sign3A_1953 : i1 to i32
    %sign3A_1955 = arith.constant 0 : i32
    %sign3A_1956 = arith.cmpi slt, %jit3A_1943, %sign3A_1955 : i32
    %sign3A_1957 = arith.extui %sign3A_1956 : i1 to i32
    %sign3A_1958 = arith.subi %sign3A_1954, %sign3A_1957 : i32
    %ne3A_1959 = arith.cmpi ne, %sign3A_1951, %sign3A_1958 : i32
    %rem3A_1960 = arith.remsi %mul3A_1942, %jit3A_1943 : i32
    %ne3A_1961 = arith.constant 0 : i32
    %ne3A_1962 = arith.cmpi ne, %rem3A_1960, %ne3A_1961 : i32
    %and3A_1963 = arith.andi %ne3A_1959, %ne3A_1962 : i1
    %sub3A_1964 = arith.constant 1 : i32
    %sub3A_1965 = arith.subi %div3A_1944, %sub3A_1964 : i32
    %select_n3A_1966 = arith.select %and3A_1963, %sub3A_1965, %div3A_1944 : i32
    %mul3A_1967 = arith.constant 3 : i32
    %mul3A_1968 = arith.muli %mul3A_1781, %mul3A_1967 : i32
    %jit3A_1969 = arith.constant 4 : i32
    %div3A_1970 = arith.divsi %mul3A_1968, %jit3A_1969 : i32
    %sign3A_1971 = arith.constant 0 : i32
    %sign3A_1972 = arith.cmpi sgt, %mul3A_1968, %sign3A_1971 : i32
    %sign3A_1973 = arith.extui %sign3A_1972 : i1 to i32
    %sign3A_1974 = arith.constant 0 : i32
    %sign3A_1975 = arith.cmpi slt, %mul3A_1968, %sign3A_1974 : i32
    %sign3A_1976 = arith.extui %sign3A_1975 : i1 to i32
    %sign3A_1977 = arith.subi %sign3A_1973, %sign3A_1976 : i32
    %sign3A_1978 = arith.constant 0 : i32
    %sign3A_1979 = arith.cmpi sgt, %jit3A_1969, %sign3A_1978 : i32
    %sign3A_1980 = arith.extui %sign3A_1979 : i1 to i32
    %sign3A_1981 = arith.constant 0 : i32
    %sign3A_1982 = arith.cmpi slt, %jit3A_1969, %sign3A_1981 : i32
    %sign3A_1983 = arith.extui %sign3A_1982 : i1 to i32
    %sign3A_1984 = arith.subi %sign3A_1980, %sign3A_1983 : i32
    %ne3A_1985 = arith.cmpi ne, %sign3A_1977, %sign3A_1984 : i32
    %rem3A_1986 = arith.remsi %mul3A_1968, %jit3A_1969 : i32
    %ne3A_1987 = arith.constant 0 : i32
    %ne3A_1988 = arith.cmpi ne, %rem3A_1986, %ne3A_1987 : i32
    %and3A_1989 = arith.andi %ne3A_1985, %ne3A_1988 : i1
    %sub3A_1990 = arith.constant 1 : i32
    %sub3A_1991 = arith.subi %div3A_1970, %sub3A_1990 : i32
    %select_n3A_1992 = arith.select %and3A_1989, %sub3A_1991, %div3A_1970 : i32
    %while3A_1993 = arith.constant 0 : i32
    %while3A_1994 = arith.subi %select_n3A_1992, %select_n3A_1966 : i32
    %while3A_1995 = arith.addi %select_n3A_1966, %while3A_1994 : i32
    %while3A_1996 = arith.constant 1 : i32
    %while3A_1997 = arith.divsi %while3A_1994, %while3A_1996 : i32
    %while3A_1998 = arith.muli %while3A_1997, %while3A_1996 : i32
    %while3A_1999 = arith.addi %select_n3A_1966, %while3A_1998 : i32
    %while3A_2000 = arith.constant 1 : i32
    scf.for %while3A_2101 = %select_n3A_1966 to %while3A_1999 step %while3A_2000  : i32 {
      %dma_wait3A_2102 = arith.constant 0 : i32
      %dma_wait3A_2103 = arith.constant 0 : i32
      %dma_wait3A_2104 = tpu.memref_slice %arg11[%dma_wait3A_2102, %dma_wait3A_2103] : memref<512x128xf32, #tpu.memory_space<vmem>> -> memref<8x128xf32, #tpu.memory_space<vmem>>
      %dma_wait3A_2105 = arith.constant 0 : i32
      %dma_wait3A_2106 = arith.constant 0 : i32
      %dma_wait3A_2107 = tpu.memref_slice %arg2[%dma_wait3A_2105, %dma_wait3A_2106] : memref<100001x128xf32, #tpu.memory_space<hbm>> -> memref<8x128xf32, #tpu.memory_space<hbm>>
      %dma_wait3A_2108 = arith.constant 0 : i32
      %dma_wait3A_2109 = arith.constant 0 : i32
      %dma_wait3A_2110 = tpu.memref_slice %arg11[%dma_wait3A_2108, %dma_wait3A_2109] : memref<512x128xf32, #tpu.memory_space<vmem>> -> memref<8x128xf32, #tpu.memory_space<vmem>>
      %dma_wait3A_2111 = arith.constant 0 : i32
      %dma_wait3A_2112 = arith.constant 0 : i32
      %dma_wait3A_2113 = tpu.memref_slice %arg2[%dma_wait3A_2111, %dma_wait3A_2112] : memref<100001x128xf32, #tpu.memory_space<hbm>> -> memref<8x128xf32, #tpu.memory_space<hbm>>
      tpu.wait_dma2 semaphore(%arg12 : memref<!tpu.dma_semaphore, #tpu.memory_space<semaphore_mem>>) src(%dma_wait3A_2113 : memref<8x128xf32, #tpu.memory_space<hbm>>) dst(%dma_wait3A_2110 : memref<8x128xf32, #tpu.memory_space<vmem>>)
    }
    %while3A_2001 = arith.constant 1 : i32
    scf.for %while3A_2101 = %while3A_1999 to %while3A_1995 step %while3A_2001  : i32 {
      %dma_wait3A_2102 = arith.constant 0 : i32
      %dma_wait3A_2103 = arith.constant 0 : i32
      %dma_wait3A_2104 = tpu.memref_slice %arg11[%dma_wait3A_2102, %dma_wait3A_2103] : memref<512x128xf32, #tpu.memory_space<vmem>> -> memref<8x128xf32, #tpu.memory_space<vmem>>
      %dma_wait3A_2105 = arith.constant 0 : i32
      %dma_wait3A_2106 = arith.constant 0 : i32
      %dma_wait3A_2107 = tpu.memref_slice %arg2[%dma_wait3A_2105, %dma_wait3A_2106] : memref<100001x128xf32, #tpu.memory_space<hbm>> -> memref<8x128xf32, #tpu.memory_space<hbm>>
      %dma_wait3A_2108 = arith.constant 0 : i32
      %dma_wait3A_2109 = arith.constant 0 : i32
      %dma_wait3A_2110 = tpu.memref_slice %arg11[%dma_wait3A_2108, %dma_wait3A_2109] : memref<512x128xf32, #tpu.memory_space<vmem>> -> memref<8x128xf32, #tpu.memory_space<vmem>>
      %dma_wait3A_2111 = arith.constant 0 : i32
      %dma_wait3A_2112 = arith.constant 0 : i32
      %dma_wait3A_2113 = tpu.memref_slice %arg2[%dma_wait3A_2111, %dma_wait3A_2112] : memref<100001x128xf32, #tpu.memory_space<hbm>> -> memref<8x128xf32, #tpu.memory_space<hbm>>
      tpu.wait_dma2 semaphore(%arg12 : memref<!tpu.dma_semaphore, #tpu.memory_space<semaphore_mem>>) src(%dma_wait3A_2113 : memref<8x128xf32, #tpu.memory_space<hbm>>) dst(%dma_wait3A_2110 : memref<8x128xf32, #tpu.memory_space<vmem>>)
    }
    %while3A_2002 = arith.constant 0 : i32
    %while3A_2003 = arith.subi %select_n3A_1992, %select_n3A_1966 : i32
    %while3A_2004 = arith.addi %select_n3A_1966, %while3A_2003 : i32
    %while3A_2005 = arith.constant 1 : i32
    %while3A_2006 = arith.divsi %while3A_2003, %while3A_2005 : i32
    %while3A_2007 = arith.muli %while3A_2006, %while3A_2005 : i32
    %while3A_2008 = arith.addi %select_n3A_1966, %while3A_2007 : i32
    %while3A_2009 = arith.constant 1 : i32
    scf.for %while3A_2101 = %select_n3A_1966 to %while3A_2008 step %while3A_2009  : i32 {
      %mul3A_2102 = arith.constant 8 : i32
      %mul3A_2103 = arith.muli %while3A_2101, %mul3A_2102 : i32
      %mul3A_2104 = arith.constant 8 : i32
      %mul3A_2105 = arith.muli %while3A_2101, %mul3A_2104 : i32
      %dma_start3A_2106 = arith.constant 0 : i32
      %dma_start3A_2107 = tpu.memref_slice %arg11[%mul3A_2103, %dma_start3A_2106] : memref<512x128xf32, #tpu.memory_space<vmem>> -> memref<8x128xf32, #tpu.memory_space<vmem>>
      %dma_start3A_2108 = tpu.memref_slice %arg9[%mul3A_2105] : memref<512xi32, #tpu.memory_space<vmem>> -> memref<8xi32, #tpu.memory_space<vmem>>
      %dma_start3A_2109 = arith.constant 0 : i32
      %dma_start3A_2110 = arith.constant 0 : i32
      %dma_start3A_2111 = tpu.memref_slice %arg5[%dma_start3A_2109, %dma_start3A_2110] : memref<16384x128xf32, #tpu.memory_space<hbm>> -> memref<16384x128xf32, #tpu.memory_space<hbm>>
      tpu.enqueue_indirect_dma source(%dma_start3A_2107 : memref<8x128xf32, #tpu.memory_space<vmem>>) target(%dma_start3A_2111 : memref<16384x128xf32, #tpu.memory_space<hbm>>) offsets(%dma_start3A_2108 : memref<8xi32, #tpu.memory_space<vmem>>) semaphore(%arg13 : memref<!tpu.dma_semaphore, #tpu.memory_space<semaphore_mem>>)
    }
    %while3A_2010 = arith.constant 1 : i32
    scf.for %while3A_2101 = %while3A_2008 to %while3A_2004 step %while3A_2010  : i32 {
      %mul3A_2102 = arith.constant 8 : i32
      %mul3A_2103 = arith.muli %while3A_2101, %mul3A_2102 : i32
      %mul3A_2104 = arith.constant 8 : i32
      %mul3A_2105 = arith.muli %while3A_2101, %mul3A_2104 : i32
      %dma_start3A_2106 = arith.constant 0 : i32
      %dma_start3A_2107 = tpu.memref_slice %arg11[%mul3A_2103, %dma_start3A_2106] : memref<512x128xf32, #tpu.memory_space<vmem>> -> memref<8x128xf32, #tpu.memory_space<vmem>>
      %dma_start3A_2108 = tpu.memref_slice %arg9[%mul3A_2105] : memref<512xi32, #tpu.memory_space<vmem>> -> memref<8xi32, #tpu.memory_space<vmem>>
      %dma_start3A_2109 = arith.constant 0 : i32
      %dma_start3A_2110 = arith.constant 0 : i32
      %dma_start3A_2111 = tpu.memref_slice %arg5[%dma_start3A_2109, %dma_start3A_2110] : memref<16384x128xf32, #tpu.memory_space<hbm>> -> memref<16384x128xf32, #tpu.memory_space<hbm>>
      tpu.enqueue_indirect_dma source(%dma_start3A_2107 : memref<8x128xf32, #tpu.memory_space<vmem>>) target(%dma_start3A_2111 : memref<16384x128xf32, #tpu.memory_space<hbm>>) offsets(%dma_start3A_2108 : memref<8xi32, #tpu.memory_space<vmem>>) semaphore(%arg13 : memref<!tpu.dma_semaphore, #tpu.memory_space<semaphore_mem>>)
    }
    %mul3A_2011 = arith.constant 3 : i32
    %mul3A_2012 = arith.muli %mul3A_1781, %mul3A_2011 : i32
    %jit3A_2013 = arith.constant 4 : i32
    %div3A_2014 = arith.divsi %mul3A_2012, %jit3A_2013 : i32
    %sign3A_2015 = arith.constant 0 : i32
    %sign3A_2016 = arith.cmpi sgt, %mul3A_2012, %sign3A_2015 : i32
    %sign3A_2017 = arith.extui %sign3A_2016 : i1 to i32
    %sign3A_2018 = arith.constant 0 : i32
    %sign3A_2019 = arith.cmpi slt, %mul3A_2012, %sign3A_2018 : i32
    %sign3A_2020 = arith.extui %sign3A_2019 : i1 to i32
    %sign3A_2021 = arith.subi %sign3A_2017, %sign3A_2020 : i32
    %sign3A_2022 = arith.constant 0 : i32
    %sign3A_2023 = arith.cmpi sgt, %jit3A_2013, %sign3A_2022 : i32
    %sign3A_2024 = arith.extui %sign3A_2023 : i1 to i32
    %sign3A_2025 = arith.constant 0 : i32
    %sign3A_2026 = arith.cmpi slt, %jit3A_2013, %sign3A_2025 : i32
    %sign3A_2027 = arith.extui %sign3A_2026 : i1 to i32
    %sign3A_2028 = arith.subi %sign3A_2024, %sign3A_2027 : i32
    %ne3A_2029 = arith.cmpi ne, %sign3A_2021, %sign3A_2028 : i32
    %rem3A_2030 = arith.remsi %mul3A_2012, %jit3A_2013 : i32
    %ne3A_2031 = arith.constant 0 : i32
    %ne3A_2032 = arith.cmpi ne, %rem3A_2030, %ne3A_2031 : i32
    %and3A_2033 = arith.andi %ne3A_2029, %ne3A_2032 : i1
    %sub3A_2034 = arith.constant 1 : i32
    %sub3A_2035 = arith.subi %div3A_2014, %sub3A_2034 : i32
    %select_n3A_2036 = arith.select %and3A_2033, %sub3A_2035, %div3A_2014 : i32
    %mul3A_2037 = arith.constant 4 : i32
    %mul3A_2038 = arith.muli %mul3A_1781, %mul3A_2037 : i32
    %jit3A_2039 = arith.constant 4 : i32
    %div3A_2040 = arith.divsi %mul3A_2038, %jit3A_2039 : i32
    %sign3A_2041 = arith.constant 0 : i32
    %sign3A_2042 = arith.cmpi sgt, %mul3A_2038, %sign3A_2041 : i32
    %sign3A_2043 = arith.extui %sign3A_2042 : i1 to i32
    %sign3A_2044 = arith.constant 0 : i32
    %sign3A_2045 = arith.cmpi slt, %mul3A_2038, %sign3A_2044 : i32
    %sign3A_2046 = arith.extui %sign3A_2045 : i1 to i32
    %sign3A_2047 = arith.subi %sign3A_2043, %sign3A_2046 : i32
    %sign3A_2048 = arith.constant 0 : i32
    %sign3A_2049 = arith.cmpi sgt, %jit3A_2039, %sign3A_2048 : i32
    %sign3A_2050 = arith.extui %sign3A_2049 : i1 to i32
    %sign3A_2051 = arith.constant 0 : i32
    %sign3A_2052 = arith.cmpi slt, %jit3A_2039, %sign3A_2051 : i32
    %sign3A_2053 = arith.extui %sign3A_2052 : i1 to i32
    %sign3A_2054 = arith.subi %sign3A_2050, %sign3A_2053 : i32
    %ne3A_2055 = arith.cmpi ne, %sign3A_2047, %sign3A_2054 : i32
    %rem3A_2056 = arith.remsi %mul3A_2038, %jit3A_2039 : i32
    %ne3A_2057 = arith.constant 0 : i32
    %ne3A_2058 = arith.cmpi ne, %rem3A_2056, %ne3A_2057 : i32
    %and3A_2059 = arith.andi %ne3A_2055, %ne3A_2058 : i1
    %sub3A_2060 = arith.constant 1 : i32
    %sub3A_2061 = arith.subi %div3A_2040, %sub3A_2060 : i32
    %select_n3A_2062 = arith.select %and3A_2059, %sub3A_2061, %div3A_2040 : i32
    %while3A_2063 = arith.constant 0 : i32
    %while3A_2064 = arith.subi %select_n3A_2062, %select_n3A_2036 : i32
    %while3A_2065 = arith.addi %select_n3A_2036, %while3A_2064 : i32
    %while3A_2066 = arith.constant 1 : i32
    %while3A_2067 = arith.divsi %while3A_2064, %while3A_2066 : i32
    %while3A_2068 = arith.muli %while3A_2067, %while3A_2066 : i32
    %while3A_2069 = arith.addi %select_n3A_2036, %while3A_2068 : i32
    %while3A_2070 = arith.constant 1 : i32
    scf.for %while3A_2101 = %select_n3A_2036 to %while3A_2069 step %while3A_2070  : i32 {
      %dma_wait3A_2102 = arith.constant 0 : i32
      %dma_wait3A_2103 = arith.constant 0 : i32
      %dma_wait3A_2104 = tpu.memref_slice %arg11[%dma_wait3A_2102, %dma_wait3A_2103] : memref<512x128xf32, #tpu.memory_space<vmem>> -> memref<8x128xf32, #tpu.memory_space<vmem>>
      %dma_wait3A_2105 = arith.constant 0 : i32
      %dma_wait3A_2106 = arith.constant 0 : i32
      %dma_wait3A_2107 = tpu.memref_slice %arg2[%dma_wait3A_2105, %dma_wait3A_2106] : memref<100001x128xf32, #tpu.memory_space<hbm>> -> memref<8x128xf32, #tpu.memory_space<hbm>>
      %dma_wait3A_2108 = arith.constant 0 : i32
      %dma_wait3A_2109 = arith.constant 0 : i32
      %dma_wait3A_2110 = tpu.memref_slice %arg11[%dma_wait3A_2108, %dma_wait3A_2109] : memref<512x128xf32, #tpu.memory_space<vmem>> -> memref<8x128xf32, #tpu.memory_space<vmem>>
      %dma_wait3A_2111 = arith.constant 0 : i32
      %dma_wait3A_2112 = arith.constant 0 : i32
      %dma_wait3A_2113 = tpu.memref_slice %arg2[%dma_wait3A_2111, %dma_wait3A_2112] : memref<100001x128xf32, #tpu.memory_space<hbm>> -> memref<8x128xf32, #tpu.memory_space<hbm>>
      tpu.wait_dma2 semaphore(%arg12 : memref<!tpu.dma_semaphore, #tpu.memory_space<semaphore_mem>>) src(%dma_wait3A_2113 : memref<8x128xf32, #tpu.memory_space<hbm>>) dst(%dma_wait3A_2110 : memref<8x128xf32, #tpu.memory_space<vmem>>)
    }
    %while3A_2071 = arith.constant 1 : i32
    scf.for %while3A_2101 = %while3A_2069 to %while3A_2065 step %while3A_2071  : i32 {
      %dma_wait3A_2102 = arith.constant 0 : i32
      %dma_wait3A_2103 = arith.constant 0 : i32
      %dma_wait3A_2104 = tpu.memref_slice %arg11[%dma_wait3A_2102, %dma_wait3A_2103] : memref<512x128xf32, #tpu.memory_space<vmem>> -> memref<8x128xf32, #tpu.memory_space<vmem>>
      %dma_wait3A_2105 = arith.constant 0 : i32
      %dma_wait3A_2106 = arith.constant 0 : i32
      %dma_wait3A_2107 = tpu.memref_slice %arg2[%dma_wait3A_2105, %dma_wait3A_2106] : memref<100001x128xf32, #tpu.memory_space<hbm>> -> memref<8x128xf32, #tpu.memory_space<hbm>>
      %dma_wait3A_2108 = arith.constant 0 : i32
      %dma_wait3A_2109 = arith.constant 0 : i32
      %dma_wait3A_2110 = tpu.memref_slice %arg11[%dma_wait3A_2108, %dma_wait3A_2109] : memref<512x128xf32, #tpu.memory_space<vmem>> -> memref<8x128xf32, #tpu.memory_space<vmem>>
      %dma_wait3A_2111 = arith.constant 0 : i32
      %dma_wait3A_2112 = arith.constant 0 : i32
      %dma_wait3A_2113 = tpu.memref_slice %arg2[%dma_wait3A_2111, %dma_wait3A_2112] : memref<100001x128xf32, #tpu.memory_space<hbm>> -> memref<8x128xf32, #tpu.memory_space<hbm>>
      tpu.wait_dma2 semaphore(%arg12 : memref<!tpu.dma_semaphore, #tpu.memory_space<semaphore_mem>>) src(%dma_wait3A_2113 : memref<8x128xf32, #tpu.memory_space<hbm>>) dst(%dma_wait3A_2110 : memref<8x128xf32, #tpu.memory_space<vmem>>)
    }
    %while3A_2072 = arith.constant 0 : i32
    %while3A_2073 = arith.subi %select_n3A_2062, %select_n3A_2036 : i32
    %while3A_2074 = arith.addi %select_n3A_2036, %while3A_2073 : i32
    %while3A_2075 = arith.constant 1 : i32
    %while3A_2076 = arith.divsi %while3A_2073, %while3A_2075 : i32
    %while3A_2077 = arith.muli %while3A_2076, %while3A_2075 : i32
    %while3A_2078 = arith.addi %select_n3A_2036, %while3A_2077 : i32
    %while3A_2079 = arith.constant 1 : i32
    scf.for %while3A_2101 = %select_n3A_2036 to %while3A_2078 step %while3A_2079  : i32 {
      %mul3A_2102 = arith.constant 8 : i32
      %mul3A_2103 = arith.muli %while3A_2101, %mul3A_2102 : i32
      %mul3A_2104 = arith.constant 8 : i32
      %mul3A_2105 = arith.muli %while3A_2101, %mul3A_2104 : i32
      %dma_start3A_2106 = arith.constant 0 : i32
      %dma_start3A_2107 = tpu.memref_slice %arg11[%mul3A_2103, %dma_start3A_2106] : memref<512x128xf32, #tpu.memory_space<vmem>> -> memref<8x128xf32, #tpu.memory_space<vmem>>
      %dma_start3A_2108 = tpu.memref_slice %arg9[%mul3A_2105] : memref<512xi32, #tpu.memory_space<vmem>> -> memref<8xi32, #tpu.memory_space<vmem>>
      %dma_start3A_2109 = arith.constant 0 : i32
      %dma_start3A_2110 = arith.constant 0 : i32
      %dma_start3A_2111 = tpu.memref_slice %arg5[%dma_start3A_2109, %dma_start3A_2110] : memref<16384x128xf32, #tpu.memory_space<hbm>> -> memref<16384x128xf32, #tpu.memory_space<hbm>>
      tpu.enqueue_indirect_dma source(%dma_start3A_2107 : memref<8x128xf32, #tpu.memory_space<vmem>>) target(%dma_start3A_2111 : memref<16384x128xf32, #tpu.memory_space<hbm>>) offsets(%dma_start3A_2108 : memref<8xi32, #tpu.memory_space<vmem>>) semaphore(%arg13 : memref<!tpu.dma_semaphore, #tpu.memory_space<semaphore_mem>>)
    }
    %while3A_2080 = arith.constant 1 : i32
    scf.for %while3A_2101 = %while3A_2078 to %while3A_2074 step %while3A_2080  : i32 {
      %mul3A_2102 = arith.constant 8 : i32
      %mul3A_2103 = arith.muli %while3A_2101, %mul3A_2102 : i32
      %mul3A_2104 = arith.constant 8 : i32
      %mul3A_2105 = arith.muli %while3A_2101, %mul3A_2104 : i32
      %dma_start3A_2106 = arith.constant 0 : i32
      %dma_start3A_2107 = tpu.memref_slice %arg11[%mul3A_2103, %dma_start3A_2106] : memref<512x128xf32, #tpu.memory_space<vmem>> -> memref<8x128xf32, #tpu.memory_space<vmem>>
      %dma_start3A_2108 = tpu.memref_slice %arg9[%mul3A_2105] : memref<512xi32, #tpu.memory_space<vmem>> -> memref<8xi32, #tpu.memory_space<vmem>>
      %dma_start3A_2109 = arith.constant 0 : i32
      %dma_start3A_2110 = arith.constant 0 : i32
      %dma_start3A_2111 = tpu.memref_slice %arg5[%dma_start3A_2109, %dma_start3A_2110] : memref<16384x128xf32, #tpu.memory_space<hbm>> -> memref<16384x128xf32, #tpu.memory_space<hbm>>
      tpu.enqueue_indirect_dma source(%dma_start3A_2107 : memref<8x128xf32, #tpu.memory_space<vmem>>) target(%dma_start3A_2111 : memref<16384x128xf32, #tpu.memory_space<hbm>>) offsets(%dma_start3A_2108 : memref<8xi32, #tpu.memory_space<vmem>>) semaphore(%arg13 : memref<!tpu.dma_semaphore, #tpu.memory_space<semaphore_mem>>)
    }
    %while3A_2081 = arith.constant 0 : i32
    %while3A_2082 = arith.constant 0 : i32
    %while3A_2083 = arith.subi %mul3A_1781, %while3A_2082 : i32
    %while3A_2084 = arith.addi %while3A_2082, %while3A_2083 : i32
    %while3A_2085 = arith.constant 1 : i32
    %while3A_2086 = arith.divsi %while3A_2083, %while3A_2085 : i32
    %while3A_2087 = arith.muli %while3A_2086, %while3A_2085 : i32
    %while3A_2088 = arith.addi %while3A_2082, %while3A_2087 : i32
    %while3A_2089 = arith.constant 1 : i32
    scf.for %while3A_2101 = %while3A_2082 to %while3A_2088 step %while3A_2089  : i32 {
      %dma_wait3A_2102 = arith.constant 0 : i32
      %dma_wait3A_2103 = arith.constant 0 : i32
      %dma_wait3A_2104 = tpu.memref_slice %arg11[%dma_wait3A_2102, %dma_wait3A_2103] : memref<512x128xf32, #tpu.memory_space<vmem>> -> memref<8x128xf32, #tpu.memory_space<vmem>>
      %dma_wait3A_2105 = arith.constant 0 : i32
      %dma_wait3A_2106 = tpu.memref_slice %arg9[%dma_wait3A_2105] : memref<512xi32, #tpu.memory_space<vmem>> -> memref<8xi32, #tpu.memory_space<vmem>>
      %dma_wait3A_2107 = arith.constant 0 : i32
      %dma_wait3A_2108 = arith.constant 0 : i32
      %dma_wait3A_2109 = tpu.memref_slice %arg5[%dma_wait3A_2107, %dma_wait3A_2108] : memref<16384x128xf32, #tpu.memory_space<hbm>> -> memref<16384x128xf32, #tpu.memory_space<hbm>>
      tpu.wait_indirect_dma semaphore(%arg13 : memref<!tpu.dma_semaphore, #tpu.memory_space<semaphore_mem>>) src(%dma_wait3A_2104 : memref<8x128xf32, #tpu.memory_space<vmem>>) dst(%dma_wait3A_2109 : memref<16384x128xf32, #tpu.memory_space<hbm>>)
    }
    %while3A_2090 = arith.constant 1 : i32
    scf.for %while3A_2101 = %while3A_2088 to %while3A_2084 step %while3A_2090  : i32 {
      %dma_wait3A_2102 = arith.constant 0 : i32
      %dma_wait3A_2103 = arith.constant 0 : i32
      %dma_wait3A_2104 = tpu.memref_slice %arg11[%dma_wait3A_2102, %dma_wait3A_2103] : memref<512x128xf32, #tpu.memory_space<vmem>> -> memref<8x128xf32, #tpu.memory_space<vmem>>
      %dma_wait3A_2105 = arith.constant 0 : i32
      %dma_wait3A_2106 = tpu.memref_slice %arg9[%dma_wait3A_2105] : memref<512xi32, #tpu.memory_space<vmem>> -> memref<8xi32, #tpu.memory_space<vmem>>
      %dma_wait3A_2107 = arith.constant 0 : i32
      %dma_wait3A_2108 = arith.constant 0 : i32
      %dma_wait3A_2109 = tpu.memref_slice %arg5[%dma_wait3A_2107, %dma_wait3A_2108] : memref<16384x128xf32, #tpu.memory_space<hbm>> -> memref<16384x128xf32, #tpu.memory_space<hbm>>
      tpu.wait_indirect_dma semaphore(%arg13 : memref<!tpu.dma_semaphore, #tpu.memory_space<semaphore_mem>>) src(%dma_wait3A_2104 : memref<8x128xf32, #tpu.memory_space<vmem>>) dst(%dma_wait3A_2109 : memref<16384x128xf32, #tpu.memory_space<hbm>>)
    }
    %while3A_2091 = arith.constant 0 : i32
    %while3A_2092 = arith.constant 32 : i32
    %while3A_2093 = arith.subi %while3A_2092, %select_n3A : i32
    %while3A_2094 = arith.addi %select_n3A, %while3A_2093 : i32
    %while3A_2095 = arith.constant 1 : i32
    %while3A_2096 = arith.divsi %while3A_2093, %while3A_2095 : i32
    %while3A_2097 = arith.muli %while3A_2096, %while3A_2095 : i32
    %while3A_2098 = arith.addi %select_n3A, %while3A_2097 : i32
    %while3A_2099 = arith.constant 1 : i32
    scf.for %while3A_2101 = %select_n3A to %while3A_2098 step %while3A_2099  : i32 {
      %dma_wait3A_2102 = arith.constant 0 : i32
      %dma_wait3A_2103 = tpu.memref_slice %arg9[%dma_wait3A_2102] : memref<512xi32, #tpu.memory_space<vmem>> -> memref<16xi32, #tpu.memory_space<vmem>>
      %dma_wait3A_2104 = arith.constant 0 : i32
      %dma_wait3A_2105 = arith.constant 0 : i32
      %dma_wait3A_2106 = tpu.memref_slice %arg5[%dma_wait3A_2104, %dma_wait3A_2105] : memref<16384x128xf32, #tpu.memory_space<hbm>> -> memref<16384x128xf32, #tpu.memory_space<hbm>>
      tpu.wait_indirect_dma semaphore(%arg13 : memref<!tpu.dma_semaphore, #tpu.memory_space<semaphore_mem>>) src(%arg10 : memref<16x128xf32, #tpu.memory_space<vmem>>) dst(%dma_wait3A_2106 : memref<16384x128xf32, #tpu.memory_space<hbm>>)
    }
    %while3A_2100 = arith.constant 1 : i32
    scf.for %while3A_2101 = %while3A_2098 to %while3A_2094 step %while3A_2100  : i32 {
      %dma_wait3A_2102 = arith.constant 0 : i32
      %dma_wait3A_2103 = tpu.memref_slice %arg9[%dma_wait3A_2102] : memref<512xi32, #tpu.memory_space<vmem>> -> memref<16xi32, #tpu.memory_space<vmem>>
      %dma_wait3A_2104 = arith.constant 0 : i32
      %dma_wait3A_2105 = arith.constant 0 : i32
      %dma_wait3A_2106 = tpu.memref_slice %arg5[%dma_wait3A_2104, %dma_wait3A_2105] : memref<16384x128xf32, #tpu.memory_space<hbm>> -> memref<16384x128xf32, #tpu.memory_space<hbm>>
      tpu.wait_indirect_dma semaphore(%arg13 : memref<!tpu.dma_semaphore, #tpu.memory_space<semaphore_mem>>) src(%arg10 : memref<16x128xf32, #tpu.memory_space<vmem>>) dst(%dma_wait3A_2106 : memref<16384x128xf32, #tpu.memory_space<hbm>>)
    }
    return
  }
}

</mosaic_0001>

<sc_bundles>
// kernel: kernel.3.cloned.1.call-start
scs
__scs_entry_jumppad:
0x0: {  	(pc) =	sbr.rel $0x88, $3  }
0x1: {  	(tag) =	ssettag $0x0;
	lr =	simm.s32 $0x1  }
0x2: {  	[smem:$0x3F9E] =	sst lr;
	_ =	strace $0xD0000000  }
0x3: {  	_ = 	snop  }
0x4: {  	_ = 	snop  }
0x5: {  	_ = 	snop  }
0x6: {  	_ = 	snop  }
0x7: {  	_ = 	snop  }
__scs_overlays_trampoline_lowered:
0x8: {  	[smem:$0x3FAD] =	sst s0  }
0x9: {  	[smem:$0x3FAE] =	sst s1  }
0xa: {  	[smem:$0x3FAF] =	sst s2  }
0xb: {  	[smem:$0x3FB0] =	sst s3  }
0xc: {  	[smem:$0x3FB1] =	sst s4  }
0xd: {  	[smem:$0x3FB2] =	sst s5  }
0xe: {  	[smem:$0x3FB3] =	sst s6  }
0xf: {  	[smem:$0x3FB4] =	sst s7  }
0x10: {  	[smem:$0x3FB5] =	sst s8  }
0x11: {  	[smem:$0x3FB6] =	sst s9;
	s0 =	simm.s32 @!p0 $0x0  }
0x12: {  	s1 =	sld [smem:$0x3F9C];
	s0 =	simm.s32 @p0 $0x1  }
0x13: {  	[smem:$0x3FB7] =	sst s0;
	s0 =	simm.s32 @!p1 $0x0  }
0x14: {  	s2 =	sld [smem:$0x3F9B];
	s0 =	simm.s32 @p1 $0x1  }
0x15: {  	[smem:$0x3FB8] =	sst s0;
	s0 =	simm.s32 @!p2 $0x0  }
0x16: {  	s3 =	sld [smem:$0x3FDB];
	s0 =	simm.s32 @p2 $0x1  }
0x17: {  	s4 =	simm.s32 $0x1BF5;
	[smem:$0x3FBA] =	sst s0  }
0x18: {  	s0 =	sld [smem:$0x3F9D];
	_ =	swait.ge [sflag:s4], $0x0  }
0x19: {  	s7 =	sld [smem:$0x3F9E]  }
0x1a: {  	s8 =	sadd.s32 $0xFFFFE003, lr  }
0x1b: {  	s9 =	sadd.s32 $0xFFFFFEF7, lr;
	s5 =	simm.s32 $0xFFFFFFFF;
	p2 =	slt.u32 s8, $0xFFFFF086  }
0x1c: {  	p1 =	slt.u32 s9, $0xF7A;
	s5 =	simm.s32 @!p2 $0x0  }
0x1d: {  	s5 =	simm.s32 @p1 $0x1;
	p0 =	seq.s32 s7, s2  }
0x1e: {  	s7 =	smul.u32 @!p0 $0xF7A, s2;
	p2 =	seq.s32 @!p0 s5, $0x0  }
0x1f: {  	s9 =	smul.u32 $0xF7A, s1;
	s8 =	simm.s32 @!p0 $0x1BF5;
	p2 =	por !p2, p0  }
0x20: {  	[sflag:s8] =	ssyncset.s32 @!p0 $0xFFFFF086;
	s6 =	sadd.s32 @!p0 s3, s7;
	s7 =	simm.s32 @!p0 $0x108  }
0x21: {  	s3 =	sadd.s32 s3, s9;
	s6 =	sadd.s32 @!p0 $0x88, s6;
	s7 =	simm.s32 @p2 $0x1082  }
0x22: {  	[simem:s7], [sflag:s8] =	dma.local @!p0 [hbm:s6], $0xF7A  }
0x23: {  	s9 =	sor.u32 $0xD0000000, s2;
	s6 =	simm.s32 $0x108;
	_ =	swait.ge @!p0 [sflag:s8], $0x0  }
0x24: {  	s3 =	sadd.s32 $0x88, s3;
	s6 =	simm.s32 @!p1 $0x1082;
	[sflag:s4] =	ssyncset.s32 $0xFFFFF086  }
0x25: {  	[simem:s6], [sflag:s4] =	dma.local [hbm:s3], $0xF7A  }
0x26: {  	[smem:$0x3F9E] =	sst s1;
	(tag) =	ssettag s2;
	_ =	strace s9  }
0x27: {  	s1 =	sld [smem:$0x3FAE]  }
0x28: {  	s2 =	sld [smem:$0x3FAF]  }
0x29: {  	s4 =	sld [smem:$0x3FB1]  }
0x2a: {  	p0 =	seq.s32 s5, $0x0;
	s5 =	sld [smem:$0x3FB2]  }
0x2b: {  	s6 =	sld [smem:$0x3FB3]  }
0x2c: {  	s7 =	sld [smem:$0x3FB4]  }
0x2d: {  	s3 =	simm.s32 $0x108;
	s8 =	sld [smem:$0x3FB5]  }
0x2e: {  	s3 =	simm.s32 @!p0 $0x1082;
	s9 =	sld [smem:$0x3FB6]  }
0x2f: {  	lr =	sadd.s32 s0, s3;
	s0 =	sld [smem:$0x3FAD]  }
0x30: {  	s3 =	sld [smem:$0x3FB0]  }
0x31: {  	[smem:$0x3FB9] =	sst s10  }
0x32: {  	s10 =	sld [smem:$0x3FB7];
	_ =	sdelay $0x3  }
0x33: {  	p0 =	seq.s32 s10, $0x1;
	s10 =	sld [smem:$0x3FB9];
	_ =	sdelay $0x3  }
0x34: {  	[smem:$0x3FB9] =	sst s10  }
0x35: {  	s10 =	sld [smem:$0x3FB8];
	_ =	sdelay $0x3  }
0x36: {  	p1 =	seq.s32 s10, $0x1;
	s10 =	sld [smem:$0x3FB9];
	_ =	sdelay $0x3  }
0x37: {  	[smem:$0x3FB9] =	sst s10  }
0x38: {  	s10 =	sld [smem:$0x3FBA]  }
0x39: {  	_ = 	snop;
	(pc) =	sbr.ind lr, $3  }
0x3a: {  	_ = 	snop  }
0x3b: {  	_ = 	snop  }
0x3c: {  	p2 =	seq.s32 s10, $0x1;
	s10 =	sld [smem:$0x3FB9]  }
0x3d: {  	_ =	shalt  }
0x3e: {  	_ =	shalt  }
0x3f: {  	_ =	shalt  }
0x40: {  	_ =	shalt  }
0x41: {  	_ =	shalt  }
0x42: {  	_ =	shalt  }
0x43: {  	_ =	shalt  }
0x44: {  	_ =	shalt  }
0x45: {  	_ =	shalt  }
0x46: {  	_ =	shalt  }
0x47: {  	_ =	shalt  }
0x48: {  	_ =	shalt  }
0x49: {  	_ =	shalt  }
0x4a: {  	_ =	shalt  }
0x4b: {  	_ =	shalt  }
0x4c: {  	_ =	shalt  }
0x4d: {  	_ =	shalt  }
0x4e: {  	_ =	shalt  }
0x4f: {  	_ =	shalt  }
0x50: {  	_ =	shalt  }
0x51: {  	_ =	shalt  }
0x52: {  	_ =	shalt  }
0x53: {  	_ =	shalt  }
0x54: {  	_ =	shalt  }
0x55: {  	_ =	shalt  }
0x56: {  	_ =	shalt  }
0x57: {  	_ =	shalt  }
0x58: {  	_ =	shalt  }
0x59: {  	_ =	shalt  }
0x5a: {  	_ =	shalt  }
0x5b: {  	_ =	shalt  }
0x5c: {  	_ =	shalt  }
0x5d: {  	_ =	shalt  }
0x5e: {  	_ =	shalt  }
0x5f: {  	_ =	shalt  }
0x60: {  	_ =	shalt  }
0x61: {  	_ =	shalt  }
0x62: {  	_ =	shalt  }
0x63: {  	_ =	shalt  }
0x64: {  	_ =	shalt  }
0x65: {  	_ =	shalt  }
0x66: {  	_ =	shalt  }
0x67: {  	_ =	shalt  }
0x68: {  	_ =	shalt  }
0x69: {  	_ =	shalt  }
0x6a: {  	_ =	shalt  }
0x6b: {  	_ =	shalt  }
0x6c: {  	_ =	shalt  }
0x6d: {  	_ =	shalt  }
0x6e: {  	_ =	shalt  }
0x6f: {  	_ =	shalt  }
0x70: {  	_ =	shalt  }
0x71: {  	_ =	shalt  }
0x72: {  	_ =	shalt  }
0x73: {  	_ =	shalt  }
0x74: {  	_ =	shalt  }
0x75: {  	_ =	shalt  }
0x76: {  	_ =	shalt  }
0x77: {  	_ =	shalt  }
0x78: {  	_ =	shalt  }
0x79: {  	_ =	shalt  }
0x7a: {  	_ =	shalt  }
0x7b: {  	_ =	shalt  }
0x7c: {  	_ =	shalt  }
0x7d: {  	_ =	shalt  }
0x7e: {  	_ =	shalt  }
0x7f: {  	_ =	shalt  }
0x80: {  	_ =	shalt  }
0x81: {  	_ =	shalt  }
0x82: {  	_ =	shalt  }
0x83: {  	_ =	shalt  }
0x84: {  	_ =	shalt  }
0x85: {  	_ =	shalt  }
0x86: {  	_ =	shalt  }
0x87: {  	_ =	shalt  }
.Lfunc_end0:
.L_simem_size_0:
called_computation_lowered:
.L_overlay_start_0:
0x88: {  	s2 =	sld [smem:$0x3FD9]  }
0x89: {  	s3 =	sld [smem:$0x3FFE];
	_ =	sdelay $0x1  }
0x8a: {  	s1 =	srdreg.scid  }
0x8b: {  	s0 =	sand.u32 $0x1, s1  }
0x8c: {  	s18 =	sshll.u32 s0, $0xA;
	s2 =	sadd.s32 s3, s2  }
0x8d: {  	s2 =	sadd.s32 s2, s18  }
0x8e: {  	[smem:$0x3FC5] =	sst s2  }
0x8f: {  	_ = 	snop  }
0x90: {  	s2 =	sld [smem:$0x3FC9]  }
0x91: {  	s19 =	sld [smem:$0x3FC8]  }
0x92: {  	s4 =	sld [smem:$0x3FC7]  }
0x93: {  	s5 =	sld [smem:$0x3FD0];
	(tm) =	ssettm $0x1  }
0x94: {  	s6 =	sld [smem:$0x3FFB];
	_ =	sdelay $0x3  }
0x95: {  	_ =	strace s6  }
0x96: {  	s6 =	sld [smem:$0x3FFC];
	_ =	sdelay $0x3  }
0x97: {  	_ =	strace s6  }
0x98: {  	s6 =	sld [smem:$0x3FFD];
	_ =	sdelay $0x3  }
0x99: {  	_ =	strace s6  }
0x9a: {  	_ =	strace $0x8FFFFFFF  }
0x9b: {  	s20 =	sld [smem:$0x3FDB];
	_ =	sdelay $0x1  }
0x9c: {  	s7 =	simm.s32 $_scs_section_size  }
0x9d: {  	s8 =	simm.s32 $_size__tile_overlayer_lowered;
	s9 =	simm.s32 $_tile_overlayer_lowered  }
0x9e: {  	s23 =	simm.s32 $0x1BFF;
	s22 =	sshll.u32 s9, $0x1;
	s6 =	sadd.s32 s7, s20  }
0x9f: {  	s10 =	simm.s32 $0x0;
	s21 =	sshll.u32 s8, $0x1;
	s8 =	sadd.s32 s22, s6  }
0xa0: {  	[timem:s10], [sflag:s23] =	dma.local [hbm:s8], s21  }
0xa1: {  	_ =	swait.ge [sflag:s23], s21  }
0xa2: {  	s7 =	ssub.s32 $0x0, s21;
	[sflag:s23] =	ssyncset.done $0x0  }
0xa3: {  	[sflag:s23] =	ssyncadd.s32 s7;
	_ =	sdelay $0x1  }
0xa4: {  	s24 =	simm.s32 $0x1B8B  }
0xa5: {  	_ =	swait.ge [sflag:s24], $0x1  }
0xa6: {  	[sflag:s24] =	ssyncset.done $0x0  }
0xa7: {  	s25 =	simm.s32 $0x1B8E;
	[sflag:s24] =	ssyncadd.s32 $0xFFFFFFFF  }
0xa8: {  	s26 =	simm.s32 $execute0_lowered;
	[smem:$0x3FD2] =	sst s25  }
0xa9: {  	s7 =	sshll.u32 s26, $0x1;
	_ =	strace $0x80000046;
	[dreg:$0x1] =	wrdreg $0xFFFFFFFF  }
0xaa: {  	s28 =	simm.s32 $_size_execute0_lowered;
	s6 =	sadd.s32 s6, s7;
	[dreg:$0x0] =	wrdreg $0x0  }
0xab: {  	s7 =	sshll.u32 s28, $0x1;
	[dreg:$0x2] =	wrdreg s6  }
0xac: {  	[dreg:$0x3] =	wrdreg s7  }
0xad: {  	[dreg:$0x4] =	wrdreg $0xC0  }
0xae: {  	_ =	task [dreg:s10], $0x5FFFF  }
0xaf: {  	[dreg:$0x1] =	wrdreg $0xFFFFFFFF  }
0xb0: {  	[dreg:$0x0] =	wrdreg $0x60  }
0xb1: {  	[dreg:$0x2] =	wrdreg s4  }
0xb2: {  	[dreg:$0x3] =	wrdreg s2  }
0xb3: {  	[dreg:$0x4] =	wrdreg s19  }
0xb4: {  	[dreg:$0x5] =	wrdreg s5  }
0xb5: {  	[dreg:$0x6] =	wrdreg $0x9  }
0xb6: {  	_ =	task.clear_ibuf [dreg:s10], $0x7FFFF;
	_ =	strace $0x90000046  }
0xb7: {  	s29 =	simm.s32 $0x9;
	_ =	strace $0x80000048  }
0xb8: {  	_ =	swait.ge [sflag:s29], $0x1  }
0xb9: {  	[sflag:s29] =	ssyncadd.s32 $0xFFFFFFFF  }
0xba: {  	_ =	strace $0x90000048  }
0xbb: {  	_ =	sfence  }
0xbc: {  	s30 =	sld [smem:$0x0];
	_ =	sdelay $0x2  }
0xbd: {  	s31 =	sshll.u32 s1, $0xD;
	s1 =	sshrl.u32 s1, $0x2  }
0xbe: {  	s3 =	sand.u32 $0x4000, s31;
	s1 =	sadd.s32 s1, s30  }
0xbf: {  	s0 =	sor.u32 s3, s0;
	s1 =	sshll.u32 s1, $0x11  }
0xc0: {  	s0 =	sor.u32 s1, s0  }
0xc1: {  	s0 =	sadd.s32 $0x8F2B, s0  }
0xc2: {  	[sflag:s0] =	ssyncadd.remote.s32 $0x1  }
0xc3: {  	_ =	sfence.sel $0xFFFF  }
0xc4: {  	[dreg:$0x0] =	wrdreg $0xFFFFFFFF;
	(pc) =	sbr.abs _section_cstart, $3  }
0xc5: {  	[dreg:$0x1] =	wrdreg $0xFFFFFFFF  }
0xc6: {  	_ =	task.clear_ibuf [dreg:s10], $0x2FFFF;
	_ =	strace $0x9FFFFFFF  }
0xc7: {  	(tm) =	ssettm $0x7FFFFFFF  }
tec
execute0_lowered:
.L_overlay_start_1:
0x0: {  	(tag) =	ssettag $0x1  }
0x1: {  	s0 =	rddreg [dreg:$0x0]  }
0x2: {  	s5 =	rddreg [dreg:$0x1]  }
0x3: {  	s6 =	rddreg [dreg:$0x2]  }
0x4: {  	s1 =	srdreg.scid;
	s3 =	rddreg [dreg:$0x3]  }
0x5: {  	s2 =	stileid.u32;
	s4 =	simm.s32 $0x0;
	s7 =	sand.u32 $0x1, s1  }
0x6: {  	s1 =	rddreg [dreg:$0x4];
	s8 =	sshll.u32 s2, $0xA;
	s9 =	sshll.u32 s7, $0x9  }
0x7: {  	[smem:$0x7FF] =	sst s4;
	s7 =	ssub.s32 $0x2, s7;
	s8 =	sor.u32 s9, s8  }
0x8: {  	_ =	strace $0x80000047;
	s20 =	sshrl.u32 s7, $0x1;
	s10 =	sshrl.u32 s8, $0x3  }
0x9: {  	s9 =	ssub.s32 s7, s20;
	s7 =	sadd.s32 $0x186A00, s0;
	s21 =	sor.u32 $0x10, s8  }
0xa: {  	s11 =	sor.u32 $0x20, s8;
	s12 =	sor.u32 $0x30, s8;
	s13 =	sor.u32 $0x40, s8  }
0xb: {  	s14 =	sor.u32 $0x50, s8;
	s15 =	sor.u32 $0x60, s8;
	s16 =	sor.u32 $0x70, s8  }
0xc: {  	v31 =	vlaneseq.u32;
	v32 =	vimm.s32 $0x186A0;
	s22 =	sor.u32 $0x80, s8;
	s23 =	sor.u32 $0x90, s8;
	s24 =	sor.u32 $0xA0, s8  }
0xd: {  	v33 =	vimm.s32 $0x1;
	v0 =	vor.u32 s8, v31;
	s25 =	sor.u32 $0xB0, s8;
	s26 =	sor.u32 $0xC0, s8;
	s28 =	sor.u32 $0xD0, s8;
	v1 =	vor.u32 s21, v31  }
0xe: {  	s29 =	sor.u32 $0xE0, s8;
	s30 =	sor.u32 $0xF0, s8;
	s31 =	sor.u32 $0x100, s8;
	v2 =	vor.u32 s11, v31;
	v3 =	vor.u32 s12, v31;
	v4 =	vor.u32 s13, v31  }
0xf: {  	s17 =	sor.u32 $0x120, s8;
	s18 =	sor.u32 $0x130, s8;
	s19 =	sor.u32 $0x140, s8;
	v5 =	vor.u32 s14, v31;
	v6 =	vor.u32 s15, v31;
	v7 =	vor.u32 s16, v31  }
0x10: {  	s20 =	sor.u32 $0x150, s8;
	s5 =	sadd.s32 s5, s10;
	s6 =	sadd.s32 s6, s10;
	v8 =	vor.u32 s22, v31;
	v9 =	vor.u32 s23, v31;
	v10 =	vor.u32 s24, v31  }
0x11: {  	v11 =	vor.u32 s25, v31;
	v12 =	vor.u32 s26, v31;
	s14 =	sor.u32 $0x110, s8;
	v13 =	vor.u32 s28, v31;
	s21 =	sor.u32 $0x160, s8;
	s22 =	sor.u32 $0x170, s8  }
0x12: {  	v14 =	vor.u32 s29, v31;
	v15 =	vor.u32 s30, v31;
	v16 =	vor.u32 s31, v31;
	s23 =	sor.u32 $0x180, s8;
	s24 =	sor.u32 $0x190, s8;
	s25 =	sor.u32 $0x1A0, s8  }
.Ltmp0:
0x13: {  	v18 =	vor.u32 s17, v31;
	v19 =	vor.u32 s18, v31;
	v20 =	vor.u32 s19, v31;
	s26 =	sor.u32 $0x1B0, s8;
	s28 =	sor.u32 $0x1C0, s8;
	(pc) =	sbr.rel .LBB2_1-.Ltmp0, $4  }
0x14: {  	v21 =	vor.u32 s20, v31;
	s29 =	sor.u32 $0x1D0, s8;
	s30 =	sor.u32 $0x1E0, s8;
	s31 =	sor.u32 $0x1F0, s8;
	v17 =	vor.u32 s14, v31;
	v22 =	vor.u32 s21, v31  }
0x15: {  	s8 =	smax.u32 s9, $0x1;
	s9 =	simm.s32 $0x200;
	s10 =	simm.s32 $0x800;
	v23 =	vor.u32 s22, v31;
	v24 =	vor.u32 s23, v31;
	v25 =	vor.u32 s24, v31  }
0x16: {  	s11 =	simm.s32 $0x1;
	s12 =	simm.s32 $0x600;
	s13 =	simm.s32 $0x8;
	v26 =	vor.u32 s25, v31;
	v27 =	vor.u32 s26, v31;
	v28 =	vor.u32 s28, v31  }
0x17: {  	s15 =	simm.s32 $0x2;
	s16 =	simm.s32 $0x0;
	v29 =	vor.u32 s29, v31;
	v30 =	vor.u32 s30, v31;
	v31 =	vor.u32 s31, v31;
	s14 =	simm.s32 $0x10  }
.LBB2_31:
0x18: {  	[sflag:s15] =	ssyncadd.s32 $0xFFFFF800  }
.LBB2_32:
0x19: {  	s16 =	sadd.s32 $0x1, s16  }
0x1a: {  	p0 =	sne.s32 s16, s8  }
.Ltmp1:
0x1b: {  	_ = 	snop;
	(pc) =	sbr.rel @!p0 .LBB2_33-.Ltmp1, $1  }
0x1c: {  	_ =	sdelay $0x3  }
.LBB2_1:
0x1d: {  	[tilespmem:s4], [sflag:$0x1] =	stream.linear.gather [hbm4b:s5+s4], $0x200, $0x38;
	[tilespmem:$0x11000] =	vst v63  }
0x1e: {  	_ = 	snop  }
0x1f: {  	[tilespmem:s9], [sflag:$0x1] =	stream.linear.gather [hbm4b:s6+s4], $0x200, $0x38;
	[tilespmem:$0x11000] =	vst v63  }
0x20: {  	_ = 	snop  }
0x21: {  	[tilespmem:s10], [sflag:$0x1] =	stream.linear.gather [hbm4b:s7+s4], $0x80, $0x38;
	[tilespmem:$0x11000] =	vst v63  }
0x22: {  	_ =	swait.ge [sflag:s11], $0x200  }
0x23: {  	[sflag:s11] =	ssyncset.done $0x0  }
0x24: {  	[sflag:s11] =	ssyncadd.s32 $0xFFFFFE00  }
0x25: {  	_ =	swait.ge [sflag:s11], $0x200  }
0x26: {  	[sflag:s11] =	ssyncset.done $0x0  }
0x27: {  	[sflag:s11] =	ssyncadd.s32 $0xFFFFFE00  }
0x28: {  	_ =	swait.ge [sflag:s11], $0x80  }
0x29: {  	[sflag:s11] =	ssyncset.done $0x0  }
0x2a: {  	[sflag:s11] =	ssyncadd.s32 $0xFFFFFF80  }
0x2b: {  	v34 =	vld [tilespmem:$0x800];
	_ =	sdelay $0x4  }
0x2c: {  	[tilespmem:$0x880] =	vst v34  }
0x2d: {  	[tilespmem:$0x900] =	vst v34  }
0x2e: {  	[tilespmem:$0x980] =	vst v34  }
0x2f: {  	[tilespmem:$0xA00] =	vst v34  }
0x30: {  	[tilespmem:$0xA80] =	vst v34  }
0x31: {  	[tilespmem:$0xB00] =	vst v34  }
0x32: {  	[tilespmem:$0xB80] =	vst v34  }
0x33: {  	[tilespmem:$0xC00] =	vst v34  }
0x34: {  	[tilespmem:$0xC80] =	vst v34  }
0x35: {  	[tilespmem:$0xD00] =	vst v34  }
0x36: {  	v35 =	vld [tilespmem:$0x810];
	[tilespmem:$0xD80] =	vst v34  }
0x37: {  	[tilespmem:$0xE00] =	vst v34  }
0x38: {  	[tilespmem:$0xE80] =	vst v34  }
0x39: {  	[tilespmem:$0xF00] =	vst v34  }
0x3a: {  	[tilespmem:$0xF80] =	vst v34  }
0x3b: {  	[tilespmem:$0x890] =	vst v35  }
0x3c: {  	[tilespmem:$0x910] =	vst v35  }
0x3d: {  	[tilespmem:$0x990] =	vst v35  }
0x3e: {  	[tilespmem:$0xA10] =	vst v35  }
0x3f: {  	[tilespmem:$0xA90] =	vst v35  }
0x40: {  	[tilespmem:$0xB10] =	vst v35  }
0x41: {  	[tilespmem:$0xB90] =	vst v35  }
0x42: {  	[tilespmem:$0xC10] =	vst v35  }
0x43: {  	[tilespmem:$0xC90] =	vst v35  }
0x44: {  	[tilespmem:$0xD10] =	vst v35  }
0x45: {  	v60 =	vld [tilespmem:$0x820];
	[tilespmem:$0xD90] =	vst v35  }
0x46: {  	[tilespmem:$0xE10] =	vst v35  }
0x47: {  	[tilespmem:$0xE90] =	vst v35  }
0x48: {  	[tilespmem:$0xF10] =	vst v35  }
0x49: {  	[tilespmem:$0xF90] =	vst v35  }
0x4a: {  	[tilespmem:$0x8A0] =	vst v60  }
0x4b: {  	[tilespmem:$0x920] =	vst v60  }
0x4c: {  	[tilespmem:$0x9A0] =	vst v60  }
0x4d: {  	[tilespmem:$0xA20] =	vst v60  }
0x4e: {  	[tilespmem:$0xAA0] =	vst v60  }
0x4f: {  	[tilespmem:$0xB20] =	vst v60  }
0x50: {  	[tilespmem:$0xBA0] =	vst v60  }
0x51: {  	[tilespmem:$0xC20] =	vst v60  }
0x52: {  	[tilespmem:$0xCA0] =	vst v60  }
0x53: {  	[tilespmem:$0xD20] =	vst v60  }
0x54: {  	v61 =	vld [tilespmem:$0x830];
	[tilespmem:$0xDA0] =	vst v60  }
0x55: {  	[tilespmem:$0xE20] =	vst v60  }
0x56: {  	[tilespmem:$0xEA0] =	vst v60  }
0x57: {  	[tilespmem:$0xF20] =	vst v60  }
0x58: {  	[tilespmem:$0xFA0] =	vst v60  }
0x59: {  	[tilespmem:$0x8B0] =	vst v61  }
0x5a: {  	[tilespmem:$0x930] =	vst v61  }
0x5b: {  	[tilespmem:$0x9B0] =	vst v61  }
0x5c: {  	[tilespmem:$0xA30] =	vst v61  }
0x5d: {  	[tilespmem:$0xAB0] =	vst v61  }
0x5e: {  	[tilespmem:$0xB30] =	vst v61  }
0x5f: {  	[tilespmem:$0xBB0] =	vst v61  }
0x60: {  	[tilespmem:$0xC30] =	vst v61  }
0x61: {  	[tilespmem:$0xCB0] =	vst v61  }
0x62: {  	[tilespmem:$0xD30] =	vst v61  }
0x63: {  	v62 =	vld [tilespmem:$0x840];
	[tilespmem:$0xDB0] =	vst v61  }
0x64: {  	[tilespmem:$0xE30] =	vst v61  }
0x65: {  	[tilespmem:$0xEB0] =	vst v61  }
0x66: {  	[tilespmem:$0xF30] =	vst v61  }
0x67: {  	[tilespmem:$0xFB0] =	vst v61  }
0x68: {  	[tilespmem:$0x8C0] =	vst v62  }
0x69: {  	[tilespmem:$0x940] =	vst v62  }
0x6a: {  	[tilespmem:$0x9C0] =	vst v62  }
0x6b: {  	[tilespmem:$0xA40] =	vst v62  }
0x6c: {  	[tilespmem:$0xAC0] =	vst v62  }
0x6d: {  	[tilespmem:$0xB40] =	vst v62  }
0x6e: {  	[tilespmem:$0xBC0] =	vst v62  }
0x6f: {  	[tilespmem:$0xC40] =	vst v62  }
0x70: {  	[tilespmem:$0xCC0] =	vst v62  }
0x71: {  	[tilespmem:$0xD40] =	vst v62  }
0x72: {  	[tilespmem:$0xDC0] =	vst v62  }
0x73: {  	[tilespmem:$0xE40] =	vst v62  }
0x74: {  	[tilespmem:$0xEC0] =	vst v62  }
0x75: {  	[tilespmem:$0xF40] =	vst v62  }
0x76: {  	[tilespmem:$0xFC0] =	vst v62  }
0x77: {  	[tilespmem:$0x400] =	vst v32  }
0x78: {  	[tilespmem:$0x410] =	vst v32  }
0x79: {  	[tilespmem:$0x420] =	vst v32  }
0x7a: {  	[tilespmem:$0x430] =	vst v32  }
0x7b: {  	[tilespmem:$0x440] =	vst v32  }
0x7c: {  	[tilespmem:$0x450] =	vst v32  }
0x7d: {  	[tilespmem:$0x460] =	vst v32  }
0x7e: {  	[tilespmem:$0x470] =	vst v32  }
0x7f: {  	[tilespmem:$0x480] =	vst v32  }
0x80: {  	[tilespmem:$0x490] =	vst v32  }
0x81: {  	[tilespmem:$0x4A0] =	vst v32  }
0x82: {  	[tilespmem:$0x4B0] =	vst v32  }
0x83: {  	[tilespmem:$0x4C0] =	vst v32  }
0x84: {  	[tilespmem:$0x4D0] =	vst v32  }
0x85: {  	[tilespmem:$0x4E0] =	vst v32  }
0x86: {  	[tilespmem:$0x4F0] =	vst v32  }
0x87: {  	[tilespmem:$0x500] =	vst v32  }
0x88: {  	[tilespmem:$0x510] =	vst v32  }
0x89: {  	[tilespmem:$0x520] =	vst v32  }
0x8a: {  	[tilespmem:$0x530] =	vst v32  }
0x8b: {  	[tilespmem:$0x540] =	vst v32  }
0x8c: {  	[tilespmem:$0x550] =	vst v32  }
0x8d: {  	[tilespmem:$0x560] =	vst v32  }
0x8e: {  	[tilespmem:$0x570] =	vst v32  }
0x8f: {  	[tilespmem:$0x580] =	vst v32  }
0x90: {  	[tilespmem:$0x590] =	vst v32  }
0x91: {  	[tilespmem:$0x5A0] =	vst v32  }
0x92: {  	[tilespmem:$0x5B0] =	vst v32;
	v63 =	vld [tilespmem:$0x850]  }
0x93: {  	[tilespmem:$0x5C0] =	vst v32  }
0x94: {  	[tilespmem:$0x5D0] =	vst v32  }
0x95: {  	[tilespmem:$0x5E0] =	vst v32  }
0x96: {  	[tilespmem:$0x5F0] =	vst v32  }
0x97: {  	[tilespmem:$0x8D0] =	vst v63  }
0x98: {  	[tilespmem:$0x950] =	vst v63  }
0x99: {  	[tilespmem:$0x9D0] =	vst v63  }
0x9a: {  	[tilespmem:$0xA50] =	vst v63  }
0x9b: {  	[tilespmem:$0xAD0] =	vst v63  }
0x9c: {  	[tilespmem:$0xB50] =	vst v63  }
0x9d: {  	[tilespmem:$0xBD0] =	vst v63  }
0x9e: {  	[tilespmem:$0xC50] =	vst v63  }
0x9f: {  	[tilespmem:$0xCD0] =	vst v63  }
0xa0: {  	v36 =	vld [tilespmem:$0x860];
	[tilespmem:$0xD50] =	vst v63  }
0xa1: {  	[tilespmem:$0xDD0] =	vst v63  }
0xa2: {  	[tilespmem:$0xE50] =	vst v63  }
0xa3: {  	[tilespmem:$0xED0] =	vst v63  }
0xa4: {  	[tilespmem:$0xF50] =	vst v63  }
0xa5: {  	[tilespmem:$0x8E0] =	vst v36  }
0xa6: {  	[tilespmem:$0x960] =	vst v36  }
0xa7: {  	[tilespmem:$0x9E0] =	vst v36  }
0xa8: {  	[tilespmem:$0xA60] =	vst v36  }
0xa9: {  	[tilespmem:$0xAE0] =	vst v36  }
0xaa: {  	[tilespmem:$0xB60] =	vst v36  }
0xab: {  	[tilespmem:$0xBE0] =	vst v36  }
0xac: {  	[tilespmem:$0xC60] =	vst v36  }
0xad: {  	[tilespmem:$0xCE0] =	vst v36  }
0xae: {  	[tilespmem:$0xD60] =	vst v36  }
0xaf: {  	v37 =	vld [tilespmem:$0x870];
	[tilespmem:$0xDE0] =	vst v36  }
0xb0: {  	[tilespmem:$0xE60] =	vst v36  }
0xb1: {  	[tilespmem:$0xEE0] =	vst v36  }
0xb2: {  	v38 =	vld [tilespmem:$0x200];
	[tilespmem:$0xF60] =	vst v36  }
0xb3: {  	[tilespmem:$0xFE0] =	vst v36  }
0xb4: {  	[tilespmem:$0x8F0] =	vst v37  }
0xb5: {  	[tilespmem:$0x970] =	vst v37  }
0xb6: {  	[tilespmem:$0x9F0] =	vst v37  }
0xb7: {  	[tilespmem:$0xA70] =	vst v37;
	vm0 =	veq.s32 v38, $0x0  }
0xb8: {  	[tilespmem:$0xAF0] =	vst v37;
	(xrf0) =	vadd.scan.msk.s32 vm0, v33  }
0xb9: {  	[tilespmem:$0xB70] =	vst v37;
	vm1 =	vne.s32 v38, $0x0;
	v39 =	vmpcnt.ones.xlane vm0  }
0xba: {  	[tilespmem:$0xBF0] =	vst v37;
	(xrf0) =	vadd.scan.msk.s32 vm1, v33  }
0xbb: {  	[tilespmem:$0xC70] =	vst v37;
	v34 =	vxor.u32 $0x80000000, v39  }
0xbc: {  	[tilespmem:$0xCF0] =	vst v37;
	(xrf0) =	vmax.scan.msk.u32 $0xffff, v34  }
0xbd: {  	[tilespmem:$0xD70] =	vst v37  }
0xbe: {  	[tilespmem:$0xDF0] =	vst v37;
	v40, _, _ =	vpop (xrf0)  }
0xbf: {  	v41 =	vld [tilespmem:$0x0];
	[tilespmem:$0xE70] =	vst v37;
	v34 =	vadd.s32 $0xFFFFFFFF, v40  }
0xc0: {  	[tilespmem:$0xEF0] =	vst v37;
	v36, _, _ =	vpop (xrf0)  }
0xc1: {  	[tilespmem:$0xF70] =	vst v37;
	v36 =	vsub.s32 $0x200, v36  }
0xc2: {  	[tilespmem:$0xFF0] =	vst v37;
	v37, _, _ =	vpop (xrf0)  }
0xc3: {  	s17 =	simm.s32 $0x400;
	[tilespmem:$0xFD0] =	vst v63;
	(v2sf) =	vpush v37, $0xF  }
0xc4: {  	[tilespmem:v34+s17+$0x0] =	vst.idx.msk vm0, v41  }
0xc5: {  	[tilespmem:v34+s12+$0x0] =	vst.idx.msk vm0, v0  }
0xc6: {  	[tilespmem:v36+s12+$0x0] =	vst.idx.msk vm1, v0  }
0xc7: {  	v34 =	vld [tilespmem:$0x210];
	_ =	sdelay $0x4  }
0xc8: {  	vm14 =	veq.s32 v34, $0x0  }
0xc9: {  	v42 =	vmpcnt.ones.xlane vm14  }
0xca: {  	vm15 =	vne.s32 v34, $0x0;
	(xrf0) =	vadd.scan.msk.s32 vm14, v33  }
0xcb: {  	(xrf0) =	vadd.scan.msk.s32 vm15, v33;
	v43 =	vxor.u32 $0x80000000, v42  }
0xcc: {  	(xrf0) =	vmax.scan.msk.u32 $0xffff, v43;
	_ =	sdelay $0x1  }
0xcd: {  	s18 =	spop (v2sf)  }
0xce: {  	s19 =	sxor.u32 $0x80000000, s18  }
0xcf: {  	v44, _, _ =	vpop (xrf0);
	v45 =	vmov s19  }
0xd0: {  	v35 =	vadd.s32 $0xFFFFFFFF, v45;
	v46, _, _ =	vpop (xrf0)  }
0xd1: {  	v35 =	vbroadcast v35, $0x0;
	v47, _, _ =	vpop (xrf0)  }
0xd2: {  	(v2sf) =	vpush v47, $0xF  }
0xd3: {  	v48 =	vld [tilespmem:$0x10];
	v34 =	vadd.s32 v44, v35  }
0xd4: {  	s20 =	sadd.s32 $0x800001F0, s18  }
0xd5: {  	v49 =	vsub.s32 s20, v46;
	_ =	sdelay $0x2  }
0xd6: {  	[tilespmem:v34+s17+$0x0] =	vst.idx.msk vm14, v48  }
0xd7: {  	[tilespmem:v34+s12+$0x0] =	vst.idx.msk vm14, v1  }
0xd8: {  	[tilespmem:v49+s12+$0x0] =	vst.idx.msk vm15, v1  }
0xd9: {  	v34 =	vld [tilespmem:$0x220];
	_ =	sdelay $0x4  }
0xda: {  	vm4 =	veq.s32 v34, $0x0  }
0xdb: {  	(xrf0) =	vadd.scan.msk.s32 vm4, v33;
	v50 =	vmpcnt.ones.xlane vm4;
	s29 =	spop (v2sf)  }
0xdc: {  	vm5 =	vne.s32 v34, $0x0;
	s19 =	sadd.s32 s29, s19  }
0xdd: {  	(xrf0) =	vadd.scan.msk.s32 vm5, v33;
	v51 =	vxor.u32 $0x80000000, v50;
	s19 =	sadd.s32 $0x80000000, s19  }
0xde: {  	(xrf0) =	vmax.scan.msk.u32 $0xffff, v51;
	v52 =	vmov s19  }
0xdf: {  	v53 =	vadd.s32 $0xFFFFFFFF, v52  }
0xe0: {  	v34 =	vbroadcast v53, $0x0  }
0xe1: {  	v54, _, _ =	vpop (xrf0)  }
0xe2: {  	v55 =	vld [tilespmem:$0x20];
	s18 =	sadd.s32 s29, s18;
	v34 =	vadd.s32 v54, v34  }
0xe3: {  	s18 =	sadd.s32 $0x1E0, s18;
	v56, _, _ =	vpop (xrf0)  }
0xe4: {  	v35 =	vsub.s32 s18, v56;
	v57, _, _ =	vpop (xrf0)  }
0xe5: {  	(v2sf) =	vpush v57, $0xF;
	_ =	sdelay $0x1  }
0xe6: {  	[tilespmem:v34+s17+$0x0] =	vst.idx.msk vm4, v55  }
0xe7: {  	[tilespmem:v34+s12+$0x0] =	vst.idx.msk vm4, v2  }
0xe8: {  	[tilespmem:v35+s12+$0x0] =	vst.idx.msk vm5, v2  }
0xe9: {  	v34 =	vld [tilespmem:$0x230];
	_ =	sdelay $0x4  }
0xea: {  	vm6 =	veq.s32 v34, $0x0  }
0xeb: {  	v58 =	vmpcnt.ones.xlane vm6  }
0xec: {  	vm7 =	vne.s32 v34, $0x0;
	(xrf0) =	vadd.scan.msk.s32 vm6, v33  }
0xed: {  	(xrf0) =	vadd.scan.msk.s32 vm7, v33;
	v59 =	vxor.u32 $0x80000000, v58  }
0xee: {  	(xrf0) =	vmax.scan.msk.u32 $0xffff, v59  }
0xef: {  	s30 =	spop (v2sf)  }
0xf0: {  	s19 =	sadd.s32 s30, s19  }
0xf1: {  	s19 =	sadd.s32 $0x80000000, s19  }
0xf2: {  	v60, _, _ =	vpop (xrf0);
	v61 =	vmov s19  }
0xf3: {  	v35 =	vadd.s32 $0xFFFFFFFF, v61;
	v62, _, _ =	vpop (xrf0)  }
0xf4: {  	v35 =	vbroadcast v35, $0x0;
	v63, _, _ =	vpop (xrf0)  }
0xf5: {  	(v2sf) =	vpush v63, $0xF  }
0xf6: {  	v40 =	vld [tilespmem:$0x30];
	s18 =	sadd.s32 s30, s18;
	v34 =	vadd.s32 v60, v35  }
0xf7: {  	s18 =	sadd.s32 $0x7FFFFFF0, s18  }
0xf8: {  	v41 =	vsub.s32 s18, v62;
	_ =	sdelay $0x2  }
0xf9: {  	[tilespmem:v34+s17+$0x0] =	vst.idx.msk vm6, v40  }
0xfa: {  	[tilespmem:v34+s12+$0x0] =	vst.idx.msk vm6, v3  }
0xfb: {  	[tilespmem:v41+s12+$0x0] =	vst.idx.msk vm7, v3  }
0xfc: {  	v34 =	vld [tilespmem:$0x240];
	_ =	sdelay $0x4  }
0xfd: {  	vm8 =	veq.s32 v34, $0x0  }
0xfe: {  	(xrf0) =	vadd.scan.msk.s32 vm8, v33;
	v42 =	vmpcnt.ones.xlane vm8;
	s31 =	spop (v2sf)  }
0xff: {  	vm9 =	vne.s32 v34, $0x0;
	s19 =	sadd.s32 s31, s19  }
0x100: {  	(xrf0) =	vadd.scan.msk.s32 vm9, v33;
	v43 =	vxor.u32 $0x80000000, v42;
	s19 =	sadd.s32 $0x80000000, s19  }
0x101: {  	(xrf0) =	vmax.scan.msk.u32 $0xffff, v43;
	v44 =	vmov s19  }
0x102: {  	v45 =	vadd.s32 $0xFFFFFFFF, v44  }
0x103: {  	v34 =	vbroadcast v45, $0x0  }
0x104: {  	v46, _, _ =	vpop (xrf0)  }
0x105: {  	v47 =	vld [tilespmem:$0x40];
	s18 =	sadd.s32 s31, s18;
	v34 =	vadd.s32 v46, v34  }
0x106: {  	s18 =	sadd.s32 $0x7FFFFFF0, s18;
	v48, _, _ =	vpop (xrf0)  }
0x107: {  	v35 =	vsub.s32 s18, v48;
	v49, _, _ =	vpop (xrf0)  }
0x108: {  	(v2sf) =	vpush v49, $0xF;
	_ =	sdelay $0x1  }
0x109: {  	[tilespmem:v34+s17+$0x0] =	vst.idx.msk vm8, v47  }
0x10a: {  	[tilespmem:v34+s12+$0x0] =	vst.idx.msk vm8, v4  }
0x10b: {  	[tilespmem:v35+s12+$0x0] =	vst.idx.msk vm9, v4  }
0x10c: {  	v34 =	vld [tilespmem:$0x250];
	_ =	sdelay $0x4  }
0x10d: {  	vm10 =	veq.s32 v34, $0x0  }
0x10e: {  	v50 =	vmpcnt.ones.xlane vm10  }
0x10f: {  	vm11 =	vne.s32 v34, $0x0;
	(xrf0) =	vadd.scan.msk.s32 vm10, v33  }
0x110: {  	(xrf0) =	vadd.scan.msk.s32 vm11, v33;
	v51 =	vxor.u32 $0x80000000, v50  }
0x111: {  	(xrf0) =	vmax.scan.msk.u32 $0xffff, v51  }
0x112: {  	s21 =	spop (v2sf)  }
0x113: {  	s19 =	sadd.s32 s21, s19  }
0x114: {  	s19 =	sadd.s32 $0x80000000, s19  }
0x115: {  	v52, _, _ =	vpop (xrf0);
	v53 =	vmov s19  }
0x116: {  	v35 =	vadd.s32 $0xFFFFFFFF, v53;
	v54, _, _ =	vpop (xrf0)  }
0x117: {  	v35 =	vbroadcast v35, $0x0;
	v55, _, _ =	vpop (xrf0)  }
0x118: {  	(v2sf) =	vpush v55, $0xF  }
0x119: {  	v56 =	vld [tilespmem:$0x50];
	s18 =	sadd.s32 s21, s18;
	v34 =	vadd.s32 v52, v35  }
0x11a: {  	s18 =	sadd.s32 $0x7FFFFFF0, s18  }
0x11b: {  	v57 =	vsub.s32 s18, v54;
	_ =	sdelay $0x2  }
0x11c: {  	[tilespmem:v34+s17+$0x0] =	vst.idx.msk vm10, v56  }
0x11d: {  	[tilespmem:v34+s12+$0x0] =	vst.idx.msk vm10, v5  }
0x11e: {  	[tilespmem:v57+s12+$0x0] =	vst.idx.msk vm11, v5  }
0x11f: {  	v34 =	vld [tilespmem:$0x260];
	_ =	sdelay $0x4  }
0x120: {  	vm12 =	veq.s32 v34, $0x0  }
0x121: {  	(xrf0) =	vadd.scan.msk.s32 vm12, v33;
	v58 =	vmpcnt.ones.xlane vm12;
	s22 =	spop (v2sf)  }
0x122: {  	vm13 =	vne.s32 v34, $0x0;
	s19 =	sadd.s32 s22, s19  }
0x123: {  	(xrf0) =	vadd.scan.msk.s32 vm13, v33;
	v59 =	vxor.u32 $0x80000000, v58;
	s19 =	sadd.s32 $0x80000000, s19  }
0x124: {  	(xrf0) =	vmax.scan.msk.u32 $0xffff, v59;
	v60 =	vmov s19  }
0x125: {  	v61 =	vadd.s32 $0xFFFFFFFF, v60  }
0x126: {  	v34 =	vbroadcast v61, $0x0  }
0x127: {  	v62, _, _ =	vpop (xrf0)  }
0x128: {  	v63 =	vld [tilespmem:$0x60];
	s18 =	sadd.s32 s22, s18;
	v34 =	vadd.s32 v62, v34  }
0x129: {  	s18 =	sadd.s32 $0x7FFFFFF0, s18;
	v40, _, _ =	vpop (xrf0)  }
0x12a: {  	v35 =	vsub.s32 s18, v40;
	v41, _, _ =	vpop (xrf0)  }
0x12b: {  	(v2sf) =	vpush v41, $0xF;
	_ =	sdelay $0x1  }
0x12c: {  	[tilespmem:v34+s17+$0x0] =	vst.idx.msk vm12, v63  }
0x12d: {  	[tilespmem:v34+s12+$0x0] =	vst.idx.msk vm12, v6  }
0x12e: {  	[tilespmem:v35+s12+$0x0] =	vst.idx.msk vm13, v6  }
0x12f: {  	v34 =	vld [tilespmem:$0x270];
	_ =	sdelay $0x4  }
0x130: {  	vm14 =	veq.s32 v34, $0x0  }
0x131: {  	v42 =	vmpcnt.ones.xlane vm14  }
0x132: {  	vm15 =	vne.s32 v34, $0x0;
	(xrf0) =	vadd.scan.msk.s32 vm14, v33  }
0x133: {  	(xrf0) =	vadd.scan.msk.s32 vm15, v33;
	v43 =	vxor.u32 $0x80000000, v42  }
0x134: {  	(xrf0) =	vmax.scan.msk.u32 $0xffff, v43  }
0x135: {  	s23 =	spop (v2sf)  }
0x136: {  	s19 =	sadd.s32 s23, s19  }
0x137: {  	s19 =	sadd.s32 $0x80000000, s19  }
0x138: {  	v44, _, _ =	vpop (xrf0);
	v45 =	vmov s19  }
0x139: {  	v35 =	vadd.s32 $0xFFFFFFFF, v45;
	v46, _, _ =	vpop (xrf0)  }
0x13a: {  	v35 =	vbroadcast v35, $0x0;
	v47, _, _ =	vpop (xrf0)  }
0x13b: {  	(v2sf) =	vpush v47, $0xF  }
0x13c: {  	v48 =	vld [tilespmem:$0x70];
	s18 =	sadd.s32 s23, s18;
	v34 =	vadd.s32 v44, v35  }
0x13d: {  	s18 =	sadd.s32 $0x7FFFFFF0, s18  }
0x13e: {  	v49 =	vsub.s32 s18, v46;
	_ =	sdelay $0x2  }
0x13f: {  	[tilespmem:v34+s17+$0x0] =	vst.idx.msk vm14, v48  }
0x140: {  	[tilespmem:v34+s12+$0x0] =	vst.idx.msk vm14, v7  }
0x141: {  	[tilespmem:v49+s12+$0x0] =	vst.idx.msk vm15, v7  }
0x142: {  	v34 =	vld [tilespmem:$0x280];
	_ =	sdelay $0x4  }
0x143: {  	vm4 =	veq.s32 v34, $0x0  }
0x144: {  	(xrf0) =	vadd.scan.msk.s32 vm4, v33;
	v50 =	vmpcnt.ones.xlane vm4;
	s24 =	spop (v2sf)  }
0x145: {  	vm5 =	vne.s32 v34, $0x0;
	s19 =	sadd.s32 s24, s19  }
0x146: {  	(xrf0) =	vadd.scan.msk.s32 vm5, v33;
	v51 =	vxor.u32 $0x80000000, v50;
	s19 =	sadd.s32 $0x80000000, s19  }
0x147: {  	(xrf0) =	vmax.scan.msk.u32 $0xffff, v51;
	v52 =	vmov s19  }
0x148: {  	v53 =	vadd.s32 $0xFFFFFFFF, v52  }
0x149: {  	v34 =	vbroadcast v53, $0x0  }
0x14a: {  	v54, _, _ =	vpop (xrf0)  }
0x14b: {  	v55 =	vld [tilespmem:$0x80];
	s18 =	sadd.s32 s24, s18;
	v34 =	vadd.s32 v54, v34  }
0x14c: {  	s18 =	sadd.s32 $0x7FFFFFF0, s18;
	v56, _, _ =	vpop (xrf0)  }
0x14d: {  	v35 =	vsub.s32 s18, v56;
	v57, _, _ =	vpop (xrf0)  }
0x14e: {  	(v2sf) =	vpush v57, $0xF;
	_ =	sdelay $0x1  }
0x14f: {  	[tilespmem:v34+s17+$0x0] =	vst.idx.msk vm4, v55  }
0x150: {  	[tilespmem:v34+s12+$0x0] =	vst.idx.msk vm4, v8  }
0x151: {  	[tilespmem:v35+s12+$0x0] =	vst.idx.msk vm5, v8  }
0x152: {  	v34 =	vld [tilespmem:$0x290];
	_ =	sdelay $0x4  }
0x153: {  	vm6 =	veq.s32 v34, $0x0  }
0x154: {  	v58 =	vmpcnt.ones.xlane vm6  }
0x155: {  	vm7 =	vne.s32 v34, $0x0;
	(xrf0) =	vadd.scan.msk.s32 vm6, v33  }
0x156: {  	(xrf0) =	vadd.scan.msk.s32 vm7, v33;
	v59 =	vxor.u32 $0x80000000, v58  }
0x157: {  	(xrf0) =	vmax.scan.msk.u32 $0xffff, v59  }
0x158: {  	s25 =	spop (v2sf)  }
0x159: {  	s19 =	sadd.s32 s25, s19  }
0x15a: {  	s19 =	sadd.s32 $0x80000000, s19  }
0x15b: {  	v60, _, _ =	vpop (xrf0);
	v61 =	vmov s19  }
0x15c: {  	v35 =	vadd.s32 $0xFFFFFFFF, v61;
	v62, _, _ =	vpop (xrf0)  }
0x15d: {  	v35 =	vbroadcast v35, $0x0;
	v63, _, _ =	vpop (xrf0)  }
0x15e: {  	(v2sf) =	vpush v63, $0xF  }
0x15f: {  	v40 =	vld [tilespmem:$0x90];
	s18 =	sadd.s32 s25, s18;
	v34 =	vadd.s32 v60, v35  }
0x160: {  	s18 =	sadd.s32 $0x7FFFFFF0, s18  }
0x161: {  	v41 =	vsub.s32 s18, v62;
	_ =	sdelay $0x2  }
0x162: {  	[tilespmem:v34+s17+$0x0] =	vst.idx.msk vm6, v40  }
0x163: {  	[tilespmem:v34+s12+$0x0] =	vst.idx.msk vm6, v9  }
0x164: {  	[tilespmem:v41+s12+$0x0] =	vst.idx.msk vm7, v9  }
0x165: {  	v34 =	vld [tilespmem:$0x2A0];
	_ =	sdelay $0x4  }
0x166: {  	vm8 =	veq.s32 v34, $0x0  }
0x167: {  	(xrf0) =	vadd.scan.msk.s32 vm8, v33;
	v42 =	vmpcnt.ones.xlane vm8;
	s26 =	spop (v2sf)  }
0x168: {  	vm9 =	vne.s32 v34, $0x0;
	s19 =	sadd.s32 s26, s19  }
0x169: {  	(xrf0) =	vadd.scan.msk.s32 vm9, v33;
	v43 =	vxor.u32 $0x80000000, v42;
	s19 =	sadd.s32 $0x80000000, s19  }
0x16a: {  	(xrf0) =	vmax.scan.msk.u32 $0xffff, v43;
	v44 =	vmov s19  }
0x16b: {  	v45 =	vadd.s32 $0xFFFFFFFF, v44  }
0x16c: {  	v34 =	vbroadcast v45, $0x0  }
0x16d: {  	v46, _, _ =	vpop (xrf0)  }
0x16e: {  	v47 =	vld [tilespmem:$0xA0];
	s18 =	sadd.s32 s26, s18;
	v34 =	vadd.s32 v46, v34  }
0x16f: {  	s18 =	sadd.s32 $0x7FFFFFF0, s18;
	v48, _, _ =	vpop (xrf0)  }
0x170: {  	v35 =	vsub.s32 s18, v48;
	v49, _, _ =	vpop (xrf0)  }
0x171: {  	(v2sf) =	vpush v49, $0xF;
	_ =	sdelay $0x1  }
0x172: {  	[tilespmem:v34+s17+$0x0] =	vst.idx.msk vm8, v47  }
0x173: {  	[tilespmem:v34+s12+$0x0] =	vst.idx.msk vm8, v10  }
0x174: {  	[tilespmem:v35+s12+$0x0] =	vst.idx.msk vm9, v10  }
0x175: {  	v34 =	vld [tilespmem:$0x2B0];
	_ =	sdelay $0x4  }
0x176: {  	vm10 =	veq.s32 v34, $0x0  }
0x177: {  	v50 =	vmpcnt.ones.xlane vm10  }
0x178: {  	vm11 =	vne.s32 v34, $0x0;
	(xrf0) =	vadd.scan.msk.s32 vm10, v33  }
0x179: {  	(xrf0) =	vadd.scan.msk.s32 vm11, v33;
	v51 =	vxor.u32 $0x80000000, v50  }
0x17a: {  	(xrf0) =	vmax.scan.msk.u32 $0xffff, v51  }
0x17b: {  	s28 =	spop (v2sf)  }
0x17c: {  	s19 =	sadd.s32 s28, s19  }
0x17d: {  	s19 =	sadd.s32 $0x80000000, s19  }
0x17e: {  	v52, _, _ =	vpop (xrf0);
	v53 =	vmov s19  }
0x17f: {  	v35 =	vadd.s32 $0xFFFFFFFF, v53;
	v54, _, _ =	vpop (xrf0)  }
0x180: {  	v35 =	vbroadcast v35, $0x0;
	v55, _, _ =	vpop (xrf0)  }
0x181: {  	(v2sf) =	vpush v55, $0xF  }
0x182: {  	v56 =	vld [tilespmem:$0xB0];
	s18 =	sadd.s32 s28, s18;
	v34 =	vadd.s32 v52, v35  }
0x183: {  	s18 =	sadd.s32 $0x7FFFFFF0, s18  }
0x184: {  	v57 =	vsub.s32 s18, v54;
	_ =	sdelay $0x2  }
0x185: {  	[tilespmem:v34+s17+$0x0] =	vst.idx.msk vm10, v56  }
0x186: {  	[tilespmem:v34+s12+$0x0] =	vst.idx.msk vm10, v11  }
0x187: {  	[tilespmem:v57+s12+$0x0] =	vst.idx.msk vm11, v11  }
0x188: {  	v34 =	vld [tilespmem:$0x2C0];
	_ =	sdelay $0x4  }
0x189: {  	vm12 =	veq.s32 v34, $0x0  }
0x18a: {  	(xrf0) =	vadd.scan.msk.s32 vm12, v33;
	v58 =	vmpcnt.ones.xlane vm12;
	s29 =	spop (v2sf)  }
0x18b: {  	vm13 =	vne.s32 v34, $0x0;
	s19 =	sadd.s32 s29, s19  }
0x18c: {  	(xrf0) =	vadd.scan.msk.s32 vm13, v33;
	v59 =	vxor.u32 $0x80000000, v58;
	s19 =	sadd.s32 $0x80000000, s19  }
0x18d: {  	(xrf0) =	vmax.scan.msk.u32 $0xffff, v59;
	v60 =	vmov s19  }
0x18e: {  	v61 =	vadd.s32 $0xFFFFFFFF, v60  }
0x18f: {  	v34 =	vbroadcast v61, $0x0  }
0x190: {  	v62, _, _ =	vpop (xrf0)  }
0x191: {  	v63 =	vld [tilespmem:$0xC0];
	s18 =	sadd.s32 s29, s18;
	v34 =	vadd.s32 v62, v34  }
0x192: {  	s18 =	sadd.s32 $0x7FFFFFF0, s18;
	v40, _, _ =	vpop (xrf0)  }
0x193: {  	v35 =	vsub.s32 s18, v40;
	v41, _, _ =	vpop (xrf0)  }
0x194: {  	(v2sf) =	vpush v41, $0xF;
	_ =	sdelay $0x1  }
0x195: {  	[tilespmem:v34+s17+$0x0] =	vst.idx.msk vm12, v63  }
0x196: {  	[tilespmem:v34+s12+$0x0] =	vst.idx.msk vm12, v12  }
0x197: {  	[tilespmem:v35+s12+$0x0] =	vst.idx.msk vm13, v12  }
0x198: {  	v34 =	vld [tilespmem:$0x2D0];
	_ =	sdelay $0x4  }
0x199: {  	vm14 =	veq.s32 v34, $0x0  }
0x19a: {  	v42 =	vmpcnt.ones.xlane vm14  }
0x19b: {  	vm15 =	vne.s32 v34, $0x0;
	(xrf0) =	vadd.scan.msk.s32 vm14, v33  }
0x19c: {  	(xrf0) =	vadd.scan.msk.s32 vm15, v33;
	v43 =	vxor.u32 $0x80000000, v42  }
0x19d: {  	(xrf0) =	vmax.scan.msk.u32 $0xffff, v43  }
0x19e: {  	s30 =	spop (v2sf)  }
0x19f: {  	s19 =	sadd.s32 s30, s19  }
0x1a0: {  	s19 =	sadd.s32 $0x80000000, s19  }
0x1a1: {  	v44, _, _ =	vpop (xrf0);
	v45 =	vmov s19  }
0x1a2: {  	v35 =	vadd.s32 $0xFFFFFFFF, v45;
	v46, _, _ =	vpop (xrf0)  }
0x1a3: {  	v35 =	vbroadcast v35, $0x0;
	v47, _, _ =	vpop (xrf0)  }
0x1a4: {  	(v2sf) =	vpush v47, $0xF  }
0x1a5: {  	v48 =	vld [tilespmem:$0xD0];
	s18 =	sadd.s32 s30, s18;
	v34 =	vadd.s32 v44, v35  }
0x1a6: {  	s18 =	sadd.s32 $0x7FFFFFF0, s18  }
0x1a7: {  	v49 =	vsub.s32 s18, v46;
	_ =	sdelay $0x2  }
0x1a8: {  	[tilespmem:v34+s17+$0x0] =	vst.idx.msk vm14, v48  }
0x1a9: {  	[tilespmem:v34+s12+$0x0] =	vst.idx.msk vm14, v13  }
0x1aa: {  	[tilespmem:v49+s12+$0x0] =	vst.idx.msk vm15, v13  }
0x1ab: {  	v34 =	vld [tilespmem:$0x2E0];
	_ =	sdelay $0x4  }
0x1ac: {  	vm4 =	veq.s32 v34, $0x0  }
0x1ad: {  	(xrf0) =	vadd.scan.msk.s32 vm4, v33;
	v50 =	vmpcnt.ones.xlane vm4;
	s31 =	spop (v2sf)  }
0x1ae: {  	vm5 =	vne.s32 v34, $0x0;
	s19 =	sadd.s32 s31, s19  }
0x1af: {  	(xrf0) =	vadd.scan.msk.s32 vm5, v33;
	v51 =	vxor.u32 $0x80000000, v50;
	s19 =	sadd.s32 $0x80000000, s19  }
0x1b0: {  	(xrf0) =	vmax.scan.msk.u32 $0xffff, v51;
	v52 =	vmov s19  }
0x1b1: {  	v53 =	vadd.s32 $0xFFFFFFFF, v52  }
0x1b2: {  	v34 =	vbroadcast v53, $0x0  }
0x1b3: {  	v54, _, _ =	vpop (xrf0)  }
0x1b4: {  	v55 =	vld [tilespmem:$0xE0];
	s18 =	sadd.s32 s31, s18;
	v34 =	vadd.s32 v54, v34  }
0x1b5: {  	s18 =	sadd.s32 $0x7FFFFFF0, s18;
	v56, _, _ =	vpop (xrf0)  }
0x1b6: {  	v35 =	vsub.s32 s18, v56;
	v57, _, _ =	vpop (xrf0)  }
0x1b7: {  	(v2sf) =	vpush v57, $0xF;
	_ =	sdelay $0x1  }
0x1b8: {  	[tilespmem:v34+s17+$0x0] =	vst.idx.msk vm4, v55  }
0x1b9: {  	[tilespmem:v34+s12+$0x0] =	vst.idx.msk vm4, v14  }
0x1ba: {  	[tilespmem:v35+s12+$0x0] =	vst.idx.msk vm5, v14  }
0x1bb: {  	v34 =	vld [tilespmem:$0x2F0];
	_ =	sdelay $0x4  }
0x1bc: {  	vm6 =	veq.s32 v34, $0x0  }
0x1bd: {  	v58 =	vmpcnt.ones.xlane vm6  }
0x1be: {  	vm7 =	vne.s32 v34, $0x0;
	(xrf0) =	vadd.scan.msk.s32 vm6, v33  }
0x1bf: {  	(xrf0) =	vadd.scan.msk.s32 vm7, v33;
	v59 =	vxor.u32 $0x80000000, v58  }
0x1c0: {  	(xrf0) =	vmax.scan.msk.u32 $0xffff, v59  }
0x1c1: {  	s21 =	spop (v2sf)  }
0x1c2: {  	s19 =	sadd.s32 s21, s19  }
0x1c3: {  	s19 =	sadd.s32 $0x80000000, s19  }
0x1c4: {  	v60, _, _ =	vpop (xrf0);
	v61 =	vmov s19  }
0x1c5: {  	v35 =	vadd.s32 $0xFFFFFFFF, v61;
	v62, _, _ =	vpop (xrf0)  }
0x1c6: {  	v35 =	vbroadcast v35, $0x0;
	v63, _, _ =	vpop (xrf0)  }
0x1c7: {  	(v2sf) =	vpush v63, $0xF  }
0x1c8: {  	v40 =	vld [tilespmem:$0xF0];
	s18 =	sadd.s32 s21, s18;
	v34 =	vadd.s32 v60, v35  }
0x1c9: {  	s18 =	sadd.s32 $0x7FFFFFF0, s18  }
0x1ca: {  	v41 =	vsub.s32 s18, v62;
	_ =	sdelay $0x2  }
0x1cb: {  	[tilespmem:v34+s17+$0x0] =	vst.idx.msk vm6, v40  }
0x1cc: {  	[tilespmem:v34+s12+$0x0] =	vst.idx.msk vm6, v15  }
0x1cd: {  	[tilespmem:v41+s12+$0x0] =	vst.idx.msk vm7, v15  }
0x1ce: {  	v34 =	vld [tilespmem:$0x300];
	_ =	sdelay $0x4  }
0x1cf: {  	vm8 =	veq.s32 v34, $0x0  }
0x1d0: {  	(xrf0) =	vadd.scan.msk.s32 vm8, v33;
	v42 =	vmpcnt.ones.xlane vm8;
	s22 =	spop (v2sf)  }
0x1d1: {  	vm9 =	vne.s32 v34, $0x0;
	s19 =	sadd.s32 s22, s19  }
0x1d2: {  	(xrf0) =	vadd.scan.msk.s32 vm9, v33;
	v43 =	vxor.u32 $0x80000000, v42;
	s19 =	sadd.s32 $0x80000000, s19  }
0x1d3: {  	(xrf0) =	vmax.scan.msk.u32 $0xffff, v43;
	v44 =	vmov s19  }
0x1d4: {  	v45 =	vadd.s32 $0xFFFFFFFF, v44  }
0x1d5: {  	v34 =	vbroadcast v45, $0x0  }
0x1d6: {  	v46, _, _ =	vpop (xrf0)  }
0x1d7: {  	v47 =	vld [tilespmem:$0x100];
	s18 =	sadd.s32 s22, s18;
	v34 =	vadd.s32 v46, v34  }
0x1d8: {  	s18 =	sadd.s32 $0x7FFFFFF0, s18;
	v48, _, _ =	vpop (xrf0)  }
0x1d9: {  	v35 =	vsub.s32 s18, v48;
	v49, _, _ =	vpop (xrf0)  }
0x1da: {  	(v2sf) =	vpush v49, $0xF;
	_ =	sdelay $0x1  }
0x1db: {  	[tilespmem:v34+s17+$0x0] =	vst.idx.msk vm8, v47  }
0x1dc: {  	[tilespmem:v34+s12+$0x0] =	vst.idx.msk vm8, v16  }
0x1dd: {  	[tilespmem:v35+s12+$0x0] =	vst.idx.msk vm9, v16  }
0x1de: {  	v34 =	vld [tilespmem:$0x310];
	_ =	sdelay $0x4  }
0x1df: {  	vm10 =	veq.s32 v34, $0x0  }
0x1e0: {  	v50 =	vmpcnt.ones.xlane vm10  }
0x1e1: {  	vm11 =	vne.s32 v34, $0x0;
	(xrf0) =	vadd.scan.msk.s32 vm10, v33  }
0x1e2: {  	(xrf0) =	vadd.scan.msk.s32 vm11, v33;
	v51 =	vxor.u32 $0x80000000, v50  }
0x1e3: {  	(xrf0) =	vmax.scan.msk.u32 $0xffff, v51  }
0x1e4: {  	s23 =	spop (v2sf)  }
0x1e5: {  	s19 =	sadd.s32 s23, s19  }
0x1e6: {  	s19 =	sadd.s32 $0x80000000, s19  }
0x1e7: {  	v52, _, _ =	vpop (xrf0);
	v53 =	vmov s19  }
0x1e8: {  	v35 =	vadd.s32 $0xFFFFFFFF, v53;
	v54, _, _ =	vpop (xrf0)  }
0x1e9: {  	v35 =	vbroadcast v35, $0x0;
	v55, _, _ =	vpop (xrf0)  }
0x1ea: {  	(v2sf) =	vpush v55, $0xF  }
0x1eb: {  	v56 =	vld [tilespmem:$0x110];
	s18 =	sadd.s32 s23, s18;
	v34 =	vadd.s32 v52, v35  }
0x1ec: {  	s18 =	sadd.s32 $0x7FFFFFF0, s18  }
0x1ed: {  	v57 =	vsub.s32 s18, v54;
	_ =	sdelay $0x2  }
0x1ee: {  	[tilespmem:v34+s17+$0x0] =	vst.idx.msk vm10, v56  }
0x1ef: {  	[tilespmem:v34+s12+$0x0] =	vst.idx.msk vm10, v17  }
0x1f0: {  	[tilespmem:v57+s12+$0x0] =	vst.idx.msk vm11, v17  }
0x1f1: {  	v34 =	vld [tilespmem:$0x320];
	_ =	sdelay $0x4  }
0x1f2: {  	vm12 =	veq.s32 v34, $0x0  }
0x1f3: {  	(xrf0) =	vadd.scan.msk.s32 vm12, v33;
	v58 =	vmpcnt.ones.xlane vm12;
	s24 =	spop (v2sf)  }
0x1f4: {  	vm13 =	vne.s32 v34, $0x0;
	s19 =	sadd.s32 s24, s19  }
0x1f5: {  	(xrf0) =	vadd.scan.msk.s32 vm13, v33;
	v59 =	vxor.u32 $0x80000000, v58;
	s19 =	sadd.s32 $0x80000000, s19  }
0x1f6: {  	(xrf0) =	vmax.scan.msk.u32 $0xffff, v59;
	v60 =	vmov s19  }
0x1f7: {  	v61 =	vadd.s32 $0xFFFFFFFF, v60  }
0x1f8: {  	v34 =	vbroadcast v61, $0x0  }
0x1f9: {  	v62, _, _ =	vpop (xrf0)  }
0x1fa: {  	v63 =	vld [tilespmem:$0x120];
	s18 =	sadd.s32 s24, s18;
	v34 =	vadd.s32 v62, v34  }
0x1fb: {  	s18 =	sadd.s32 $0x7FFFFFF0, s18;
	v40, _, _ =	vpop (xrf0)  }
0x1fc: {  	v35 =	vsub.s32 s18, v40;
	v41, _, _ =	vpop (xrf0)  }
0x1fd: {  	(v2sf) =	vpush v41, $0xF;
	_ =	sdelay $0x1  }
0x1fe: {  	[tilespmem:v34+s17+$0x0] =	vst.idx.msk vm12, v63  }
0x1ff: {  	[tilespmem:v34+s12+$0x0] =	vst.idx.msk vm12, v18  }
0x200: {  	[tilespmem:v35+s12+$0x0] =	vst.idx.msk vm13, v18  }
0x201: {  	v34 =	vld [tilespmem:$0x330];
	_ =	sdelay $0x4  }
0x202: {  	vm14 =	veq.s32 v34, $0x0  }
0x203: {  	v42 =	vmpcnt.ones.xlane vm14  }
0x204: {  	vm15 =	vne.s32 v34, $0x0;
	(xrf0) =	vadd.scan.msk.s32 vm14, v33  }
0x205: {  	(xrf0) =	vadd.scan.msk.s32 vm15, v33;
	v43 =	vxor.u32 $0x80000000, v42  }
0x206: {  	(xrf0) =	vmax.scan.msk.u32 $0xffff, v43  }
0x207: {  	s25 =	spop (v2sf)  }
0x208: {  	s19 =	sadd.s32 s25, s19  }
0x209: {  	s19 =	sadd.s32 $0x80000000, s19  }
0x20a: {  	v44, _, _ =	vpop (xrf0);
	v45 =	vmov s19  }
0x20b: {  	v35 =	vadd.s32 $0xFFFFFFFF, v45;
	v46, _, _ =	vpop (xrf0)  }
0x20c: {  	v35 =	vbroadcast v35, $0x0;
	v47, _, _ =	vpop (xrf0)  }
0x20d: {  	(v2sf) =	vpush v47, $0xF  }
0x20e: {  	v48 =	vld [tilespmem:$0x130];
	s18 =	sadd.s32 s25, s18;
	v34 =	vadd.s32 v44, v35  }
0x20f: {  	s18 =	sadd.s32 $0x7FFFFFF0, s18  }
0x210: {  	v49 =	vsub.s32 s18, v46;
	_ =	sdelay $0x2  }
0x211: {  	[tilespmem:v34+s17+$0x0] =	vst.idx.msk vm14, v48  }
0x212: {  	[tilespmem:v34+s12+$0x0] =	vst.idx.msk vm14, v19  }
0x213: {  	[tilespmem:v49+s12+$0x0] =	vst.idx.msk vm15, v19  }
0x214: {  	v34 =	vld [tilespmem:$0x340];
	_ =	sdelay $0x4  }
0x215: {  	vm4 =	veq.s32 v34, $0x0  }
0x216: {  	(xrf0) =	vadd.scan.msk.s32 vm4, v33;
	v50 =	vmpcnt.ones.xlane vm4;
	s26 =	spop (v2sf)  }
0x217: {  	vm5 =	vne.s32 v34, $0x0;
	s19 =	sadd.s32 s26, s19  }
0x218: {  	(xrf0) =	vadd.scan.msk.s32 vm5, v33;
	v51 =	vxor.u32 $0x80000000, v50;
	s19 =	sadd.s32 $0x80000000, s19  }
0x219: {  	(xrf0) =	vmax.scan.msk.u32 $0xffff, v51;
	v52 =	vmov s19  }
0x21a: {  	v53 =	vadd.s32 $0xFFFFFFFF, v52  }
0x21b: {  	v34 =	vbroadcast v53, $0x0  }
0x21c: {  	v54, _, _ =	vpop (xrf0)  }
0x21d: {  	v55 =	vld [tilespmem:$0x140];
	s18 =	sadd.s32 s26, s18;
	v34 =	vadd.s32 v54, v34  }
0x21e: {  	s18 =	sadd.s32 $0x7FFFFFF0, s18;
	v56, _, _ =	vpop (xrf0)  }
0x21f: {  	v35 =	vsub.s32 s18, v56;
	v57, _, _ =	vpop (xrf0)  }
0x220: {  	(v2sf) =	vpush v57, $0xF;
	_ =	sdelay $0x1  }
0x221: {  	[tilespmem:v34+s17+$0x0] =	vst.idx.msk vm4, v55  }
0x222: {  	[tilespmem:v34+s12+$0x0] =	vst.idx.msk vm4, v20  }
0x223: {  	[tilespmem:v35+s12+$0x0] =	vst.idx.msk vm5, v20  }
0x224: {  	v34 =	vld [tilespmem:$0x350];
	_ =	sdelay $0x4  }
0x225: {  	vm6 =	veq.s32 v34, $0x0  }
0x226: {  	v58 =	vmpcnt.ones.xlane vm6  }
0x227: {  	vm7 =	vne.s32 v34, $0x0;
	(xrf0) =	vadd.scan.msk.s32 vm6, v33  }
0x228: {  	(xrf0) =	vadd.scan.msk.s32 vm7, v33;
	v59 =	vxor.u32 $0x80000000, v58  }
0x229: {  	(xrf0) =	vmax.scan.msk.u32 $0xffff, v59  }
0x22a: {  	s28 =	spop (v2sf)  }
0x22b: {  	s19 =	sadd.s32 s28, s19  }
0x22c: {  	s19 =	sadd.s32 $0x80000000, s19  }
0x22d: {  	v60, _, _ =	vpop (xrf0);
	v61 =	vmov s19  }
0x22e: {  	v35 =	vadd.s32 $0xFFFFFFFF, v61;
	v62, _, _ =	vpop (xrf0)  }
0x22f: {  	v35 =	vbroadcast v35, $0x0;
	v63, _, _ =	vpop (xrf0)  }
0x230: {  	(v2sf) =	vpush v63, $0xF  }
0x231: {  	v40 =	vld [tilespmem:$0x150];
	s18 =	sadd.s32 s28, s18;
	v34 =	vadd.s32 v60, v35  }
0x232: {  	s18 =	sadd.s32 $0x7FFFFFF0, s18  }
0x233: {  	v41 =	vsub.s32 s18, v62;
	_ =	sdelay $0x2  }
0x234: {  	[tilespmem:v34+s17+$0x0] =	vst.idx.msk vm6, v40  }
0x235: {  	[tilespmem:v34+s12+$0x0] =	vst.idx.msk vm6, v21  }
0x236: {  	[tilespmem:v41+s12+$0x0] =	vst.idx.msk vm7, v21  }
0x237: {  	v34 =	vld [tilespmem:$0x360];
	_ =	sdelay $0x4  }
0x238: {  	vm8 =	veq.s32 v34, $0x0  }
0x239: {  	(xrf0) =	vadd.scan.msk.s32 vm8, v33;
	v42 =	vmpcnt.ones.xlane vm8;
	s29 =	spop (v2sf)  }
0x23a: {  	vm9 =	vne.s32 v34, $0x0;
	s19 =	sadd.s32 s29, s19  }
0x23b: {  	(xrf0) =	vadd.scan.msk.s32 vm9, v33;
	v43 =	vxor.u32 $0x80000000, v42;
	s19 =	sadd.s32 $0x80000000, s19  }
0x23c: {  	(xrf0) =	vmax.scan.msk.u32 $0xffff, v43;
	v44 =	vmov s19  }
0x23d: {  	v45 =	vadd.s32 $0xFFFFFFFF, v44  }
0x23e: {  	v34 =	vbroadcast v45, $0x0  }
0x23f: {  	v46, _, _ =	vpop (xrf0)  }
0x240: {  	v47 =	vld [tilespmem:$0x160];
	s18 =	sadd.s32 s29, s18;
	v34 =	vadd.s32 v46, v34  }
0x241: {  	s18 =	sadd.s32 $0x7FFFFFF0, s18;
	v48, _, _ =	vpop (xrf0)  }
0x242: {  	v35 =	vsub.s32 s18, v48;
	v49, _, _ =	vpop (xrf0)  }
0x243: {  	(v2sf) =	vpush v49, $0xF;
	_ =	sdelay $0x1  }
0x244: {  	[tilespmem:v34+s17+$0x0] =	vst.idx.msk vm8, v47  }
0x245: {  	[tilespmem:v34+s12+$0x0] =	vst.idx.msk vm8, v22  }
0x246: {  	[tilespmem:v35+s12+$0x0] =	vst.idx.msk vm9, v22  }
0x247: {  	v34 =	vld [tilespmem:$0x370];
	_ =	sdelay $0x4  }
0x248: {  	vm10 =	veq.s32 v34, $0x0  }
0x249: {  	v50 =	vmpcnt.ones.xlane vm10  }
0x24a: {  	vm11 =	vne.s32 v34, $0x0;
	(xrf0) =	vadd.scan.msk.s32 vm10, v33  }
0x24b: {  	(xrf0) =	vadd.scan.msk.s32 vm11, v33;
	v51 =	vxor.u32 $0x80000000, v50  }
0x24c: {  	(xrf0) =	vmax.scan.msk.u32 $0xffff, v51  }
0x24d: {  	s30 =	spop (v2sf)  }
0x24e: {  	s19 =	sadd.s32 s30, s19  }
0x24f: {  	s19 =	sadd.s32 $0x80000000, s19  }
0x250: {  	v52, _, _ =	vpop (xrf0);
	v53 =	vmov s19  }
0x251: {  	v35 =	vadd.s32 $0xFFFFFFFF, v53;
	v54, _, _ =	vpop (xrf0)  }
0x252: {  	v35 =	vbroadcast v35, $0x0;
	v55, _, _ =	vpop (xrf0)  }
0x253: {  	(v2sf) =	vpush v55, $0xF  }
0x254: {  	v56 =	vld [tilespmem:$0x170];
	s18 =	sadd.s32 s30, s18;
	v34 =	vadd.s32 v52, v35  }
0x255: {  	s18 =	sadd.s32 $0x7FFFFFF0, s18  }
0x256: {  	v57 =	vsub.s32 s18, v54;
	_ =	sdelay $0x2  }
0x257: {  	[tilespmem:v34+s17+$0x0] =	vst.idx.msk vm10, v56  }
0x258: {  	[tilespmem:v34+s12+$0x0] =	vst.idx.msk vm10, v23  }
0x259: {  	[tilespmem:v57+s12+$0x0] =	vst.idx.msk vm11, v23  }
0x25a: {  	v34 =	vld [tilespmem:$0x380];
	_ =	sdelay $0x4  }
0x25b: {  	vm12 =	veq.s32 v34, $0x0  }
0x25c: {  	(xrf0) =	vadd.scan.msk.s32 vm12, v33;
	v58 =	vmpcnt.ones.xlane vm12;
	s31 =	spop (v2sf)  }
0x25d: {  	vm13 =	vne.s32 v34, $0x0;
	s19 =	sadd.s32 s31, s19  }
0x25e: {  	(xrf0) =	vadd.scan.msk.s32 vm13, v33;
	v59 =	vxor.u32 $0x80000000, v58;
	s19 =	sadd.s32 $0x80000000, s19  }
0x25f: {  	(xrf0) =	vmax.scan.msk.u32 $0xffff, v59;
	v60 =	vmov s19  }
0x260: {  	v61 =	vadd.s32 $0xFFFFFFFF, v60  }
0x261: {  	v34 =	vbroadcast v61, $0x0  }
0x262: {  	v62, _, _ =	vpop (xrf0)  }
0x263: {  	v63 =	vld [tilespmem:$0x180];
	s18 =	sadd.s32 s31, s18;
	v34 =	vadd.s32 v62, v34  }
0x264: {  	s18 =	sadd.s32 $0x7FFFFFF0, s18;
	v39, _, _ =	vpop (xrf0)  }
0x265: {  	v35 =	vsub.s32 s18, v39;
	v40, _, _ =	vpop (xrf0)  }
0x266: {  	(v2sf) =	vpush v40, $0xF;
	_ =	sdelay $0x1  }
0x267: {  	[tilespmem:v34+s17+$0x0] =	vst.idx.msk vm12, v63  }
0x268: {  	[tilespmem:v34+s12+$0x0] =	vst.idx.msk vm12, v24  }
0x269: {  	[tilespmem:v35+s12+$0x0] =	vst.idx.msk vm13, v24  }
0x26a: {  	v34 =	vld [tilespmem:$0x390];
	_ =	sdelay $0x4  }
0x26b: {  	vm14 =	veq.s32 v34, $0x0  }
0x26c: {  	v41 =	vmpcnt.ones.xlane vm14  }
0x26d: {  	vm15 =	vne.s32 v34, $0x0;
	(xrf0) =	vadd.scan.msk.s32 vm14, v33  }
0x26e: {  	(xrf0) =	vadd.scan.msk.s32 vm15, v33;
	v42 =	vxor.u32 $0x80000000, v41  }
0x26f: {  	(xrf0) =	vmax.scan.msk.u32 $0xffff, v42  }
0x270: {  	s21 =	spop (v2sf)  }
0x271: {  	s19 =	sadd.s32 s21, s19  }
0x272: {  	s19 =	sadd.s32 $0x80000000, s19  }
0x273: {  	v43, _, _ =	vpop (xrf0);
	v44 =	vmov s19  }
0x274: {  	v35 =	vadd.s32 $0xFFFFFFFF, v44;
	v45, _, _ =	vpop (xrf0)  }
0x275: {  	v35 =	vbroadcast v35, $0x0;
	v46, _, _ =	vpop (xrf0)  }
0x276: {  	(v2sf) =	vpush v46, $0xF  }
0x277: {  	v47 =	vld [tilespmem:$0x190];
	s18 =	sadd.s32 s21, s18;
	v34 =	vadd.s32 v43, v35  }
0x278: {  	s18 =	sadd.s32 $0x7FFFFFF0, s18  }
0x279: {  	v48 =	vsub.s32 s18, v45;
	_ =	sdelay $0x2  }
0x27a: {  	[tilespmem:v34+s17+$0x0] =	vst.idx.msk vm14, v47  }
0x27b: {  	[tilespmem:v34+s12+$0x0] =	vst.idx.msk vm14, v25  }
0x27c: {  	[tilespmem:v48+s12+$0x0] =	vst.idx.msk vm15, v25  }
0x27d: {  	v34 =	vld [tilespmem:$0x3A0];
	_ =	sdelay $0x4  }
0x27e: {  	vm4 =	veq.s32 v34, $0x0  }
0x27f: {  	(xrf0) =	vadd.scan.msk.s32 vm4, v33;
	v49 =	vmpcnt.ones.xlane vm4;
	s22 =	spop (v2sf)  }
0x280: {  	vm5 =	vne.s32 v34, $0x0;
	s19 =	sadd.s32 s22, s19  }
0x281: {  	(xrf0) =	vadd.scan.msk.s32 vm5, v33;
	v50 =	vxor.u32 $0x80000000, v49;
	s19 =	sadd.s32 $0x80000000, s19  }
0x282: {  	(xrf0) =	vmax.scan.msk.u32 $0xffff, v50;
	v51 =	vmov s19  }
0x283: {  	v52 =	vadd.s32 $0xFFFFFFFF, v51  }
0x284: {  	v34 =	vbroadcast v52, $0x0  }
0x285: {  	v53, _, _ =	vpop (xrf0)  }
0x286: {  	v54 =	vld [tilespmem:$0x1A0];
	s18 =	sadd.s32 s22, s18;
	v34 =	vadd.s32 v53, v34  }
0x287: {  	s18 =	sadd.s32 $0x7FFFFFF0, s18;
	v55, _, _ =	vpop (xrf0)  }
0x288: {  	v35 =	vsub.s32 s18, v55;
	v56, _, _ =	vpop (xrf0)  }
0x289: {  	(v2sf) =	vpush v56, $0xF;
	_ =	sdelay $0x1  }
0x28a: {  	[tilespmem:v34+s17+$0x0] =	vst.idx.msk vm4, v54  }
0x28b: {  	[tilespmem:v34+s12+$0x0] =	vst.idx.msk vm4, v26  }
0x28c: {  	[tilespmem:v35+s12+$0x0] =	vst.idx.msk vm5, v26  }
0x28d: {  	v34 =	vld [tilespmem:$0x3B0];
	_ =	sdelay $0x4  }
0x28e: {  	vm6 =	veq.s32 v34, $0x0  }
0x28f: {  	v57 =	vmpcnt.ones.xlane vm6  }
0x290: {  	vm7 =	vne.s32 v34, $0x0;
	(xrf0) =	vadd.scan.msk.s32 vm6, v33  }
0x291: {  	(xrf0) =	vadd.scan.msk.s32 vm7, v33;
	v58 =	vxor.u32 $0x80000000, v57  }
0x292: {  	(xrf0) =	vmax.scan.msk.u32 $0xffff, v58  }
0x293: {  	s23 =	spop (v2sf)  }
0x294: {  	s19 =	sadd.s32 s23, s19  }
0x295: {  	s19 =	sadd.s32 $0x80000000, s19  }
0x296: {  	v59, _, _ =	vpop (xrf0);
	v60 =	vmov s19  }
0x297: {  	v35 =	vadd.s32 $0xFFFFFFFF, v60;
	v61, _, _ =	vpop (xrf0)  }
0x298: {  	v35 =	vbroadcast v35, $0x0;
	v62, _, _ =	vpop (xrf0)  }
0x299: {  	(v2sf) =	vpush v62, $0xF  }
0x29a: {  	v63 =	vld [tilespmem:$0x1B0];
	s18 =	sadd.s32 s23, s18;
	v34 =	vadd.s32 v59, v35  }
0x29b: {  	s18 =	sadd.s32 $0x7FFFFFF0, s18  }
0x29c: {  	v36 =	vsub.s32 s18, v61;
	_ =	sdelay $0x2  }
0x29d: {  	[tilespmem:v34+s17+$0x0] =	vst.idx.msk vm6, v63  }
0x29e: {  	[tilespmem:v34+s12+$0x0] =	vst.idx.msk vm6, v27  }
0x29f: {  	[tilespmem:v36+s12+$0x0] =	vst.idx.msk vm7, v27  }
0x2a0: {  	v34 =	vld [tilespmem:$0x3C0];
	_ =	sdelay $0x4  }
0x2a1: {  	vm8 =	veq.s32 v34, $0x0  }
0x2a2: {  	(xrf0) =	vadd.scan.msk.s32 vm8, v33;
	v37 =	vmpcnt.ones.xlane vm8;
	s24 =	spop (v2sf)  }
0x2a3: {  	vm9 =	vne.s32 v34, $0x0;
	s19 =	sadd.s32 s24, s19  }
0x2a4: {  	(xrf0) =	vadd.scan.msk.s32 vm9, v33;
	v38 =	vxor.u32 $0x80000000, v37;
	s19 =	sadd.s32 $0x80000000, s19  }
0x2a5: {  	(xrf0) =	vmax.scan.msk.u32 $0xffff, v38;
	v39 =	vmov s19  }
0x2a6: {  	v40 =	vadd.s32 $0xFFFFFFFF, v39  }
0x2a7: {  	v34 =	vbroadcast v40, $0x0  }
0x2a8: {  	v41, _, _ =	vpop (xrf0)  }
0x2a9: {  	v42 =	vld [tilespmem:$0x1C0];
	s18 =	sadd.s32 s24, s18;
	v34 =	vadd.s32 v41, v34  }
0x2aa: {  	s18 =	sadd.s32 $0x7FFFFFF0, s18;
	v43, _, _ =	vpop (xrf0)  }
0x2ab: {  	v35 =	vsub.s32 s18, v43;
	v44, _, _ =	vpop (xrf0)  }
0x2ac: {  	(v2sf) =	vpush v44, $0xF;
	_ =	sdelay $0x1  }
0x2ad: {  	[tilespmem:v34+s17+$0x0] =	vst.idx.msk vm8, v42  }
0x2ae: {  	[tilespmem:v34+s12+$0x0] =	vst.idx.msk vm8, v28  }
0x2af: {  	[tilespmem:v35+s12+$0x0] =	vst.idx.msk vm9, v28  }
0x2b0: {  	v34 =	vld [tilespmem:$0x3D0];
	_ =	sdelay $0x4  }
0x2b1: {  	vm10 =	veq.s32 v34, $0x0  }
0x2b2: {  	v45 =	vmpcnt.ones.xlane vm10  }
0x2b3: {  	vm11 =	vne.s32 v34, $0x0;
	(xrf0) =	vadd.scan.msk.s32 vm10, v33  }
0x2b4: {  	(xrf0) =	vadd.scan.msk.s32 vm11, v33;
	v46 =	vxor.u32 $0x80000000, v45  }
0x2b5: {  	(xrf0) =	vmax.scan.msk.u32 $0xffff, v46  }
0x2b6: {  	s25 =	spop (v2sf)  }
0x2b7: {  	s19 =	sadd.s32 s25, s19  }
0x2b8: {  	s19 =	sadd.s32 $0x80000000, s19  }
0x2b9: {  	v47, _, _ =	vpop (xrf0);
	v48 =	vmov s19  }
0x2ba: {  	v35 =	vadd.s32 $0xFFFFFFFF, v48;
	v49, _, _ =	vpop (xrf0)  }
0x2bb: {  	v35 =	vbroadcast v35, $0x0;
	v50, _, _ =	vpop (xrf0)  }
0x2bc: {  	(v2sf) =	vpush v50, $0xF  }
0x2bd: {  	v51 =	vld [tilespmem:$0x1D0];
	s18 =	sadd.s32 s25, s18;
	v34 =	vadd.s32 v47, v35  }
0x2be: {  	s18 =	sadd.s32 $0x7FFFFFF0, s18  }
0x2bf: {  	v36 =	vsub.s32 s18, v49;
	_ =	sdelay $0x2  }
0x2c0: {  	[tilespmem:v34+s17+$0x0] =	vst.idx.msk vm10, v51  }
0x2c1: {  	[tilespmem:v34+s12+$0x0] =	vst.idx.msk vm10, v29  }
0x2c2: {  	[tilespmem:v36+s12+$0x0] =	vst.idx.msk vm11, v29  }
0x2c3: {  	v34 =	vld [tilespmem:$0x3E0];
	_ =	sdelay $0x4  }
0x2c4: {  	vm12 =	veq.s32 v34, $0x0  }
0x2c5: {  	(xrf0) =	vadd.scan.msk.s32 vm12, v33;
	s26 =	spop (v2sf)  }
0x2c6: {  	vm13 =	vne.s32 v34, $0x0;
	s19 =	sadd.s32 s26, s19  }
0x2c7: {  	(xrf0) =	vadd.scan.msk.s32 vm13, v33;
	s19 =	sadd.s32 $0x80000000, s19  }
0x2c8: {  	v52 =	vmov s19  }
0x2c9: {  	v34 =	vadd.s32 $0xFFFFFFFF, v52  }
0x2ca: {  	v34 =	vbroadcast v34, $0x0  }
0x2cb: {  	v53, _, _ =	vpop (xrf0)  }
0x2cc: {  	v36 =	vld [tilespmem:$0x1E0];
	s18 =	sadd.s32 s26, s18;
	v34 =	vadd.s32 v53, v34  }
0x2cd: {  	s18 =	sadd.s32 $0x7FFFFFF0, s18;
	v54, _, _ =	vpop (xrf0)  }
0x2ce: {  	v35 =	vsub.s32 s18, v54;
	_ =	sdelay $0x2  }
0x2cf: {  	[tilespmem:v34+s17+$0x0] =	vst.idx.msk vm12, v36  }
0x2d0: {  	[tilespmem:v34+s12+$0x0] =	vst.idx.msk vm12, v30  }
0x2d1: {  	[tilespmem:v35+s12+$0x0] =	vst.idx.msk vm13, v30  }
0x2d2: {  	v34 =	vld [tilespmem:$0x3F0];
	_ =	sdelay $0x2  }
0x2d3: {  	v55 =	vmpcnt.ones.xlane vm12;
	_ =	sdelay $0x1  }
0x2d4: {  	v35 =	vxor.u32 $0x80000000, v55;
	vm14 =	veq.s32 v34, $0x0  }
0x2d5: {  	(xrf0) =	vmax.scan.msk.u32 $0xffff, v35;
	v56 =	vmpcnt.ones.xlane vm14  }
0x2d6: {  	vm15 =	vne.s32 v34, $0x0;
	(xrf0) =	vadd.scan.msk.s32 vm14, v33  }
0x2d7: {  	(xrf0) =	vadd.scan.msk.s32 vm15, v33;
	v57 =	vxor.u32 $0x80000000, v56  }
0x2d8: {  	(xrf0) =	vmax.scan.msk.u32 $0xffff, v57;
	_ =	sdelay $0x2  }
0x2d9: {  	v58, _, _ =	vpop (xrf0)  }
0x2da: {  	v59, _, _ =	vpop (xrf0)  }
0x2db: {  	(v2sf) =	vpush v58, $0xF;
	v60, _, _ =	vpop (xrf0)  }
0x2dc: {  	v61, _, _ =	vpop (xrf0)  }
0x2dd: {  	(v2sf) =	vpush v61, $0xF;
	_ =	sdelay $0xc  }
0x2de: {  	s28 =	spop (v2sf)  }
0x2df: {  	s19 =	sadd.s32 s28, s19  }
0x2e0: {  	s19 =	sadd.s32 $0x80000000, s19;
	s21 =	spop (v2sf)  }
0x2e1: {  	v62 =	vmov s19;
	s19 =	sadd.s32 s21, s19  }
0x2e2: {  	s19 =	sadd.s32 $0x8000000F, s19  }
0x2e3: {  	s18 =	sadd.s32 s28, s18;
	s29 =	sand.u32 $0xF, s19  }
0x2e4: {  	v36 =	vadd.s32 $0xFFFFFFFF, v62;
	s30 =	sshra.s32 s19, $0x1F;
	p1 =	slt.s32 s19, $0x1;
	p0 =	sne.s32 s29, $0x0  }
0x2e5: {  	s18 =	sadd.s32 $0x7FFFFFF0, s18;
	v36 =	vbroadcast v36, $0x0;
	s31 =	sshrl.u32 s30, $0x1C;
	p0 =	por !p1, !p0  }
0x2e6: {  	v35 =	vsub.s32 s18, v60;
	s18 =	sadd.s32 s31, s19;
	s19 =	simm.s32 $0x1;
	p0 =	por !p0, !p0  }
0x2e7: {  	v63 =	vld [tilespmem:$0x1F0];
	v34 =	vadd.s32 v59, v36;
	s18 =	sshra.s32 s18, $0x4;
	s19 =	simm.s32 @!p0 $0x0  }
0x2e8: {  	s18 =	ssub.s32 s18, s19  }
0x2e9: {  	p0 =	sgt.s32 s18, $0x0  }
.Ltmp2:
0x2ea: {  	_ = 	snop;
	(pc) =	sbr.rel @!p0 .LBB2_5-.Ltmp2, $4  }
0x2eb: {  	_ = 	snop  }
0x2ec: {  	[tilespmem:v34+s17+$0x0] =	vst.idx.msk vm14, v63  }
0x2ed: {  	[tilespmem:v34+s12+$0x0] =	vst.idx.msk vm14, v31  }
0x2ee: {  	s20 =	simm.s32 $0x1000;
	[tilespmem:v35+s12+$0x0] =	vst.idx.msk vm15, v31;
	s19 =	sshll.u32 s18, $0x1  }
0x2ef: {  	p1 =	seq.s32 s19, $0x1  }
.Ltmp3:
0x2f0: {  	_ = 	snop;
	(pc) =	sbr.rel @p1 .LBB2_4-.Ltmp3, $3  }
0x2f1: {  	_ =	sdelay $0x1  }
0x2f2: {  	[tilespmem:s20], [sflag:$0x1] =	stream.indirect.gather [hbm4b:s0+s13], $0x80, s17, s13, $0xb8;
	[tilespmem:$0x11000] =	vst v63  }
0x2f3: {  	s21 =	sadd.s32 $0xFFFFFFFF, s19  }
.LBB2_3:
0x2f4: {  	p1 =	seq.s32 s21, $0x1  }
.Ltmp4:
0x2f5: {  	_ = 	snop;
	(pc) =	sbr.rel @!p1 .LBB2_3-.Ltmp4, $4  }
0x2f6: {  	_ = 	snop  }
0x2f7: {  	s17 =	sadd.s32 $0x8, s17;
	s20 =	sadd.s32 $0x400, s20  }
0x2f8: {  	s21 =	sadd.s32 $0xFFFFFFFF, s21  }
0x2f9: {  	[tilespmem:s20], [sflag:$0x1] =	stream.indirect.gather [hbm4b:s0+s13], $0x80, s17, s13, $0xb8;
	[tilespmem:$0x11000] =	vst v63  }
.LBB2_4:
0x2fa: {  	p2 =	sgt.u32 s18, $0x1F  }
.Ltmp5:
0x2fb: {  	_ = 	snop;
	(pc) =	sbr.rel @p2 .LBB2_8-.Ltmp5, $2  }
0x2fc: {  	_ =	sdelay $0x2  }
0x2fd: {  	p1 =	por $0x0, $0x0  }
.LBB2_5:
0x2fe: {  	s17 =	sshll.u32 s18, $0x6  }
0x2ff: {  	s20 =	sshra.s32 s17, $0x2  }
0x300: {  	s17 =	ssub.s32 $0x20, s18;
	s20 =	sadd.s32 $0x600, s20  }
.LBB2_6:
0x301: {  	p1 =	sne.s32 s17, $0x1  }
.Ltmp6:
0x302: {  	_ = 	snop;
	(pc) =	sbr.rel @p1 .LBB2_6-.Ltmp6, $3  }
0x303: {  	_ =	sdelay $0x1  }
0x304: {  	[hbm4b:s3+s14] =	stream.indirect.scatter [tilespmem:s10], [sflag:$0x2], $0x80, s20, s14, $0xb8;
	[tilespmem:$0x11000] =	vst v63  }
0x305: {  	s20 =	sadd.s32 $0x10, s20;
	s17 =	sadd.s32 $0xFFFFFFFF, s17  }
0x306: {  	p1 =	por $0x1, $0x1  }
.LBB2_8:
0x307: {  	s17 =	sand.u32 $0x1, s18  }
0x308: {  	p2 =	slt.s32 s18, $0x1;
	p3 =	seq.s32 s17, $0x1  }
0x309: {  	s31 =	sshrl.u32 s18, $0x1F;
	p3 =	por !p2, !p3  }
0x30a: {  	s20 =	simm.s32 $0x1;
	s17 =	sadd.s32 s31, s18;
	p3 =	por !p3, !p3  }
0x30b: {  	s17 =	sshra.s32 s17, $0x1;
	s20 =	simm.s32 @!p3 $0x0  }
0x30c: {  	s17 =	ssub.s32 s17, s20  }
0x30d: {  	p3 =	slt.s32 s17, $0x1  }
.Ltmp7:
0x30e: {  	_ = 	snop;
	(pc) =	sbr.rel @p3 .LBB2_12-.Ltmp7, $2  }
0x30f: {  	_ =	sdelay $0x2  }
0x310: {  	s20 =	smov.u32 s17  }
.LBB2_9:
0x311: {  	p3 =	seq.s32 s20, $0x1  }
.Ltmp8:
0x312: {  	_ = 	snop;
	(pc) =	sbr.rel @!p3 .LBB2_9-.Ltmp8, $4  }
0x313: {  	_ = 	snop  }
0x314: {  	_ =	swait.ge [sflag:s11], $0x400  }
0x315: {  	[sflag:s11] =	ssyncset.done $0x0  }
0x316: {  	s20 =	sadd.s32 $0xFFFFFFFF, s20;
	[sflag:s11] =	ssyncadd.s32 $0xFFFFFC00  }
0x317: {  	p3 =	seq.s32 s17, $0x1  }
.Ltmp9:
0x318: {  	_ = 	snop;
	(pc) =	sbr.rel @p3 .LBB2_12-.Ltmp9, $3  }
0x319: {  	_ =	sdelay $0x1  }
0x31a: {  	s20 =	simm.s32 $0x600;
	s21 =	simm.s32 $0x1000;
	s22 =	sadd.s32 $0xFFFFFFFF, s17  }
0x31b: {  	[hbm4b:s3+s13] =	stream.indirect.scatter [tilespmem:s21], [sflag:$0x2], $0x80, s20, s13, $0xb8;
	[tilespmem:$0x11000] =	vst v63  }
.LBB2_11:
0x31c: {  	p3 =	seq.s32 s22, $0x1  }
.Ltmp10:
0x31d: {  	_ = 	snop;
	(pc) =	sbr.rel @!p3 .LBB2_11-.Ltmp10, $4  }
0x31e: {  	_ = 	snop  }
0x31f: {  	s20 =	sadd.s32 $0x8, s20;
	s21 =	sadd.s32 $0x400, s21  }
0x320: {  	s22 =	sadd.s32 $0xFFFFFFFF, s22  }
0x321: {  	[hbm4b:s3+s13] =	stream.indirect.scatter [tilespmem:s21], [sflag:$0x2], $0x80, s20, s13, $0xb8;
	[tilespmem:$0x11000] =	vst v63  }
.LBB2_12:
0x322: {  	p3 =	slt.s32 s17, s18  }
.Ltmp11:
0x323: {  	_ = 	snop;
	(pc) =	sbr.rel @!p3 .LBB2_17-.Ltmp11, $1  }
0x324: {  	_ =	sdelay $0x3  }
0x325: {  	s20 =	sadd.s32 $0x1, s17  }
0x326: {  	p3 =	slt.s32 s20, s18  }
.Ltmp12:
0x327: {  	_ = 	snop;
	(pc) =	sbr.rel @!p3 .LBB2_15-.Ltmp12, $3  }
0x328: {  	_ =	sdelay $0x1  }
0x329: {  	_ =	swait.ge [sflag:s11], $0x400  }
0x32a: {  	[sflag:s11] =	ssyncset.done $0x0  }
.LBB2_14:
0x32b: {  	s20 =	sadd.s32 $0x1, s20  }
0x32c: {  	[sflag:s11] =	ssyncadd.s32 $0xFFFFFC00;
	p3 =	slt.s32 s20, s18  }
.Ltmp13:
0x32d: {  	(pc) =	sbr.rel @p3 .LBB2_14-.Ltmp13, $3  }
0x32e: {  	_ =	sdelay $0x1  }
0x32f: {  	_ =	swait.ge [sflag:s11], $0x400  }
0x330: {  	[sflag:s11] =	ssyncset.done $0x0  }
.LBB2_15:
0x331: {  	s20 =	sshll.u32 s17, $0x5;
	s21 =	sshll.u32 s17, $0xC;
	s17 =	sadd.s32 $0x1, s17  }
0x332: {  	p3 =	slt.s32 s17, s18  }
.Ltmp14:
0x333: {  	_ = 	snop;
	(pc) =	sbr.rel @!p3 .LBB2_17-.Ltmp14, $4  }
0x334: {  	_ = 	snop  }
0x335: {  	s20 =	sshra.s32 s20, $0x2;
	s21 =	sshra.s32 s21, $0x2  }
0x336: {  	[sflag:s11] =	ssyncadd.s32 $0xFFFFFC00;
	s20 =	sadd.s32 $0x600, s20;
	s21 =	sadd.s32 $0x1000, s21  }
0x337: {  	[hbm4b:s3+s13] =	stream.indirect.scatter [tilespmem:s21], [sflag:$0x2], $0x80, s20, s13, $0xb8;
	[tilespmem:$0x11000] =	vst v63  }
.LBB2_16:
0x338: {  	s17 =	sadd.s32 $0x1, s17  }
0x339: {  	p3 =	slt.s32 s17, s18  }
.Ltmp15:
0x33a: {  	_ = 	snop;
	(pc) =	sbr.rel @p3 .LBB2_16-.Ltmp15, $3  }
0x33b: {  	_ = 	snop  }
0x33c: {  	s20 =	sadd.s32 $0x8, s20;
	s21 =	sadd.s32 $0x400, s21;
	_ =	sdelay $0x1  }
0x33d: {  	[hbm4b:s3+s13] =	stream.indirect.scatter [tilespmem:s21], [sflag:$0x2], $0x80, s20, s13, $0xb8;
	[tilespmem:$0x11000] =	vst v63  }
.LBB2_17:
0x33e: {  	s17 =	smul.u32 $0x6, s18;
	_ =	sdelay $0x1  }
0x33f: {  	s20 =	sshrl.u32 s17, $0x1  }
0x340: {  	s20 =	sand.u32 $0x1, s20  }
0x341: {  	s21 =	sshra.s32 s17, $0x1F;
	p3 =	seq.s32 s20, $0x1  }
0x342: {  	s31 =	sshrl.u32 s21, $0x1E;
	p2 =	por !p2, !p3  }
0x343: {  	s17 =	sadd.s32 s31, s17;
	s20 =	simm.s32 $0x1;
	p2 =	por !p2, !p2  }
0x344: {  	s17 =	sshra.s32 s17, $0x2;
	s20 =	simm.s32 @!p2 $0x0  }
0x345: {  	s17 =	ssub.s32 s17, s20  }
0x346: {  	p2 =	sge.s32 s18, s17  }
.Ltmp16:
0x347: {  	_ = 	snop;
	(pc) =	sbr.rel @p2 .LBB2_22-.Ltmp16, $1  }
0x348: {  	_ =	sdelay $0x3  }
0x349: {  	s20 =	sadd.s32 $0x1, s18  }
0x34a: {  	p2 =	slt.s32 s20, s17  }
.Ltmp17:
0x34b: {  	_ = 	snop;
	(pc) =	sbr.rel @!p2 .LBB2_20-.Ltmp17, $3  }
0x34c: {  	_ =	sdelay $0x1  }
0x34d: {  	_ =	swait.ge [sflag:s11], $0x400  }
0x34e: {  	[sflag:s11] =	ssyncset.done $0x0  }
.LBB2_19:
0x34f: {  	s20 =	sadd.s32 $0x1, s20  }
0x350: {  	[sflag:s11] =	ssyncadd.s32 $0xFFFFFC00;
	p2 =	slt.s32 s20, s17  }
.Ltmp18:
0x351: {  	(pc) =	sbr.rel @p2 .LBB2_19-.Ltmp18, $3  }
0x352: {  	_ =	sdelay $0x1  }
0x353: {  	_ =	swait.ge [sflag:s11], $0x400  }
0x354: {  	[sflag:s11] =	ssyncset.done $0x0  }
.LBB2_20:
0x355: {  	s22 =	sadd.s32 $0x1, s18  }
0x356: {  	p2 =	slt.s32 s22, s17  }
.Ltmp19:
0x357: {  	_ = 	snop;
	(pc) =	sbr.rel @!p2 .LBB2_22-.Ltmp19, $4  }
0x358: {  	s20 =	sshll.u32 s18, $0x5;
	s21 =	sshll.u32 s18, $0xC  }
0x359: {  	s20 =	sshra.s32 s20, $0x2;
	s21 =	sshra.s32 s21, $0x2  }
0x35a: {  	[sflag:s11] =	ssyncadd.s32 $0xFFFFFC00;
	s20 =	sadd.s32 $0x600, s20;
	s21 =	sadd.s32 $0x1000, s21  }
0x35b: {  	[hbm4b:s3+s13] =	stream.indirect.scatter [tilespmem:s21], [sflag:$0x2], $0x80, s20, s13, $0xb8;
	[tilespmem:$0x11000] =	vst v63  }
.LBB2_21:
0x35c: {  	s22 =	sadd.s32 $0x1, s22  }
0x35d: {  	p2 =	slt.s32 s22, s17  }
.Ltmp20:
0x35e: {  	_ = 	snop;
	(pc) =	sbr.rel @p2 .LBB2_21-.Ltmp20, $3  }
0x35f: {  	_ = 	snop  }
0x360: {  	s20 =	sadd.s32 $0x8, s20;
	s21 =	sadd.s32 $0x400, s21;
	_ =	sdelay $0x1  }
0x361: {  	[hbm4b:s3+s13] =	stream.indirect.scatter [tilespmem:s21], [sflag:$0x2], $0x80, s20, s13, $0xb8;
	[tilespmem:$0x11000] =	vst v63  }
.LBB2_22:
0x362: {  	p2 =	slt.s32 s17, s19  }
.Ltmp21:
0x363: {  	_ = 	snop;
	(pc) =	sbr.rel @!p2 .LBB2_27-.Ltmp21, $1  }
0x364: {  	_ =	sdelay $0x3  }
0x365: {  	s20 =	sadd.s32 $0x1, s17  }
0x366: {  	p2 =	slt.s32 s20, s19  }
.Ltmp22:
0x367: {  	_ = 	snop;
	(pc) =	sbr.rel @!p2 .LBB2_25-.Ltmp22, $3  }
0x368: {  	_ =	sdelay $0x1  }
0x369: {  	_ =	swait.ge [sflag:s11], $0x400  }
0x36a: {  	[sflag:s11] =	ssyncset.done $0x0  }
.LBB2_24:
0x36b: {  	s20 =	sadd.s32 $0x1, s20  }
0x36c: {  	[sflag:s11] =	ssyncadd.s32 $0xFFFFFC00;
	p2 =	slt.s32 s20, s19  }
.Ltmp23:
0x36d: {  	(pc) =	sbr.rel @p2 .LBB2_24-.Ltmp23, $3  }
0x36e: {  	_ =	sdelay $0x1  }
0x36f: {  	_ =	swait.ge [sflag:s11], $0x400  }
0x370: {  	[sflag:s11] =	ssyncset.done $0x0  }
.LBB2_25:
0x371: {  	s20 =	sshll.u32 s17, $0x5;
	s21 =	sshll.u32 s17, $0xC;
	s17 =	sadd.s32 $0x1, s17  }
0x372: {  	p2 =	slt.s32 s17, s19  }
.Ltmp24:
0x373: {  	_ = 	snop;
	(pc) =	sbr.rel @!p2 .LBB2_27-.Ltmp24, $4  }
0x374: {  	_ = 	snop  }
0x375: {  	s20 =	sshra.s32 s20, $0x2;
	s21 =	sshra.s32 s21, $0x2  }
0x376: {  	[sflag:s11] =	ssyncadd.s32 $0xFFFFFC00;
	s20 =	sadd.s32 $0x600, s20;
	s21 =	sadd.s32 $0x1000, s21  }
0x377: {  	[hbm4b:s3+s13] =	stream.indirect.scatter [tilespmem:s21], [sflag:$0x2], $0x80, s20, s13, $0xb8;
	[tilespmem:$0x11000] =	vst v63  }
.LBB2_26:
0x378: {  	s17 =	sadd.s32 $0x1, s17  }
0x379: {  	p2 =	slt.s32 s17, s19  }
.Ltmp25:
0x37a: {  	_ = 	snop;
	(pc) =	sbr.rel @p2 .LBB2_26-.Ltmp25, $3  }
0x37b: {  	_ = 	snop  }
0x37c: {  	s20 =	sadd.s32 $0x8, s20;
	s21 =	sadd.s32 $0x400, s21;
	_ =	sdelay $0x1  }
0x37d: {  	[hbm4b:s3+s13] =	stream.indirect.scatter [tilespmem:s21], [sflag:$0x2], $0x80, s20, s13, $0xb8;
	[tilespmem:$0x11000] =	vst v63  }
.LBB2_27:
.Ltmp26:
0x37e: {  	(pc) =	sbr.rel @!p0 .LBB2_28-.Ltmp26, $1  }
0x37f: {  	_ =	sdelay $0x3  }
0x380: {  	p0 =	seq.s32 s19, $0x1  }
.Ltmp27:
0x381: {  	_ = 	snop;
	(pc) =	sbr.rel @p0 .LBB2_36-.Ltmp27, $3  }
0x382: {  	_ =	sdelay $0x1  }
0x383: {  	_ =	swait.ge [sflag:s15], $0x400  }
0x384: {  	s17 =	sadd.s32 $0xFFFFFFFF, s19;
	[sflag:s15] =	ssyncset.done $0x0  }
.LBB2_35:
0x385: {  	p0 =	seq.s32 s17, $0x1;
	s17 =	sadd.s32 $0xFFFFFFFF, s17;
	[sflag:s15] =	ssyncadd.s32 $0xFFFFFC00  }
.Ltmp28:
0x386: {  	(pc) =	sbr.rel @!p0 .LBB2_35-.Ltmp28, $3  }
0x387: {  	_ =	sdelay $0x1  }
0x388: {  	_ =	swait.ge [sflag:s15], $0x400  }
0x389: {  	[sflag:s15] =	ssyncset.done $0x0  }
.LBB2_36:
0x38a: {  	[sflag:s15] =	ssyncadd.s32 $0xFFFFFC00  }
.LBB2_28:
.Ltmp29:
0x38b: {  	(pc) =	sbr.rel @!p1 .LBB2_32-.Ltmp29, $1  }
0x38c: {  	_ =	sdelay $0x3  }
0x38d: {  	s17 =	ssub.s32 $0x20, s18  }
0x38e: {  	p0 =	sne.s32 s17, $0x1  }
.Ltmp30:
0x38f: {  	_ = 	snop;
	(pc) =	sbr.rel @!p0 .LBB2_31-.Ltmp30, $3  }
0x390: {  	_ =	sdelay $0x1  }
0x391: {  	_ =	swait.ge [sflag:s15], $0x800  }
0x392: {  	s17 =	sadd.s32 $0xFFFFFFFF, s17;
	[sflag:s15] =	ssyncset.done $0x0  }
.LBB2_30:
0x393: {  	p0 =	sne.s32 s17, $0x1;
	s17 =	sadd.s32 $0xFFFFFFFF, s17;
	[sflag:s15] =	ssyncadd.s32 $0xFFFFF800  }
.Ltmp31:
0x394: {  	(pc) =	sbr.rel @p0 .LBB2_30-.Ltmp31, $3  }
0x395: {  	_ =	sdelay $0x1  }
0x396: {  	_ =	swait.ge [sflag:s15], $0x800  }
0x397: {  	[sflag:s15] =	ssyncset.done $0x0  }
.Ltmp32:
0x398: {  	_ = 	snop;
	(pc) =	sbr.rel .LBB2_31-.Ltmp32, $1  }
0x399: {  	_ =	sdelay $0x3  }
.LBB2_33:
0x39a: {  	_ =	sfence.sel $0x180000  }
0x39b: {  	[bflag:$0x0] =	sbarrier.arrive $0xFFFF  }
0x39c: {  	p0 =	sne.s32 s2, $0x0;
	_ =	strace $0x90000047  }
0x39d: {  	s0 =	sadd.s32 @!p0 $0x100000, s1;
	[bflag:$0x2] =	sbarrier.arrive $0xFFFF  }
0x39e: {  	[sflag:s0] =	ssyncadd.tile.s32 @!p0 $0x1;
	_ =	shalt  }
.Lfunc_end2:
_tile_overlayer_lowered:
.L_overlay_start_2:
0x39f: {  	(tag) =	ssettag $0x2  }
0x3a0: {  	s0 =	rddreg [dreg:$0x0];
	s2 =	stileid.u32  }
0x3a1: {  	s1 =	rddreg [dreg:$0x1];
	p0 =	sne.s32 s2, $0x0  }
0x3a2: {  	s3 =	rddreg [dreg:$0x2];
	[bflag:$0x3] =	sbarrier.arrive $0xFFFF;
	s2 =	simm.s32 @!p0 $0x1C03  }
0x3a3: {  	[timem:s3], [sflag:s2] =	dma.local @!p0 [hbm:s0], s1  }
0x3a4: {  	s0 =	simm.s32 @!p0 $0x3  }
0x3a5: {  	_ =	swait.ge @!p0 [sflag:s0], s1  }
0x3a6: {  	s1 =	ssub.s32 @!p0 $0x0, s1;
	[sflag:s0] =	ssyncset.done @!p0 $0x0  }
0x3a7: {  	[sflag:s0] =	ssyncadd.s32 @!p0 s1  }
0x3a8: {  	[bflag:$0x3] =	sbarrier.arrive $0xFFFF  }
0x3a9: {  	_ =	shalt  }

</sc_bundles>
